<compile_context>
chip_gen: v7x
topology: tpu7x:2x2x1
jax: 0.10.2.dev20260603
libtpu: 0.0.44.dev20260713+nightly
codegen_flags: <defaults>
</compile_context>

<pallas_src>
import functools

import jax
import jax.numpy as jnp
from jax import lax
from jax.experimental import pallas as pl
from jax.experimental.pallas import tpu as pltpu
from jax.experimental.pallas import tpu_sc as plsc

N = 10000
E = 320000
D_IN = 128
D_H = 128
D_OUT = 40

NC = 2
NS = 16
LANES = 16

N_PAD = 10240
STRIPE = N_PAD // NS
E_PAD = 327680
EPS = E_PAD // NS
ZR = 32


def _spmm_kernel(hh):
  k = 512 if hh == 64 else 1024
  nchunk = EPS // k
  mesh = plsc.VectorSubcoreMesh(core_axis_name="c", subcore_axis_name="s",
                                num_cores=NC, num_subcores=NS)

  @functools.partial(
      pl.kernel,
      mesh=mesh,
      out_type=jax.ShapeDtypeStruct((NC, N_PAD, hh), jnp.float32),
      scratch_types=[
          pltpu.VMEM_SHARED((N_PAD, hh), jnp.float32),
          pltpu.VMEM((EPS,), jnp.int32),
          pltpu.VMEM((k,), jnp.int32),
          pltpu.VMEM((k,), jnp.int32),
          pltpu.VMEM((k, hh), jnp.float32),
          pltpu.VMEM((k, hh), jnp.float32),
          pltpu.VMEM((ZR, hh), jnp.float32),
          pltpu.SemaphoreType.DMA,
          pltpu.SemaphoreType.DMA,
          pltpu.SemaphoreType.DMA,
          pltpu.SemaphoreType.DMA,
      ],
      compiler_params=pltpu.CompilerParams(use_tc_tiling_on_sc=False),
  )
  def spmm(y_hbm, idx_hbm, out_hbm, sh_agg, srcall, dst0, dst1, rows0, rows1,
           zbuf, gsem0, gsem1, dsem0, dsem1):
    c = lax.axis_index("c")
    s = lax.axis_index("s")

    zv = jnp.zeros((LANES,), jnp.float32)
    per_row = hh // LANES

    @pl.loop(0, ZR * per_row)
    def _(i):
      r = i // per_row
      col = (i % per_row) * LANES
      zbuf[r, pl.ds(col, LANES)] = zv

    @pl.loop(0, STRIPE // ZR)
    def _(t):
      pltpu.sync_copy(zbuf, sh_agg.at[pl.ds(s * STRIPE + t * ZR, ZR)])

    pltpu.sync_copy(idx_hbm.at[0, pl.ds(s * EPS, EPS)], srcall)
    plsc.subcore_barrier()

    def gather(t, rows, sem):
      return pltpu.async_copy(
          y_hbm.at[c].at[srcall.at[pl.ds(t * k, k)]], rows, sem)

    def dst_load(t, buf, sem):
      return pltpu.async_copy(
          idx_hbm.at[1, pl.ds(s * EPS + t * k, k)], buf, sem)

    def scatter(rows, buf):
      pass

    dst_load(0, dst0, dsem0)
    gather(0, rows0, gsem0)
    dst_load(1, dst1, dsem1)

    @pl.loop(0, nchunk // 2)
    def _(u):
      t = u * 2
      g1 = gather(t + 1, rows1, gsem1)
      pltpu.make_async_copy(
          y_hbm.at[c].at[srcall.at[pl.ds(t * k, k)]], rows0, gsem0).wait()
      pltpu.make_async_copy(
          idx_hbm.at[1, pl.ds(s * EPS + t * k, k)], dst0, dsem0).wait()
      scatter(rows0, dst0)

      @pl.when(t + 2 < nchunk)
      def _():
        dst_load(t + 2, dst0, dsem0)
        gather(t + 2, rows0, gsem0)

      g1.wait()
      pltpu.make_async_copy(
          idx_hbm.at[1, pl.ds(s * EPS + (t + 1) * k, k)], dst1, dsem1).wait()
      scatter(rows1, dst1)

      @pl.when(t + 3 < nchunk)
      def _():
        dst_load(t + 3, dst1, dsem1)

    plsc.subcore_barrier()
    pltpu.sync_copy(sh_agg.at[pl.ds(s * STRIPE, STRIPE)],
                    out_hbm.at[c, pl.ds(s * STRIPE, STRIPE)])

  return spmm


def _bincount_kernel():
  mesh = plsc.VectorSubcoreMesh(core_axis_name="c", subcore_axis_name="s",
                                num_cores=NC, num_subcores=NS)

  @functools.partial(
      pl.kernel,
      mesh=mesh,
      out_type=jax.ShapeDtypeStruct((NC * NS * N_PAD,), jnp.int32),
      scratch_types=[
          pltpu.VMEM((N_PAD,), jnp.int32),
          pltpu.VMEM((EPS,), jnp.int32),
      ],
      compiler_params=pltpu.CompilerParams(use_tc_tiling_on_sc=False,
                                           needs_layout_passes=False),
  )
  def bincount(idx_hbm, out_hbm, cnt_v, idx_v):
    c = lax.axis_index("c")
    s = lax.axis_index("s")
    zv = jnp.zeros((LANES,), jnp.int32)

    @pl.loop(0, N_PAD // LANES)
    def _(i):
      cnt_v[pl.ds(i * LANES, LANES)] = zv

    pltpu.sync_copy(idx_hbm.at[c, pl.ds(s * EPS, EPS)], idx_v)
    ones = jnp.ones((LANES,), jnp.int32)

    @pl.loop(0, EPS // LANES)
    def _(i):
      v = idx_v[pl.ds(i * LANES, LANES)]
      plsc.addupdate_scatter(cnt_v, [v], ones)

    pltpu.sync_copy(cnt_v, out_hbm.at[pl.ds((c * NS + s) * N_PAD, N_PAD)])

  return bincount



ROWB = 256
GRID = N_PAD // ROWB


def _norm_body(deg_ref, norm_ref):
  d = jnp.sum(deg_ref[...], axis=1).astype(jnp.float32)
  norm_ref[...] = jnp.where(d > 0.0, lax.rsqrt(jnp.maximum(d, 1.0)), 0.0)


def _norms(deg_partials):
  return pl.pallas_call(
      _norm_body,
      out_shape=jax.ShapeDtypeStruct(
          (NC, N_PAD // 128, 128), jnp.float32),
  )(deg_partials)


def _mm_first_body(x_ref, onorm_ref, w_ref, o_ref):
  y = jnp.dot((x_ref[...] * onorm_ref[...]), w_ref[...],
              preferred_element_type=jnp.float32,
              precision=lax.Precision.HIGHEST)
  h = y.shape[-1] // 2
  o_ref[0] = y[:, :h]
  o_ref[1] = y[:, h:]


def _mm_first(x, onorm, w):
  dh = w.shape[1]
  return pl.pallas_call(
      _mm_first_body,
      grid=(GRID,),
      in_specs=[
          pl.BlockSpec((ROWB, D_IN), lambda i: (i, 0)),
          pl.BlockSpec((ROWB, 1), lambda i: (i, 0)),
          pl.BlockSpec((D_IN, dh), lambda i: (0, 0)),
      ],
      out_specs=pl.BlockSpec((NC, ROWB, dh // 2), lambda i: (0, i, 0)),
      out_shape=jax.ShapeDtypeStruct((NC, N_PAD, dh // 2), jnp.float32),
  )(x, onorm, w)


def _mm_mid_body(a_ref, inorm_ref, onorm_ref, b_ref, w_ref, o_ref):
  a = jnp.concatenate([a_ref[0], a_ref[1]], axis=1)
  h = jnp.maximum(a * inorm_ref[...] + b_ref[...], 0.0)
  y = jnp.dot(h * onorm_ref[...], w_ref[...],
              preferred_element_type=jnp.float32,
              precision=lax.Precision.HIGHEST)
  hh = y.shape[-1] // 2
  o_ref[0] = y[:, :hh]
  o_ref[1] = y[:, hh:]


def _mm_mid(agg, inorm, onorm, b, w):
  dh = w.shape[1]
  return pl.pallas_call(
      _mm_mid_body,
      grid=(GRID,),
      in_specs=[
          pl.BlockSpec((NC, ROWB, D_H // 2), lambda i: (0, i, 0)),
          pl.BlockSpec((ROWB, 1), lambda i: (i, 0)),
          pl.BlockSpec((ROWB, 1), lambda i: (i, 0)),
          pl.BlockSpec((1, D_H), lambda i: (0, 0)),
          pl.BlockSpec((D_H, dh), lambda i: (0, 0)),
      ],
      out_specs=pl.BlockSpec((NC, ROWB, dh // 2), lambda i: (0, i, 0)),
      out_shape=jax.ShapeDtypeStruct((NC, N_PAD, dh // 2), jnp.float32),
  )(agg, inorm, onorm, b, w)


def _final_body(a_ref, inorm_ref, b_ref, o_ref):
  a = jnp.concatenate([a_ref[0], a_ref[1]], axis=1)
  o_ref[...] = a * inorm_ref[...] + b_ref[...]


def _final(agg, inorm, b_pad, dh):
  return pl.pallas_call(
      _final_body,
      grid=(GRID,),
      in_specs=[
          pl.BlockSpec((NC, ROWB, dh // 2), lambda i: (0, i, 0)),
          pl.BlockSpec((ROWB, 1), lambda i: (i, 0)),
          pl.BlockSpec((1, dh), lambda i: (0, 0)),
      ],
      out_specs=pl.BlockSpec((ROWB, dh), lambda i: (i, 0)),
      out_shape=jax.ShapeDtypeStruct((N_PAD, dh), jnp.float32),
  )(agg, inorm, b_pad)


def kernel(features, edge_index, W1, b1, W2, b2, W3, b3):
  x = jnp.pad(features, ((0, N_PAD - N), (0, 0)))
  pad_e = jnp.full((2, E_PAD - E), N_PAD - 1, dtype=jnp.int32)
  idx = jnp.concatenate([edge_index, pad_e], axis=1)
  w3p = jnp.pad(W3, ((0, 0), (0, 64 - D_OUT)))
  b3p = jnp.pad(b3, (0, 64 - D_OUT)).reshape(1, 64)

  deg = _bincount_kernel()(idx).reshape(NC, NS, N_PAD // 128, 128)
  norms = _norms(deg)
  onorm = norms[0].reshape(N_PAD, 1)
  inorm = norms[1].reshape(N_PAD, 1)

  spmm128 = _spmm_kernel(D_H // 2)
  spmm64 = _spmm_kernel(32)

  y1 = _mm_first(x, onorm, W1)
  a1 = spmm128(y1, idx)
  y2 = _mm_mid(a1, inorm, onorm, b1.reshape(1, D_H), W2)
  a2 = spmm128(y2, idx)
  y3 = _mm_mid(a2, inorm, onorm, b2.reshape(1, D_H), w3p)
  a3 = spmm64(y3, idx)
  out = _final(a3, inorm, b3p, 64)
  return out[:N, :D_OUT]

# --- scband reference (transcript-rebuilt; emitter-appended) ---
"""Pipeline reference for scband-gcn-67619965108730 (READ-ONLY COPY).

The authoritative reference and input builder live on the scoring server;
editing this copy changes nothing except your own understanding.
"""

import jax, jax.numpy as jnp
import numpy as np

N = 10000
E = 320000
D_IN = 128
D_H = 128
D_OUT = 40


def setup_inputs(seed: int = 0) -> dict:
    key = jax.random.key(seed)
    ks = jax.random.split(key, 9)
    features = jax.random.normal(ks[0], (N, D_IN), dtype=jnp.float32)
    edge_index = jax.random.randint(ks[1], (2, E), 0, N, dtype=jnp.int32)
    W1 = jax.random.normal(ks[2], (D_IN, D_H), dtype=jnp.float32) * (1.0 / np.sqrt(D_IN))
    b1 = jnp.zeros((D_H,), dtype=jnp.float32)
    W2 = jax.random.normal(ks[3], (D_H, D_H), dtype=jnp.float32) * (1.0 / np.sqrt(D_H))
    b2 = jnp.zeros((D_H,), dtype=jnp.float32)
    W3 = jax.random.normal(ks[4], (D_H, D_OUT), dtype=jnp.float32) * (1.0 / np.sqrt(D_H))
    b3 = jnp.zeros((D_OUT,), dtype=jnp.float32)
    return {"features": features, "edge_index": edge_index,
            "W1": W1, "b1": b1, "W2": W2, "b2": b2, "W3": W3, "b3": b3}


def _graph_conv(h, W, b, src, dst, out_norm, in_norm, use_act):
    # DGL GraphConv with norm='both': D_out^{-1/2} on src side, D_in^{-1/2} on dst side
    h = h * out_norm[:, None]
    h = h @ W
    msgs = jnp.take(h, src, axis=0)
    agg = jnp.zeros((h.shape[0], h.shape[1]), dtype=h.dtype).at[dst].add(msgs)
    agg = agg * in_norm[:, None]
    agg = agg + b
    if use_act:
        agg = jax.nn.relu(agg)
    return agg


def reference(features, edge_index, W1, b1, W2, b2, W3, b3):
    src = edge_index[0]
    dst = edge_index[1]
    out_deg = jnp.bincount(src, length=N).astype(jnp.float32)
    in_deg = jnp.bincount(dst, length=N).astype(jnp.float32)
    out_norm = jnp.where(out_deg > 0, 1.0 / jnp.sqrt(jnp.maximum(out_deg, 1.0)), 0.0)
    in_norm = jnp.where(in_deg > 0, 1.0 / jnp.sqrt(jnp.maximum(in_deg, 1.0)), 0.0)
    h = _graph_conv(features, W1, b1, src, dst, out_norm, in_norm, True)
    h = _graph_conv(h, W2, b2, src, dst, out_norm, in_norm, True)
    h = _graph_conv(h, W3, b3, src, dst, out_norm, in_norm, False)
    return h

if __name__ == "__main__":
    import jax
    _d = setup_inputs()
    print(jax.jit(kernel)(*tuple(_d.values())))

</pallas_src>

<mosaic_0001>
#map = affine_map<(d0, d1) -> (0, 0, 0)>
#map1 = affine_map<(d0, d1) -> (0, 0)>
module attributes {stable_mosaic.version = 14 : i64} {
  func.func @spmm(%arg0: i32, %arg1: i32, %arg2: memref<2x10240x32xf32, #tpu.memory_space<hbm>>, %arg3: memref<2x327680xi32, #tpu.memory_space<hbm>>, %arg4: memref<2x10240x32xf32, #tpu.memory_space<hbm>>, %arg5: memref<10240x32xf32, #tpu.memory_space<vmem_shared>>, %arg6: memref<20480xi32, #tpu.memory_space<vmem>>, %arg7: memref<1024xi32, #tpu.memory_space<vmem>>, %arg8: memref<1024xi32, #tpu.memory_space<vmem>>, %arg9: memref<1024x32xf32, #tpu.memory_space<vmem>>, %arg10: memref<1024x32xf32, #tpu.memory_space<vmem>>, %arg11: memref<32x32xf32, #tpu.memory_space<vmem>>, %arg12: memref<!tpu.dma_semaphore, #tpu.memory_space<semaphore_mem>>, %arg13: memref<!tpu.dma_semaphore, #tpu.memory_space<semaphore_mem>>, %arg14: memref<!tpu.dma_semaphore, #tpu.memory_space<semaphore_mem>>, %arg15: memref<!tpu.dma_semaphore, #tpu.memory_space<semaphore_mem>>) attributes {dimension_semantics = [#tpu.dimension_semantics<core_parallel>, #tpu.dimension_semantics<subcore_parallel>], iteration_bounds = array<i64: 2, 16>, scalar_prefetch = 0 : i64, scratch_operands = 11 : i64, tpu.core_type = #tpu.core_type<sc_vector_subcore>, window_params = [{transform_indices = #map}, {transform_indices = #map1}, {transform_indices = #map}]} {
    %broadcast_in_dim3A = arith.constant 0.000000e+00 : f32
    %broadcast_in_dim3A_0 = vector.broadcast %broadcast_in_dim3A : f32 to vector<16xf32>
    %scan3A = arith.constant 0 : i32
    %scan3A_1 = arith.constant 64 : i32
    %scan3A_2 = arith.addi %scan3A, %scan3A_1 : i32
    %scan3A_3 = arith.constant 1 : i32
    scf.for %scan3A_46 = %scan3A to %scan3A_2 step %scan3A_3  : i32 {
      %mul3A_47 = arith.constant 1 : i32
      %mul3A_48 = arith.muli %scan3A_46, %mul3A_47 : i32
      %add3A_49 = arith.constant 0 : i32
      %add3A_50 = arith.addi %add3A_49, %mul3A_48 : i32
      %jit3A = arith.constant 2 : i32
      %div3A = arith.divsi %add3A_50, %jit3A : i32
      %sign3A = arith.constant 0 : i32
      %sign3A_51 = arith.cmpi sgt, %add3A_50, %sign3A : i32
      %sign3A_52 = arith.extui %sign3A_51 : i1 to i32
      %sign3A_53 = arith.constant 0 : i32
      %sign3A_54 = arith.cmpi slt, %add3A_50, %sign3A_53 : i32
      %sign3A_55 = arith.extui %sign3A_54 : i1 to i32
      %sign3A_56 = arith.subi %sign3A_52, %sign3A_55 : i32
      %sign3A_57 = arith.constant 0 : i32
      %sign3A_58 = arith.cmpi sgt, %jit3A, %sign3A_57 : i32
      %sign3A_59 = arith.extui %sign3A_58 : i1 to i32
      %sign3A_60 = arith.constant 0 : i32
      %sign3A_61 = arith.cmpi slt, %jit3A, %sign3A_60 : i32
      %sign3A_62 = arith.extui %sign3A_61 : i1 to i32
      %sign3A_63 = arith.subi %sign3A_59, %sign3A_62 : i32
      %ne3A = arith.cmpi ne, %sign3A_56, %sign3A_63 : i32
      %rem3A = arith.remsi %add3A_50, %jit3A : i32
      %ne3A_64 = arith.constant 0 : i32
      %ne3A_65 = arith.cmpi ne, %rem3A, %ne3A_64 : i32
      %and3A = arith.andi %ne3A, %ne3A_65 : i1
      %sub3A = arith.constant 1 : i32
      %sub3A_66 = arith.subi %div3A, %sub3A : i32
      %select_n3A = arith.select %and3A, %sub3A_66, %div3A : i32
      %jit3A_67 = arith.constant 2 : i32
      %eq3A = arith.constant 0 : i32
      %eq3A_68 = arith.cmpi eq, %jit3A_67, %eq3A : i32
      %jit3A_69 = arith.constant 1 : i32
      %select_n3A_70 = arith.select %eq3A_68, %jit3A_69, %jit3A_67 : i32
      %rem3A_71 = arith.remsi %add3A_50, %select_n3A_70 : i32
      %ne3A_72 = arith.constant 0 : i32
      %ne3A_73 = arith.cmpi ne, %rem3A_71, %ne3A_72 : i32
      %lt3A = arith.constant 0 : i32
      %lt3A_74 = arith.cmpi slt, %rem3A_71, %lt3A : i32
      %lt3A_75 = arith.constant 0 : i32
      %lt3A_76 = arith.cmpi slt, %select_n3A_70, %lt3A_75 : i32
      %ne3A_77 = arith.xori %lt3A_74, %lt3A_76 : i1
      %and3A_78 = arith.andi %ne3A_77, %ne3A_73 : i1
      %add3A_79 = arith.addi %rem3A_71, %select_n3A_70 : i32
      %select_n3A_80 = arith.select %and3A_78, %add3A_79, %rem3A_71 : i32
      %mul3A_81 = arith.constant 16 : i32
      %mul3A_82 = arith.muli %select_n3A_80, %mul3A_81 : i32
      %swap3A = arith.index_cast %select_n3A : i32 to index
      %swap3A_83 = arith.index_cast %mul3A_82 : i32 to index
      %swap3A_84 = tpu.vector_load %arg11[%swap3A, %swap3A_83] {strides = array<i32>} : memref<32x32xf32, #tpu.memory_space<vmem>>, vector<1x16xf32>,
      %swap3A_85 = vector.shape_cast %swap3A_84 : vector<1x16xf32> to vector<16xf32>
      %swap3A_86 = vector.shape_cast %broadcast_in_dim3A_0 : vector<16xf32> to vector<1x16xf32>
      tpu.vector_store %arg11[%swap3A, %swap3A_83], %swap3A_86 {strides = array<i32>} : memref<32x32xf32, #tpu.memory_space<vmem>>, vector<1x16xf32>,
    }
    %scan3A_4 = arith.constant 64 : i32
    %scan3A_5 = arith.constant 0 : i32
    %scan3A_6 = arith.constant 20 : i32
    %scan3A_7 = arith.addi %scan3A_5, %scan3A_6 : i32
    %scan3A_8 = arith.constant 1 : i32
    scf.for %scan3A_46 = %scan3A_5 to %scan3A_7 step %scan3A_8  : i32 {
      %mul3A_47 = arith.constant 1 : i32
      %mul3A_48 = arith.muli %scan3A_46, %mul3A_47 : i32
      %add3A_49 = arith.constant 0 : i32
      %add3A_50 = arith.addi %add3A_49, %mul3A_48 : i32
      %mul3A_51 = arith.constant 640 : i32
      %mul3A_52 = arith.muli %arg1, %mul3A_51 : i32
      %mul3A_53 = arith.constant 32 : i32
      %mul3A_54 = arith.muli %add3A_50, %mul3A_53 : i32
      %add3A_55 = arith.addi %mul3A_52, %mul3A_54 : i32
      "tpu.region"() ({
        %run_scoped3A_56 = tpu.sem_alloc : memref<!tpu.dma_semaphore, #tpu.memory_space<semaphore_mem>>
        %dma_start3A_57 = arith.constant 0 : i32
        %dma_start3A_58 = tpu.memref_slice %arg5[%add3A_55, %dma_start3A_57] : memref<10240x32xf32, #tpu.memory_space<vmem_shared>> -> memref<32x32xf32, #tpu.memory_space<vmem_shared>>
        %dma_start3A_59 = arith.constant 0 : i32
        %dma_start3A_60 = tpu.memref_slice %arg5[%add3A_55, %dma_start3A_59] : memref<10240x32xf32, #tpu.memory_space<vmem_shared>> -> memref<32x32xf32, #tpu.memory_space<vmem_shared>>
        tpu.enqueue_dma source(%arg11 : memref<32x32xf32, #tpu.memory_space<vmem>>) target(%dma_start3A_60 : memref<32x32xf32, #tpu.memory_space<vmem_shared>>) target_semaphore(%run_scoped3A_56 : memref<!tpu.dma_semaphore, #tpu.memory_space<semaphore_mem>>)
        %dma_wait3A = arith.constant 0 : i32
        %dma_wait3A_61 = tpu.memref_slice %arg5[%add3A_55, %dma_wait3A] : memref<10240x32xf32, #tpu.memory_space<vmem_shared>> -> memref<32x32xf32, #tpu.memory_space<vmem_shared>>
        %dma_wait3A_62 = arith.constant 0 : i32
        %dma_wait3A_63 = tpu.memref_slice %arg5[%add3A_55, %dma_wait3A_62] : memref<10240x32xf32, #tpu.memory_space<vmem_shared>> -> memref<32x32xf32, #tpu.memory_space<vmem_shared>>
        tpu.wait_dma2 semaphore(%run_scoped3A_56 : memref<!tpu.dma_semaphore, #tpu.memory_space<semaphore_mem>>) src(%arg11 : memref<32x32xf32, #tpu.memory_space<vmem>>) dst(%dma_wait3A_63 : memref<32x32xf32, #tpu.memory_space<vmem_shared>>)
        tpu.yield
      }) : () -> ()
    }
    %scan3A_9 = arith.constant 20 : i32
    %mul3A = arith.constant 20480 : i32
    %mul3A_10 = arith.muli %arg1, %mul3A : i32
    %run_scoped3A = arith.constant 0 : i32
    "tpu.region"() ({
      %run_scoped3A_46 = tpu.sem_alloc : memref<!tpu.dma_semaphore, #tpu.memory_space<semaphore_mem>>
      %dma_start3A_47 = tpu.memref_slice %arg3[%run_scoped3A, %mul3A_10] : memref<2x327680xi32, #tpu.memory_space<hbm>> -> memref<1x20480xi32, #tpu.memory_space<hbm>>
      %dma_start3A_48 = tpu.memref_squeeze %dma_start3A_47 : memref<1x20480xi32, #tpu.memory_space<hbm>> -> memref<20480xi32, #tpu.memory_space<hbm>>
      %dma_start3A_49 = tpu.memref_slice %arg3[%run_scoped3A, %mul3A_10] : memref<2x327680xi32, #tpu.memory_space<hbm>> -> memref<1x20480xi32, #tpu.memory_space<hbm>>
      %dma_start3A_50 = tpu.memref_squeeze %dma_start3A_49 : memref<1x20480xi32, #tpu.memory_space<hbm>> -> memref<20480xi32, #tpu.memory_space<hbm>>
      tpu.enqueue_dma source(%dma_start3A_50 : memref<20480xi32, #tpu.memory_space<hbm>>) target(%arg6 : memref<20480xi32, #tpu.memory_space<vmem>>) target_semaphore(%run_scoped3A_46 : memref<!tpu.dma_semaphore, #tpu.memory_space<semaphore_mem>>)
      %dma_wait3A = tpu.memref_slice %arg3[%run_scoped3A, %mul3A_10] : memref<2x327680xi32, #tpu.memory_space<hbm>> -> memref<1x20480xi32, #tpu.memory_space<hbm>>
      %dma_wait3A_51 = tpu.memref_squeeze %dma_wait3A : memref<1x20480xi32, #tpu.memory_space<hbm>> -> memref<20480xi32, #tpu.memory_space<hbm>>
      %dma_wait3A_52 = tpu.memref_slice %arg3[%run_scoped3A, %mul3A_10] : memref<2x327680xi32, #tpu.memory_space<hbm>> -> memref<1x20480xi32, #tpu.memory_space<hbm>>
      %dma_wait3A_53 = tpu.memref_squeeze %dma_wait3A_52 : memref<1x20480xi32, #tpu.memory_space<hbm>> -> memref<20480xi32, #tpu.memory_space<hbm>>
      tpu.wait_dma2 semaphore(%run_scoped3A_46 : memref<!tpu.dma_semaphore, #tpu.memory_space<semaphore_mem>>) src(%dma_wait3A_53 : memref<20480xi32, #tpu.memory_space<hbm>>) dst(%arg6 : memref<20480xi32, #tpu.memory_space<vmem>>)
      tpu.yield
    }) : () -> ()
    %barrier3A = arith.constant 0 : index
    tpu.barrier barrier_id(%barrier3A)
    %mul3A_11 = arith.constant 20480 : i32
    %mul3A_12 = arith.muli %arg1, %mul3A_11 : i32
    %add3A = arith.constant 0 : i32
    %add3A_13 = arith.addi %mul3A_12, %add3A : i32
    %dma_start3A = arith.constant 1 : i32
    %dma_start3A_14 = tpu.memref_slice %arg3[%dma_start3A, %add3A_13] : memref<2x327680xi32, #tpu.memory_space<hbm>> -> memref<1x1024xi32, #tpu.memory_space<hbm>>
    %dma_start3A_15 = tpu.memref_squeeze %dma_start3A_14 : memref<1x1024xi32, #tpu.memory_space<hbm>> -> memref<1024xi32, #tpu.memory_space<hbm>>
    %dma_start3A_16 = tpu.memref_slice %arg3[%dma_start3A, %add3A_13] : memref<2x327680xi32, #tpu.memory_space<hbm>> -> memref<1x1024xi32, #tpu.memory_space<hbm>>
    %dma_start3A_17 = tpu.memref_squeeze %dma_start3A_16 : memref<1x1024xi32, #tpu.memory_space<hbm>> -> memref<1024xi32, #tpu.memory_space<hbm>>
    tpu.enqueue_dma source(%dma_start3A_17 : memref<1024xi32, #tpu.memory_space<hbm>>) target(%arg7 : memref<1024xi32, #tpu.memory_space<vmem>>) target_semaphore(%arg14 : memref<!tpu.dma_semaphore, #tpu.memory_space<semaphore_mem>>)
    %dma_start3A_18 = arith.constant 0 : i32
    %dma_start3A_19 = tpu.memref_slice %arg6[%dma_start3A_18] : memref<20480xi32, #tpu.memory_space<vmem>> -> memref<1024xi32, #tpu.memory_space<vmem>>
    %dma_start3A_20 = arith.constant 0 : i32
    %dma_start3A_21 = arith.constant 0 : i32
    %dma_start3A_22 = tpu.memref_slice %arg2[%arg0, %dma_start3A_20, %dma_start3A_21] : memref<2x10240x32xf32, #tpu.memory_space<hbm>> -> memref<1x10240x32xf32, #tpu.memory_space<hbm>>
    %dma_start3A_23 = tpu.memref_squeeze %dma_start3A_22 : memref<1x10240x32xf32, #tpu.memory_space<hbm>> -> memref<10240x32xf32, #tpu.memory_space<hbm>>
    %dma_start3A_24 = arith.constant 0 : i32
    %dma_start3A_25 = arith.constant 0 : i32
    %dma_start3A_26 = tpu.memref_slice %dma_start3A_23[%dma_start3A_24, %dma_start3A_25] : memref<10240x32xf32, #tpu.memory_space<hbm>> -> memref<10240x32xf32, #tpu.memory_space<hbm>>
    tpu.enqueue_indirect_dma source(%dma_start3A_26 : memref<10240x32xf32, #tpu.memory_space<hbm>>) target(%arg9 : memref<1024x32xf32, #tpu.memory_space<vmem>>) offsets(%dma_start3A_19 : memref<1024xi32, #tpu.memory_space<vmem>>) semaphore(%arg12 : memref<!tpu.dma_semaphore, #tpu.memory_space<semaphore_mem>>)
    %mul3A_27 = arith.constant 20480 : i32
    %mul3A_28 = arith.muli %arg1, %mul3A_27 : i32
    %add3A_29 = arith.constant 1024 : i32
    %add3A_30 = arith.addi %mul3A_28, %add3A_29 : i32
    %dma_start3A_31 = arith.constant 1 : i32
    %dma_start3A_32 = tpu.memref_slice %arg3[%dma_start3A_31, %add3A_30] : memref<2x327680xi32, #tpu.memory_space<hbm>> -> memref<1x1024xi32, #tpu.memory_space<hbm>>
    %dma_start3A_33 = tpu.memref_squeeze %dma_start3A_32 : memref<1x1024xi32, #tpu.memory_space<hbm>> -> memref<1024xi32, #tpu.memory_space<hbm>>
    %dma_start3A_34 = tpu.memref_slice %arg3[%dma_start3A_31, %add3A_30] : memref<2x327680xi32, #tpu.memory_space<hbm>> -> memref<1x1024xi32, #tpu.memory_space<hbm>>
    %dma_start3A_35 = tpu.memref_squeeze %dma_start3A_34 : memref<1x1024xi32, #tpu.memory_space<hbm>> -> memref<1024xi32, #tpu.memory_space<hbm>>
    tpu.enqueue_dma source(%dma_start3A_35 : memref<1024xi32, #tpu.memory_space<hbm>>) target(%arg8 : memref<1024xi32, #tpu.memory_space<vmem>>) target_semaphore(%arg15 : memref<!tpu.dma_semaphore, #tpu.memory_space<semaphore_mem>>)
    %scan3A_36 = arith.constant 0 : i32
    %scan3A_37 = arith.constant 10 : i32
    %scan3A_38 = arith.addi %scan3A_36, %scan3A_37 : i32
    %scan3A_39 = arith.constant 1 : i32
    scf.for %scan3A_46 = %scan3A_36 to %scan3A_38 step %scan3A_39  : i32 {
      %mul3A_47 = arith.constant 1 : i32
      %mul3A_48 = arith.muli %scan3A_46, %mul3A_47 : i32
      %add3A_49 = arith.constant 0 : i32
      %add3A_50 = arith.addi %add3A_49, %mul3A_48 : i32
      %mul3A_51 = arith.constant 2 : i32
      %mul3A_52 = arith.muli %add3A_50, %mul3A_51 : i32
      %add3A_53 = arith.constant 1 : i32
      %add3A_54 = arith.addi %mul3A_52, %add3A_53 : i32
      %mul3A_55 = arith.constant 1024 : i32
      %mul3A_56 = arith.muli %add3A_54, %mul3A_55 : i32
      %dma_start3A_57 = tpu.memref_slice %arg6[%mul3A_56] : memref<20480xi32, #tpu.memory_space<vmem>> -> memref<1024xi32, #tpu.memory_space<vmem>>
      %dma_start3A_58 = arith.constant 0 : i32
      %dma_start3A_59 = arith.constant 0 : i32
      %dma_start3A_60 = tpu.memref_slice %arg2[%arg0, %dma_start3A_58, %dma_start3A_59] : memref<2x10240x32xf32, #tpu.memory_space<hbm>> -> memref<1x10240x32xf32, #tpu.memory_space<hbm>>
      %dma_start3A_61 = tpu.memref_squeeze %dma_start3A_60 : memref<1x10240x32xf32, #tpu.memory_space<hbm>> -> memref<10240x32xf32, #tpu.memory_space<hbm>>
      %dma_start3A_62 = arith.constant 0 : i32
      %dma_start3A_63 = arith.constant 0 : i32
      %dma_start3A_64 = tpu.memref_slice %dma_start3A_61[%dma_start3A_62, %dma_start3A_63] : memref<10240x32xf32, #tpu.memory_space<hbm>> -> memref<10240x32xf32, #tpu.memory_space<hbm>>
      tpu.enqueue_indirect_dma source(%dma_start3A_64 : memref<10240x32xf32, #tpu.memory_space<hbm>>) target(%arg10 : memref<1024x32xf32, #tpu.memory_space<vmem>>) offsets(%dma_start3A_57 : memref<1024xi32, #tpu.memory_space<vmem>>) semaphore(%arg13 : memref<!tpu.dma_semaphore, #tpu.memory_space<semaphore_mem>>)
      %mul3A_65 = arith.constant 1024 : i32
      %mul3A_66 = arith.muli %mul3A_52, %mul3A_65 : i32
      %dma_wait3A = tpu.memref_slice %arg6[%mul3A_66] : memref<20480xi32, #tpu.memory_space<vmem>> -> memref<1024xi32, #tpu.memory_space<vmem>>
      %dma_wait3A_67 = arith.constant 0 : i32
      %dma_wait3A_68 = arith.constant 0 : i32
      %dma_wait3A_69 = tpu.memref_slice %arg2[%arg0, %dma_wait3A_67, %dma_wait3A_68] : memref<2x10240x32xf32, #tpu.memory_space<hbm>> -> memref<1x10240x32xf32, #tpu.memory_space<hbm>>
      %dma_wait3A_70 = tpu.memref_squeeze %dma_wait3A_69 : memref<1x10240x32xf32, #tpu.memory_space<hbm>> -> memref<10240x32xf32, #tpu.memory_space<hbm>>
      %dma_wait3A_71 = arith.constant 0 : i32
      %dma_wait3A_72 = arith.constant 0 : i32
      %dma_wait3A_73 = tpu.memref_slice %dma_wait3A_70[%dma_wait3A_71, %dma_wait3A_72] : memref<10240x32xf32, #tpu.memory_space<hbm>> -> memref<10240x32xf32, #tpu.memory_space<hbm>>
      tpu.wait_indirect_dma semaphore(%arg12 : memref<!tpu.dma_semaphore, #tpu.memory_space<semaphore_mem>>) src(%dma_wait3A_73 : memref<10240x32xf32, #tpu.memory_space<hbm>>) dst(%arg9 : memref<1024x32xf32, #tpu.memory_space<vmem>>)
      %mul3A_74 = arith.constant 20480 : i32
      %mul3A_75 = arith.muli %arg1, %mul3A_74 : i32
      %mul3A_76 = arith.constant 1024 : i32
      %mul3A_77 = arith.muli %mul3A_52, %mul3A_76 : i32
      %add3A_78 = arith.addi %mul3A_75, %mul3A_77 : i32
      %dma_wait3A_79 = arith.constant 1 : i32
      %dma_wait3A_80 = tpu.memref_slice %arg3[%dma_wait3A_79, %add3A_78] : memref<2x327680xi32, #tpu.memory_space<hbm>> -> memref<1x1024xi32, #tpu.memory_space<hbm>>
      %dma_wait3A_81 = tpu.memref_squeeze %dma_wait3A_80 : memref<1x1024xi32, #tpu.memory_space<hbm>> -> memref<1024xi32, #tpu.memory_space<hbm>>
      %dma_wait3A_82 = tpu.memref_slice %arg3[%dma_wait3A_79, %add3A_78] : memref<2x327680xi32, #tpu.memory_space<hbm>> -> memref<1x1024xi32, #tpu.memory_space<hbm>>
      %dma_wait3A_83 = tpu.memref_squeeze %dma_wait3A_82 : memref<1x1024xi32, #tpu.memory_space<hbm>> -> memref<1024xi32, #tpu.memory_space<hbm>>
      tpu.wait_dma2 semaphore(%arg14 : memref<!tpu.dma_semaphore, #tpu.memory_space<semaphore_mem>>) src(%dma_wait3A_83 : memref<1024xi32, #tpu.memory_space<hbm>>) dst(%arg7 : memref<1024xi32, #tpu.memory_space<vmem>>)
      %add3A_84 = arith.constant 2 : i32
      %add3A_85 = arith.addi %mul3A_52, %add3A_84 : i32
      %lt3A = arith.constant 20 : i32
      %lt3A_86 = arith.cmpi slt, %add3A_85, %lt3A : i32
      %convert_element_type3A = arith.extui %lt3A_86 : i1 to i32
      %cond3A = arith.constant 0 : i32
      %cond3A_87 = arith.cmpi ne, %convert_element_type3A, %cond3A : i32
      scf.if %cond3A_87 {
        %add3A_115 = arith.constant 2 : i32
        %add3A_116 = arith.addi %mul3A_52, %add3A_115 : i32
        %mul3A_117 = arith.constant 20480 : i32
        %mul3A_118 = arith.muli %arg1, %mul3A_117 : i32
        %mul3A_119 = arith.constant 1024 : i32
        %mul3A_120 = arith.muli %add3A_116, %mul3A_119 : i32
        %add3A_121 = arith.addi %mul3A_118, %mul3A_120 : i32
        %dma_start3A_122 = arith.constant 1 : i32
        %dma_start3A_123 = tpu.memref_slice %arg3[%dma_start3A_122, %add3A_121] : memref<2x327680xi32, #tpu.memory_space<hbm>> -> memref<1x1024xi32, #tpu.memory_space<hbm>>
        %dma_start3A_124 = tpu.memref_squeeze %dma_start3A_123 : memref<1x1024xi32, #tpu.memory_space<hbm>> -> memref<1024xi32, #tpu.memory_space<hbm>>
        %dma_start3A_125 = tpu.memref_slice %arg3[%dma_start3A_122, %add3A_121] : memref<2x327680xi32, #tpu.memory_space<hbm>> -> memref<1x1024xi32, #tpu.memory_space<hbm>>
        %dma_start3A_126 = tpu.memref_squeeze %dma_start3A_125 : memref<1x1024xi32, #tpu.memory_space<hbm>> -> memref<1024xi32, #tpu.memory_space<hbm>>
        tpu.enqueue_dma source(%dma_start3A_126 : memref<1024xi32, #tpu.memory_space<hbm>>) target(%arg7 : memref<1024xi32, #tpu.memory_space<vmem>>) target_semaphore(%arg14 : memref<!tpu.dma_semaphore, #tpu.memory_space<semaphore_mem>>)
        %add3A_127 = arith.constant 2 : i32
        %add3A_128 = arith.addi %mul3A_52, %add3A_127 : i32
        %mul3A_129 = arith.constant 1024 : i32
        %mul3A_130 = arith.muli %add3A_128, %mul3A_129 : i32
        %dma_start3A_131 = tpu.memref_slice %arg6[%mul3A_130] : memref<20480xi32, #tpu.memory_space<vmem>> -> memref<1024xi32, #tpu.memory_space<vmem>>
        %dma_start3A_132 = arith.constant 0 : i32
        %dma_start3A_133 = arith.constant 0 : i32
        %dma_start3A_134 = tpu.memref_slice %arg2[%arg0, %dma_start3A_132, %dma_start3A_133] : memref<2x10240x32xf32, #tpu.memory_space<hbm>> -> memref<1x10240x32xf32, #tpu.memory_space<hbm>>
        %dma_start3A_135 = tpu.memref_squeeze %dma_start3A_134 : memref<1x10240x32xf32, #tpu.memory_space<hbm>> -> memref<10240x32xf32, #tpu.memory_space<hbm>>
        %dma_start3A_136 = arith.constant 0 : i32
        %dma_start3A_137 = arith.constant 0 : i32
        %dma_start3A_138 = tpu.memref_slice %dma_start3A_135[%dma_start3A_136, %dma_start3A_137] : memref<10240x32xf32, #tpu.memory_space<hbm>> -> memref<10240x32xf32, #tpu.memory_space<hbm>>
        tpu.enqueue_indirect_dma source(%dma_start3A_138 : memref<10240x32xf32, #tpu.memory_space<hbm>>) target(%arg9 : memref<1024x32xf32, #tpu.memory_space<vmem>>) offsets(%dma_start3A_131 : memref<1024xi32, #tpu.memory_space<vmem>>) semaphore(%arg12 : memref<!tpu.dma_semaphore, #tpu.memory_space<semaphore_mem>>)
      } else {
      }
      %dma_wait3A_88 = tpu.memref_slice %arg6[%mul3A_56] : memref<20480xi32, #tpu.memory_space<vmem>> -> memref<1024xi32, #tpu.memory_space<vmem>>
      %dma_wait3A_89 = arith.constant 0 : i32
      %dma_wait3A_90 = arith.constant 0 : i32
      %dma_wait3A_91 = tpu.memref_slice %arg2[%arg0, %dma_wait3A_89, %dma_wait3A_90] : memref<2x10240x32xf32, #tpu.memory_space<hbm>> -> memref<1x10240x32xf32, #tpu.memory_space<hbm>>
      %dma_wait3A_92 = tpu.memref_squeeze %dma_wait3A_91 : memref<1x10240x32xf32, #tpu.memory_space<hbm>> -> memref<10240x32xf32, #tpu.memory_space<hbm>>
      %dma_wait3A_93 = arith.constant 0 : i32
      %dma_wait3A_94 = arith.constant 0 : i32
      %dma_wait3A_95 = tpu.memref_slice %dma_wait3A_92[%dma_wait3A_93, %dma_wait3A_94] : memref<10240x32xf32, #tpu.memory_space<hbm>> -> memref<10240x32xf32, #tpu.memory_space<hbm>>
      tpu.wait_indirect_dma semaphore(%arg13 : memref<!tpu.dma_semaphore, #tpu.memory_space<semaphore_mem>>) src(%dma_wait3A_95 : memref<10240x32xf32, #tpu.memory_space<hbm>>) dst(%arg10 : memref<1024x32xf32, #tpu.memory_space<vmem>>)
      %mul3A_96 = arith.constant 20480 : i32
      %mul3A_97 = arith.muli %arg1, %mul3A_96 : i32
      %add3A_98 = arith.constant 1 : i32
      %add3A_99 = arith.addi %mul3A_52, %add3A_98 : i32
      %mul3A_100 = arith.constant 1024 : i32
      %mul3A_101 = arith.muli %add3A_99, %mul3A_100 : i32
      %add3A_102 = arith.addi %mul3A_97, %mul3A_101 : i32
      %dma_wait3A_103 = arith.constant 1 : i32
      %dma_wait3A_104 = tpu.memref_slice %arg3[%dma_wait3A_103, %add3A_102] : memref<2x327680xi32, #tpu.memory_space<hbm>> -> memref<1x1024xi32, #tpu.memory_space<hbm>>
      %dma_wait3A_105 = tpu.memref_squeeze %dma_wait3A_104 : memref<1x1024xi32, #tpu.memory_space<hbm>> -> memref<1024xi32, #tpu.memory_space<hbm>>
      %dma_wait3A_106 = tpu.memref_slice %arg3[%dma_wait3A_103, %add3A_102] : memref<2x327680xi32, #tpu.memory_space<hbm>> -> memref<1x1024xi32, #tpu.memory_space<hbm>>
      %dma_wait3A_107 = tpu.memref_squeeze %dma_wait3A_106 : memref<1x1024xi32, #tpu.memory_space<hbm>> -> memref<1024xi32, #tpu.memory_space<hbm>>
      tpu.wait_dma2 semaphore(%arg15 : memref<!tpu.dma_semaphore, #tpu.memory_space<semaphore_mem>>) src(%dma_wait3A_107 : memref<1024xi32, #tpu.memory_space<hbm>>) dst(%arg8 : memref<1024xi32, #tpu.memory_space<vmem>>)
      %add3A_108 = arith.constant 3 : i32
      %add3A_109 = arith.addi %mul3A_52, %add3A_108 : i32
      %lt3A_110 = arith.constant 20 : i32
      %lt3A_111 = arith.cmpi slt, %add3A_109, %lt3A_110 : i32
      %convert_element_type3A_112 = arith.extui %lt3A_111 : i1 to i32
      %cond3A_113 = arith.constant 0 : i32
      %cond3A_114 = arith.cmpi ne, %convert_element_type3A_112, %cond3A_113 : i32
      scf.if %cond3A_114 {
        %add3A_115 = arith.constant 3 : i32
        %add3A_116 = arith.addi %mul3A_52, %add3A_115 : i32
        %mul3A_117 = arith.constant 20480 : i32
        %mul3A_118 = arith.muli %arg1, %mul3A_117 : i32
        %mul3A_119 = arith.constant 1024 : i32
        %mul3A_120 = arith.muli %add3A_116, %mul3A_119 : i32
        %add3A_121 = arith.addi %mul3A_118, %mul3A_120 : i32
        %dma_start3A_122 = arith.constant 1 : i32
        %dma_start3A_123 = tpu.memref_slice %arg3[%dma_start3A_122, %add3A_121] : memref<2x327680xi32, #tpu.memory_space<hbm>> -> memref<1x1024xi32, #tpu.memory_space<hbm>>
        %dma_start3A_124 = tpu.memref_squeeze %dma_start3A_123 : memref<1x1024xi32, #tpu.memory_space<hbm>> -> memref<1024xi32, #tpu.memory_space<hbm>>
        %dma_start3A_125 = tpu.memref_slice %arg3[%dma_start3A_122, %add3A_121] : memref<2x327680xi32, #tpu.memory_space<hbm>> -> memref<1x1024xi32, #tpu.memory_space<hbm>>
        %dma_start3A_126 = tpu.memref_squeeze %dma_start3A_125 : memref<1x1024xi32, #tpu.memory_space<hbm>> -> memref<1024xi32, #tpu.memory_space<hbm>>
        tpu.enqueue_dma source(%dma_start3A_126 : memref<1024xi32, #tpu.memory_space<hbm>>) target(%arg8 : memref<1024xi32, #tpu.memory_space<vmem>>) target_semaphore(%arg15 : memref<!tpu.dma_semaphore, #tpu.memory_space<semaphore_mem>>)
      } else {
      }
    }
    %scan3A_40 = arith.constant 10 : i32
    %barrier3A_41 = arith.constant 0 : index
    tpu.barrier barrier_id(%barrier3A_41)
    %mul3A_42 = arith.constant 640 : i32
    %mul3A_43 = arith.muli %arg1, %mul3A_42 : i32
    %mul3A_44 = arith.constant 640 : i32
    %mul3A_45 = arith.muli %arg1, %mul3A_44 : i32
    "tpu.region"() ({
      %run_scoped3A_46 = tpu.sem_alloc : memref<!tpu.dma_semaphore, #tpu.memory_space<semaphore_mem>>
      %dma_start3A_47 = arith.constant 0 : i32
      %dma_start3A_48 = tpu.memref_slice %arg4[%arg0, %mul3A_45, %dma_start3A_47] : memref<2x10240x32xf32, #tpu.memory_space<hbm>> -> memref<1x640x32xf32, #tpu.memory_space<hbm>>
      %dma_start3A_49 = tpu.memref_squeeze %dma_start3A_48 : memref<1x640x32xf32, #tpu.memory_space<hbm>> -> memref<640x32xf32, #tpu.memory_space<hbm>>
      %dma_start3A_50 = arith.constant 0 : i32
      %dma_start3A_51 = tpu.memref_slice %arg5[%mul3A_43, %dma_start3A_50] : memref<10240x32xf32, #tpu.memory_space<vmem_shared>> -> memref<640x32xf32, #tpu.memory_space<vmem_shared>>
      tpu.enqueue_dma source(%dma_start3A_51 : memref<640x32xf32, #tpu.memory_space<vmem_shared>>) target(%dma_start3A_49 : memref<640x32xf32, #tpu.memory_space<hbm>>) target_semaphore(%run_scoped3A_46 : memref<!tpu.dma_semaphore, #tpu.memory_space<semaphore_mem>>)
      %dma_wait3A = arith.constant 0 : i32
      %dma_wait3A_52 = tpu.memref_slice %arg4[%arg0, %mul3A_45, %dma_wait3A] : memref<2x10240x32xf32, #tpu.memory_space<hbm>> -> memref<1x640x32xf32, #tpu.memory_space<hbm>>
      %dma_wait3A_53 = tpu.memref_squeeze %dma_wait3A_52 : memref<1x640x32xf32, #tpu.memory_space<hbm>> -> memref<640x32xf32, #tpu.memory_space<hbm>>
      %dma_wait3A_54 = arith.constant 0 : i32
      %dma_wait3A_55 = tpu.memref_slice %arg5[%mul3A_43, %dma_wait3A_54] : memref<10240x32xf32, #tpu.memory_space<vmem_shared>> -> memref<640x32xf32, #tpu.memory_space<vmem_shared>>
      tpu.wait_dma2 semaphore(%run_scoped3A_46 : memref<!tpu.dma_semaphore, #tpu.memory_space<semaphore_mem>>) src(%dma_wait3A_55 : memref<640x32xf32, #tpu.memory_space<vmem_shared>>) dst(%dma_wait3A_53 : memref<640x32xf32, #tpu.memory_space<hbm>>)
      tpu.yield
    }) : () -> ()
    return
  }
}

#map = affine_map<(d0, d1) -> (0, 0)>
#map1 = affine_map<(d0, d1) -> (0)>
module attributes {stable_mosaic.version = 14 : i64} {
  func.func @bincount(%arg0: i32, %arg1: i32, %arg2: memref<2x327680xi32, #tpu.memory_space<hbm>>, %arg3: memref<327680xi32, #tpu.memory_space<hbm>>, %arg4: memref<10240xi32, #tpu.memory_space<vmem>>, %arg5: memref<20480xi32, #tpu.memory_space<vmem>>) attributes {dimension_semantics = [#tpu.dimension_semantics<core_parallel>, #tpu.dimension_semantics<subcore_parallel>], iteration_bounds = array<i64: 2, 16>, scalar_prefetch = 0 : i64, scratch_operands = 2 : i64, tpu.core_type = #tpu.core_type<sc_vector_subcore>, window_params = [{transform_indices = #map}, {transform_indices = #map1}]} {
    %broadcast_in_dim3A = arith.constant 0 : i32
    %broadcast_in_dim3A_0 = vector.broadcast %broadcast_in_dim3A : i32 to vector<16xi32>
    %scan3A = arith.constant 0 : i32
    %scan3A_1 = arith.constant 640 : i32
    %scan3A_2 = arith.addi %scan3A, %scan3A_1 : i32
    %scan3A_3 = arith.constant 1 : i32
    scf.for %scan3A_17 = %scan3A to %scan3A_2 step %scan3A_3  : i32 {
      %mul3A_18 = arith.constant 1 : i32
      %mul3A_19 = arith.muli %scan3A_17, %mul3A_18 : i32
      %add3A_20 = arith.constant 0 : i32
      %add3A_21 = arith.addi %add3A_20, %mul3A_19 : i32
      %mul3A_22 = arith.constant 16 : i32
      %mul3A_23 = arith.muli %add3A_21, %mul3A_22 : i32
      %swap3A = arith.index_cast %mul3A_23 : i32 to index
      %swap3A_24 = tpu.vector_load %arg4[%swap3A] {strides = array<i32>} : memref<10240xi32, #tpu.memory_space<vmem>>, vector<16xi32>,
      tpu.vector_store %arg4[%swap3A], %broadcast_in_dim3A_0 {strides = array<i32>} : memref<10240xi32, #tpu.memory_space<vmem>>, vector<16xi32>,
    }
    %scan3A_4 = arith.constant 640 : i32
    %mul3A = arith.constant 20480 : i32
    %mul3A_5 = arith.muli %arg1, %mul3A : i32
    "tpu.region"() ({
      %run_scoped3A = tpu.sem_alloc : memref<!tpu.dma_semaphore, #tpu.memory_space<semaphore_mem>>
      %dma_start3A = tpu.memref_slice %arg2[%arg0, %mul3A_5] : memref<2x327680xi32, #tpu.memory_space<hbm>> -> memref<1x20480xi32, #tpu.memory_space<hbm>>
      %dma_start3A_17 = tpu.memref_squeeze %dma_start3A : memref<1x20480xi32, #tpu.memory_space<hbm>> -> memref<20480xi32, #tpu.memory_space<hbm>>
      %dma_start3A_18 = tpu.memref_slice %arg2[%arg0, %mul3A_5] : memref<2x327680xi32, #tpu.memory_space<hbm>> -> memref<1x20480xi32, #tpu.memory_space<hbm>>
      %dma_start3A_19 = tpu.memref_squeeze %dma_start3A_18 : memref<1x20480xi32, #tpu.memory_space<hbm>> -> memref<20480xi32, #tpu.memory_space<hbm>>
      tpu.enqueue_dma source(%dma_start3A_19 : memref<20480xi32, #tpu.memory_space<hbm>>) target(%arg5 : memref<20480xi32, #tpu.memory_space<vmem>>) target_semaphore(%run_scoped3A : memref<!tpu.dma_semaphore, #tpu.memory_space<semaphore_mem>>)
      %dma_wait3A = tpu.memref_slice %arg2[%arg0, %mul3A_5] : memref<2x327680xi32, #tpu.memory_space<hbm>> -> memref<1x20480xi32, #tpu.memory_space<hbm>>
      %dma_wait3A_20 = tpu.memref_squeeze %dma_wait3A : memref<1x20480xi32, #tpu.memory_space<hbm>> -> memref<20480xi32, #tpu.memory_space<hbm>>
      %dma_wait3A_21 = tpu.memref_slice %arg2[%arg0, %mul3A_5] : memref<2x327680xi32, #tpu.memory_space<hbm>> -> memref<1x20480xi32, #tpu.memory_space<hbm>>
      %dma_wait3A_22 = tpu.memref_squeeze %dma_wait3A_21 : memref<1x20480xi32, #tpu.memory_space<hbm>> -> memref<20480xi32, #tpu.memory_space<hbm>>
      tpu.wait_dma2 semaphore(%run_scoped3A : memref<!tpu.dma_semaphore, #tpu.memory_space<semaphore_mem>>) src(%dma_wait3A_22 : memref<20480xi32, #tpu.memory_space<hbm>>) dst(%arg5 : memref<20480xi32, #tpu.memory_space<vmem>>)
      tpu.yield
    }) : () -> ()
    %broadcast_in_dim3A_6 = arith.constant 1 : i32
    %broadcast_in_dim3A_7 = vector.broadcast %broadcast_in_dim3A_6 : i32 to vector<16xi32>
    %scan3A_8 = arith.constant 0 : i32
    %scan3A_9 = arith.constant 1280 : i32
    %scan3A_10 = arith.addi %scan3A_8, %scan3A_9 : i32
    %scan3A_11 = arith.constant 1 : i32
    scf.for %scan3A_17 = %scan3A_8 to %scan3A_10 step %scan3A_11  : i32 {
      %mul3A_18 = arith.constant 1 : i32
      %mul3A_19 = arith.muli %scan3A_17, %mul3A_18 : i32
      %add3A_20 = arith.constant 0 : i32
      %add3A_21 = arith.addi %add3A_20, %mul3A_19 : i32
      %mul3A_22 = arith.constant 16 : i32
      %mul3A_23 = arith.muli %add3A_21, %mul3A_22 : i32
      %get3A = arith.index_cast %mul3A_23 : i32 to index
      %get3A_24 = tpu.vector_load %arg5[%get3A] {strides = array<i32>} : memref<20480xi32, #tpu.memory_space<vmem>>, vector<16xi32>,
      tpu.vector_store_idx %arg4[%get3A_24], %broadcast_in_dim3A_7 {add = true} : memref<10240xi32, #tpu.memory_space<vmem>>[vector<16xi32>], vector<16xi32>,
    }
    %scan3A_12 = arith.constant 1280 : i32
    %mul3A_13 = arith.constant 16 : i32
    %mul3A_14 = arith.muli %arg0, %mul3A_13 : i32
    %add3A = arith.addi %mul3A_14, %arg1 : i32
    %mul3A_15 = arith.constant 10240 : i32
    %mul3A_16 = arith.muli %add3A, %mul3A_15 : i32
    "tpu.region"() ({
      %run_scoped3A = tpu.sem_alloc : memref<!tpu.dma_semaphore, #tpu.memory_space<semaphore_mem>>
      %dma_start3A = tpu.memref_slice %arg3[%mul3A_16] : memref<327680xi32, #tpu.memory_space<hbm>> -> memref<10240xi32, #tpu.memory_space<hbm>>
      %dma_start3A_17 = tpu.memref_slice %arg3[%mul3A_16] : memref<327680xi32, #tpu.memory_space<hbm>> -> memref<10240xi32, #tpu.memory_space<hbm>>
      tpu.enqueue_dma source(%arg4 : memref<10240xi32, #tpu.memory_space<vmem>>) target(%dma_start3A_17 : memref<10240xi32, #tpu.memory_space<hbm>>) target_semaphore(%run_scoped3A : memref<!tpu.dma_semaphore, #tpu.memory_space<semaphore_mem>>)
      %dma_wait3A = tpu.memref_slice %arg3[%mul3A_16] : memref<327680xi32, #tpu.memory_space<hbm>> -> memref<10240xi32, #tpu.memory_space<hbm>>
      %dma_wait3A_18 = tpu.memref_slice %arg3[%mul3A_16] : memref<327680xi32, #tpu.memory_space<hbm>> -> memref<10240xi32, #tpu.memory_space<hbm>>
      tpu.wait_dma2 semaphore(%run_scoped3A : memref<!tpu.dma_semaphore, #tpu.memory_space<semaphore_mem>>) src(%arg4 : memref<10240xi32, #tpu.memory_space<vmem>>) dst(%dma_wait3A_18 : memref<10240xi32, #tpu.memory_space<hbm>>)
      tpu.yield
    }) : () -> ()
    return
  }
}

#map = affine_map<(d0, d1) -> (0, 0, 0)>
#map1 = affine_map<(d0, d1) -> (0, 0)>
module attributes {stable_mosaic.version = 14 : i64} {
  func.func @spmm(%arg0: i32, %arg1: i32, %arg2: memref<2x10240x64xf32, #tpu.memory_space<hbm>>, %arg3: memref<2x327680xi32, #tpu.memory_space<hbm>>, %arg4: memref<2x10240x64xf32, #tpu.memory_space<hbm>>, %arg5: memref<10240x64xf32, #tpu.memory_space<vmem_shared>>, %arg6: memref<20480xi32, #tpu.memory_space<vmem>>, %arg7: memref<512xi32, #tpu.memory_space<vmem>>, %arg8: memref<512xi32, #tpu.memory_space<vmem>>, %arg9: memref<512x64xf32, #tpu.memory_space<vmem>>, %arg10: memref<512x64xf32, #tpu.memory_space<vmem>>, %arg11: memref<32x64xf32, #tpu.memory_space<vmem>>, %arg12: memref<!tpu.dma_semaphore, #tpu.memory_space<semaphore_mem>>, %arg13: memref<!tpu.dma_semaphore, #tpu.memory_space<semaphore_mem>>, %arg14: memref<!tpu.dma_semaphore, #tpu.memory_space<semaphore_mem>>, %arg15: memref<!tpu.dma_semaphore, #tpu.memory_space<semaphore_mem>>) attributes {dimension_semantics = [#tpu.dimension_semantics<core_parallel>, #tpu.dimension_semantics<subcore_parallel>], iteration_bounds = array<i64: 2, 16>, scalar_prefetch = 0 : i64, scratch_operands = 11 : i64, tpu.core_type = #tpu.core_type<sc_vector_subcore>, window_params = [{transform_indices = #map}, {transform_indices = #map1}, {transform_indices = #map}]} {
    %broadcast_in_dim3A = arith.constant 0.000000e+00 : f32
    %broadcast_in_dim3A_0 = vector.broadcast %broadcast_in_dim3A : f32 to vector<16xf32>
    %scan3A = arith.constant 0 : i32
    %scan3A_1 = arith.constant 128 : i32
    %scan3A_2 = arith.addi %scan3A, %scan3A_1 : i32
    %scan3A_3 = arith.constant 1 : i32
    scf.for %scan3A_46 = %scan3A to %scan3A_2 step %scan3A_3  : i32 {
      %mul3A_47 = arith.constant 1 : i32
      %mul3A_48 = arith.muli %scan3A_46, %mul3A_47 : i32
      %add3A_49 = arith.constant 0 : i32
      %add3A_50 = arith.addi %add3A_49, %mul3A_48 : i32
      %jit3A = arith.constant 4 : i32
      %div3A = arith.divsi %add3A_50, %jit3A : i32
      %sign3A = arith.constant 0 : i32
      %sign3A_51 = arith.cmpi sgt, %add3A_50, %sign3A : i32
      %sign3A_52 = arith.extui %sign3A_51 : i1 to i32
      %sign3A_53 = arith.constant 0 : i32
      %sign3A_54 = arith.cmpi slt, %add3A_50, %sign3A_53 : i32
      %sign3A_55 = arith.extui %sign3A_54 : i1 to i32
      %sign3A_56 = arith.subi %sign3A_52, %sign3A_55 : i32
      %sign3A_57 = arith.constant 0 : i32
      %sign3A_58 = arith.cmpi sgt, %jit3A, %sign3A_57 : i32
      %sign3A_59 = arith.extui %sign3A_58 : i1 to i32
      %sign3A_60 = arith.constant 0 : i32
      %sign3A_61 = arith.cmpi slt, %jit3A, %sign3A_60 : i32
      %sign3A_62 = arith.extui %sign3A_61 : i1 to i32
      %sign3A_63 = arith.subi %sign3A_59, %sign3A_62 : i32
      %ne3A = arith.cmpi ne, %sign3A_56, %sign3A_63 : i32
      %rem3A = arith.remsi %add3A_50, %jit3A : i32
      %ne3A_64 = arith.constant 0 : i32
      %ne3A_65 = arith.cmpi ne, %rem3A, %ne3A_64 : i32
      %and3A = arith.andi %ne3A, %ne3A_65 : i1
      %sub3A = arith.constant 1 : i32
      %sub3A_66 = arith.subi %div3A, %sub3A : i32
      %select_n3A = arith.select %and3A, %sub3A_66, %div3A : i32
      %jit3A_67 = arith.constant 4 : i32
      %eq3A = arith.constant 0 : i32
      %eq3A_68 = arith.cmpi eq, %jit3A_67, %eq3A : i32
      %jit3A_69 = arith.constant 1 : i32
      %select_n3A_70 = arith.select %eq3A_68, %jit3A_69, %jit3A_67 : i32
      %rem3A_71 = arith.remsi %add3A_50, %select_n3A_70 : i32
      %ne3A_72 = arith.constant 0 : i32
      %ne3A_73 = arith.cmpi ne, %rem3A_71, %ne3A_72 : i32
      %lt3A = arith.constant 0 : i32
      %lt3A_74 = arith.cmpi slt, %rem3A_71, %lt3A : i32
      %lt3A_75 = arith.constant 0 : i32
      %lt3A_76 = arith.cmpi slt, %select_n3A_70, %lt3A_75 : i32
      %ne3A_77 = arith.xori %lt3A_74, %lt3A_76 : i1
      %and3A_78 = arith.andi %ne3A_77, %ne3A_73 : i1
      %add3A_79 = arith.addi %rem3A_71, %select_n3A_70 : i32
      %select_n3A_80 = arith.select %and3A_78, %add3A_79, %rem3A_71 : i32
      %mul3A_81 = arith.constant 16 : i32
      %mul3A_82 = arith.muli %select_n3A_80, %mul3A_81 : i32
      %swap3A = arith.index_cast %select_n3A : i32 to index
      %swap3A_83 = arith.index_cast %mul3A_82 : i32 to index
      %swap3A_84 = tpu.vector_load %arg11[%swap3A, %swap3A_83] {strides = array<i32>} : memref<32x64xf32, #tpu.memory_space<vmem>>, vector<1x16xf32>,
      %swap3A_85 = vector.shape_cast %swap3A_84 : vector<1x16xf32> to vector<16xf32>
      %swap3A_86 = vector.shape_cast %broadcast_in_dim3A_0 : vector<16xf32> to vector<1x16xf32>
      tpu.vector_store %arg11[%swap3A, %swap3A_83], %swap3A_86 {strides = array<i32>} : memref<32x64xf32, #tpu.memory_space<vmem>>, vector<1x16xf32>,
    }
    %scan3A_4 = arith.constant 128 : i32
    %scan3A_5 = arith.constant 0 : i32
    %scan3A_6 = arith.constant 20 : i32
    %scan3A_7 = arith.addi %scan3A_5, %scan3A_6 : i32
    %scan3A_8 = arith.constant 1 : i32
    scf.for %scan3A_46 = %scan3A_5 to %scan3A_7 step %scan3A_8  : i32 {
      %mul3A_47 = arith.constant 1 : i32
      %mul3A_48 = arith.muli %scan3A_46, %mul3A_47 : i32
      %add3A_49 = arith.constant 0 : i32
      %add3A_50 = arith.addi %add3A_49, %mul3A_48 : i32
      %mul3A_51 = arith.constant 640 : i32
      %mul3A_52 = arith.muli %arg1, %mul3A_51 : i32
      %mul3A_53 = arith.constant 32 : i32
      %mul3A_54 = arith.muli %add3A_50, %mul3A_53 : i32
      %add3A_55 = arith.addi %mul3A_52, %mul3A_54 : i32
      "tpu.region"() ({
        %run_scoped3A_56 = tpu.sem_alloc : memref<!tpu.dma_semaphore, #tpu.memory_space<semaphore_mem>>
        %dma_start3A_57 = arith.constant 0 : i32
        %dma_start3A_58 = tpu.memref_slice %arg5[%add3A_55, %dma_start3A_57] : memref<10240x64xf32, #tpu.memory_space<vmem_shared>> -> memref<32x64xf32, #tpu.memory_space<vmem_shared>>
        %dma_start3A_59 = arith.constant 0 : i32
        %dma_start3A_60 = tpu.memref_slice %arg5[%add3A_55, %dma_start3A_59] : memref<10240x64xf32, #tpu.memory_space<vmem_shared>> -> memref<32x64xf32, #tpu.memory_space<vmem_shared>>
        tpu.enqueue_dma source(%arg11 : memref<32x64xf32, #tpu.memory_space<vmem>>) target(%dma_start3A_60 : memref<32x64xf32, #tpu.memory_space<vmem_shared>>) target_semaphore(%run_scoped3A_56 : memref<!tpu.dma_semaphore, #tpu.memory_space<semaphore_mem>>)
        %dma_wait3A = arith.constant 0 : i32
        %dma_wait3A_61 = tpu.memref_slice %arg5[%add3A_55, %dma_wait3A] : memref<10240x64xf32, #tpu.memory_space<vmem_shared>> -> memref<32x64xf32, #tpu.memory_space<vmem_shared>>
        %dma_wait3A_62 = arith.constant 0 : i32
        %dma_wait3A_63 = tpu.memref_slice %arg5[%add3A_55, %dma_wait3A_62] : memref<10240x64xf32, #tpu.memory_space<vmem_shared>> -> memref<32x64xf32, #tpu.memory_space<vmem_shared>>
        tpu.wait_dma2 semaphore(%run_scoped3A_56 : memref<!tpu.dma_semaphore, #tpu.memory_space<semaphore_mem>>) src(%arg11 : memref<32x64xf32, #tpu.memory_space<vmem>>) dst(%dma_wait3A_63 : memref<32x64xf32, #tpu.memory_space<vmem_shared>>)
        tpu.yield
      }) : () -> ()
    }
    %scan3A_9 = arith.constant 20 : i32
    %mul3A = arith.constant 20480 : i32
    %mul3A_10 = arith.muli %arg1, %mul3A : i32
    %run_scoped3A = arith.constant 0 : i32
    "tpu.region"() ({
      %run_scoped3A_46 = tpu.sem_alloc : memref<!tpu.dma_semaphore, #tpu.memory_space<semaphore_mem>>
      %dma_start3A_47 = tpu.memref_slice %arg3[%run_scoped3A, %mul3A_10] : memref<2x327680xi32, #tpu.memory_space<hbm>> -> memref<1x20480xi32, #tpu.memory_space<hbm>>
      %dma_start3A_48 = tpu.memref_squeeze %dma_start3A_47 : memref<1x20480xi32, #tpu.memory_space<hbm>> -> memref<20480xi32, #tpu.memory_space<hbm>>
      %dma_start3A_49 = tpu.memref_slice %arg3[%run_scoped3A, %mul3A_10] : memref<2x327680xi32, #tpu.memory_space<hbm>> -> memref<1x20480xi32, #tpu.memory_space<hbm>>
      %dma_start3A_50 = tpu.memref_squeeze %dma_start3A_49 : memref<1x20480xi32, #tpu.memory_space<hbm>> -> memref<20480xi32, #tpu.memory_space<hbm>>
      tpu.enqueue_dma source(%dma_start3A_50 : memref<20480xi32, #tpu.memory_space<hbm>>) target(%arg6 : memref<20480xi32, #tpu.memory_space<vmem>>) target_semaphore(%run_scoped3A_46 : memref<!tpu.dma_semaphore, #tpu.memory_space<semaphore_mem>>)
      %dma_wait3A = tpu.memref_slice %arg3[%run_scoped3A, %mul3A_10] : memref<2x327680xi32, #tpu.memory_space<hbm>> -> memref<1x20480xi32, #tpu.memory_space<hbm>>
      %dma_wait3A_51 = tpu.memref_squeeze %dma_wait3A : memref<1x20480xi32, #tpu.memory_space<hbm>> -> memref<20480xi32, #tpu.memory_space<hbm>>
      %dma_wait3A_52 = tpu.memref_slice %arg3[%run_scoped3A, %mul3A_10] : memref<2x327680xi32, #tpu.memory_space<hbm>> -> memref<1x20480xi32, #tpu.memory_space<hbm>>
      %dma_wait3A_53 = tpu.memref_squeeze %dma_wait3A_52 : memref<1x20480xi32, #tpu.memory_space<hbm>> -> memref<20480xi32, #tpu.memory_space<hbm>>
      tpu.wait_dma2 semaphore(%run_scoped3A_46 : memref<!tpu.dma_semaphore, #tpu.memory_space<semaphore_mem>>) src(%dma_wait3A_53 : memref<20480xi32, #tpu.memory_space<hbm>>) dst(%arg6 : memref<20480xi32, #tpu.memory_space<vmem>>)
      tpu.yield
    }) : () -> ()
    %barrier3A = arith.constant 0 : index
    tpu.barrier barrier_id(%barrier3A)
    %mul3A_11 = arith.constant 20480 : i32
    %mul3A_12 = arith.muli %arg1, %mul3A_11 : i32
    %add3A = arith.constant 0 : i32
    %add3A_13 = arith.addi %mul3A_12, %add3A : i32
    %dma_start3A = arith.constant 1 : i32
    %dma_start3A_14 = tpu.memref_slice %arg3[%dma_start3A, %add3A_13] : memref<2x327680xi32, #tpu.memory_space<hbm>> -> memref<1x512xi32, #tpu.memory_space<hbm>>
    %dma_start3A_15 = tpu.memref_squeeze %dma_start3A_14 : memref<1x512xi32, #tpu.memory_space<hbm>> -> memref<512xi32, #tpu.memory_space<hbm>>
    %dma_start3A_16 = tpu.memref_slice %arg3[%dma_start3A, %add3A_13] : memref<2x327680xi32, #tpu.memory_space<hbm>> -> memref<1x512xi32, #tpu.memory_space<hbm>>
    %dma_start3A_17 = tpu.memref_squeeze %dma_start3A_16 : memref<1x512xi32, #tpu.memory_space<hbm>> -> memref<512xi32, #tpu.memory_space<hbm>>
    tpu.enqueue_dma source(%dma_start3A_17 : memref<512xi32, #tpu.memory_space<hbm>>) target(%arg7 : memref<512xi32, #tpu.memory_space<vmem>>) target_semaphore(%arg14 : memref<!tpu.dma_semaphore, #tpu.memory_space<semaphore_mem>>)
    %dma_start3A_18 = arith.constant 0 : i32
    %dma_start3A_19 = tpu.memref_slice %arg6[%dma_start3A_18] : memref<20480xi32, #tpu.memory_space<vmem>> -> memref<512xi32, #tpu.memory_space<vmem>>
    %dma_start3A_20 = arith.constant 0 : i32
    %dma_start3A_21 = arith.constant 0 : i32
    %dma_start3A_22 = tpu.memref_slice %arg2[%arg0, %dma_start3A_20, %dma_start3A_21] : memref<2x10240x64xf32, #tpu.memory_space<hbm>> -> memref<1x10240x64xf32, #tpu.memory_space<hbm>>
    %dma_start3A_23 = tpu.memref_squeeze %dma_start3A_22 : memref<1x10240x64xf32, #tpu.memory_space<hbm>> -> memref<10240x64xf32, #tpu.memory_space<hbm>>
    %dma_start3A_24 = arith.constant 0 : i32
    %dma_start3A_25 = arith.constant 0 : i32
    %dma_start3A_26 = tpu.memref_slice %dma_start3A_23[%dma_start3A_24, %dma_start3A_25] : memref<10240x64xf32, #tpu.memory_space<hbm>> -> memref<10240x64xf32, #tpu.memory_space<hbm>>
    tpu.enqueue_indirect_dma source(%dma_start3A_26 : memref<10240x64xf32, #tpu.memory_space<hbm>>) target(%arg9 : memref<512x64xf32, #tpu.memory_space<vmem>>) offsets(%dma_start3A_19 : memref<512xi32, #tpu.memory_space<vmem>>) semaphore(%arg12 : memref<!tpu.dma_semaphore, #tpu.memory_space<semaphore_mem>>)
    %mul3A_27 = arith.constant 20480 : i32
    %mul3A_28 = arith.muli %arg1, %mul3A_27 : i32
    %add3A_29 = arith.constant 512 : i32
    %add3A_30 = arith.addi %mul3A_28, %add3A_29 : i32
    %dma_start3A_31 = arith.constant 1 : i32
    %dma_start3A_32 = tpu.memref_slice %arg3[%dma_start3A_31, %add3A_30] : memref<2x327680xi32, #tpu.memory_space<hbm>> -> memref<1x512xi32, #tpu.memory_space<hbm>>
    %dma_start3A_33 = tpu.memref_squeeze %dma_start3A_32 : memref<1x512xi32, #tpu.memory_space<hbm>> -> memref<512xi32, #tpu.memory_space<hbm>>
    %dma_start3A_34 = tpu.memref_slice %arg3[%dma_start3A_31, %add3A_30] : memref<2x327680xi32, #tpu.memory_space<hbm>> -> memref<1x512xi32, #tpu.memory_space<hbm>>
    %dma_start3A_35 = tpu.memref_squeeze %dma_start3A_34 : memref<1x512xi32, #tpu.memory_space<hbm>> -> memref<512xi32, #tpu.memory_space<hbm>>
    tpu.enqueue_dma source(%dma_start3A_35 : memref<512xi32, #tpu.memory_space<hbm>>) target(%arg8 : memref<512xi32, #tpu.memory_space<vmem>>) target_semaphore(%arg15 : memref<!tpu.dma_semaphore, #tpu.memory_space<semaphore_mem>>)
    %scan3A_36 = arith.constant 0 : i32
    %scan3A_37 = arith.constant 20 : i32
    %scan3A_38 = arith.addi %scan3A_36, %scan3A_37 : i32
    %scan3A_39 = arith.constant 1 : i32
    scf.for %scan3A_46 = %scan3A_36 to %scan3A_38 step %scan3A_39  : i32 {
      %mul3A_47 = arith.constant 1 : i32
      %mul3A_48 = arith.muli %scan3A_46, %mul3A_47 : i32
      %add3A_49 = arith.constant 0 : i32
      %add3A_50 = arith.addi %add3A_49, %mul3A_48 : i32
      %mul3A_51 = arith.constant 2 : i32
      %mul3A_52 = arith.muli %add3A_50, %mul3A_51 : i32
      %add3A_53 = arith.constant 1 : i32
      %add3A_54 = arith.addi %mul3A_52, %add3A_53 : i32
      %mul3A_55 = arith.constant 512 : i32
      %mul3A_56 = arith.muli %add3A_54, %mul3A_55 : i32
      %dma_start3A_57 = tpu.memref_slice %arg6[%mul3A_56] : memref<20480xi32, #tpu.memory_space<vmem>> -> memref<512xi32, #tpu.memory_space<vmem>>
      %dma_start3A_58 = arith.constant 0 : i32
      %dma_start3A_59 = arith.constant 0 : i32
      %dma_start3A_60 = tpu.memref_slice %arg2[%arg0, %dma_start3A_58, %dma_start3A_59] : memref<2x10240x64xf32, #tpu.memory_space<hbm>> -> memref<1x10240x64xf32, #tpu.memory_space<hbm>>
      %dma_start3A_61 = tpu.memref_squeeze %dma_start3A_60 : memref<1x10240x64xf32, #tpu.memory_space<hbm>> -> memref<10240x64xf32, #tpu.memory_space<hbm>>
      %dma_start3A_62 = arith.constant 0 : i32
      %dma_start3A_63 = arith.constant 0 : i32
      %dma_start3A_64 = tpu.memref_slice %dma_start3A_61[%dma_start3A_62, %dma_start3A_63] : memref<10240x64xf32, #tpu.memory_space<hbm>> -> memref<10240x64xf32, #tpu.memory_space<hbm>>
      tpu.enqueue_indirect_dma source(%dma_start3A_64 : memref<10240x64xf32, #tpu.memory_space<hbm>>) target(%arg10 : memref<512x64xf32, #tpu.memory_space<vmem>>) offsets(%dma_start3A_57 : memref<512xi32, #tpu.memory_space<vmem>>) semaphore(%arg13 : memref<!tpu.dma_semaphore, #tpu.memory_space<semaphore_mem>>)
      %mul3A_65 = arith.constant 512 : i32
      %mul3A_66 = arith.muli %mul3A_52, %mul3A_65 : i32
      %dma_wait3A = tpu.memref_slice %arg6[%mul3A_66] : memref<20480xi32, #tpu.memory_space<vmem>> -> memref<512xi32, #tpu.memory_space<vmem>>
      %dma_wait3A_67 = arith.constant 0 : i32
      %dma_wait3A_68 = arith.constant 0 : i32
      %dma_wait3A_69 = tpu.memref_slice %arg2[%arg0, %dma_wait3A_67, %dma_wait3A_68] : memref<2x10240x64xf32, #tpu.memory_space<hbm>> -> memref<1x10240x64xf32, #tpu.memory_space<hbm>>
      %dma_wait3A_70 = tpu.memref_squeeze %dma_wait3A_69 : memref<1x10240x64xf32, #tpu.memory_space<hbm>> -> memref<10240x64xf32, #tpu.memory_space<hbm>>
      %dma_wait3A_71 = arith.constant 0 : i32
      %dma_wait3A_72 = arith.constant 0 : i32
      %dma_wait3A_73 = tpu.memref_slice %dma_wait3A_70[%dma_wait3A_71, %dma_wait3A_72] : memref<10240x64xf32, #tpu.memory_space<hbm>> -> memref<10240x64xf32, #tpu.memory_space<hbm>>
      tpu.wait_indirect_dma semaphore(%arg12 : memref<!tpu.dma_semaphore, #tpu.memory_space<semaphore_mem>>) src(%dma_wait3A_73 : memref<10240x64xf32, #tpu.memory_space<hbm>>) dst(%arg9 : memref<512x64xf32, #tpu.memory_space<vmem>>)
      %mul3A_74 = arith.constant 20480 : i32
      %mul3A_75 = arith.muli %arg1, %mul3A_74 : i32
      %mul3A_76 = arith.constant 512 : i32
      %mul3A_77 = arith.muli %mul3A_52, %mul3A_76 : i32
      %add3A_78 = arith.addi %mul3A_75, %mul3A_77 : i32
      %dma_wait3A_79 = arith.constant 1 : i32
      %dma_wait3A_80 = tpu.memref_slice %arg3[%dma_wait3A_79, %add3A_78] : memref<2x327680xi32, #tpu.memory_space<hbm>> -> memref<1x512xi32, #tpu.memory_space<hbm>>
      %dma_wait3A_81 = tpu.memref_squeeze %dma_wait3A_80 : memref<1x512xi32, #tpu.memory_space<hbm>> -> memref<512xi32, #tpu.memory_space<hbm>>
      %dma_wait3A_82 = tpu.memref_slice %arg3[%dma_wait3A_79, %add3A_78] : memref<2x327680xi32, #tpu.memory_space<hbm>> -> memref<1x512xi32, #tpu.memory_space<hbm>>
      %dma_wait3A_83 = tpu.memref_squeeze %dma_wait3A_82 : memref<1x512xi32, #tpu.memory_space<hbm>> -> memref<512xi32, #tpu.memory_space<hbm>>
      tpu.wait_dma2 semaphore(%arg14 : memref<!tpu.dma_semaphore, #tpu.memory_space<semaphore_mem>>) src(%dma_wait3A_83 : memref<512xi32, #tpu.memory_space<hbm>>) dst(%arg7 : memref<512xi32, #tpu.memory_space<vmem>>)
      %add3A_84 = arith.constant 2 : i32
      %add3A_85 = arith.addi %mul3A_52, %add3A_84 : i32
      %lt3A = arith.constant 40 : i32
      %lt3A_86 = arith.cmpi slt, %add3A_85, %lt3A : i32
      %convert_element_type3A = arith.extui %lt3A_86 : i1 to i32
      %cond3A = arith.constant 0 : i32
      %cond3A_87 = arith.cmpi ne, %convert_element_type3A, %cond3A : i32
      scf.if %cond3A_87 {
        %add3A_115 = arith.constant 2 : i32
        %add3A_116 = arith.addi %mul3A_52, %add3A_115 : i32
        %mul3A_117 = arith.constant 20480 : i32
        %mul3A_118 = arith.muli %arg1, %mul3A_117 : i32
        %mul3A_119 = arith.constant 512 : i32
        %mul3A_120 = arith.muli %add3A_116, %mul3A_119 : i32
        %add3A_121 = arith.addi %mul3A_118, %mul3A_120 : i32
        %dma_start3A_122 = arith.constant 1 : i32
        %dma_start3A_123 = tpu.memref_slice %arg3[%dma_start3A_122, %add3A_121] : memref<2x327680xi32, #tpu.memory_space<hbm>> -> memref<1x512xi32, #tpu.memory_space<hbm>>
        %dma_start3A_124 = tpu.memref_squeeze %dma_start3A_123 : memref<1x512xi32, #tpu.memory_space<hbm>> -> memref<512xi32, #tpu.memory_space<hbm>>
        %dma_start3A_125 = tpu.memref_slice %arg3[%dma_start3A_122, %add3A_121] : memref<2x327680xi32, #tpu.memory_space<hbm>> -> memref<1x512xi32, #tpu.memory_space<hbm>>
        %dma_start3A_126 = tpu.memref_squeeze %dma_start3A_125 : memref<1x512xi32, #tpu.memory_space<hbm>> -> memref<512xi32, #tpu.memory_space<hbm>>
        tpu.enqueue_dma source(%dma_start3A_126 : memref<512xi32, #tpu.memory_space<hbm>>) target(%arg7 : memref<512xi32, #tpu.memory_space<vmem>>) target_semaphore(%arg14 : memref<!tpu.dma_semaphore, #tpu.memory_space<semaphore_mem>>)
        %add3A_127 = arith.constant 2 : i32
        %add3A_128 = arith.addi %mul3A_52, %add3A_127 : i32
        %mul3A_129 = arith.constant 512 : i32
        %mul3A_130 = arith.muli %add3A_128, %mul3A_129 : i32
        %dma_start3A_131 = tpu.memref_slice %arg6[%mul3A_130] : memref<20480xi32, #tpu.memory_space<vmem>> -> memref<512xi32, #tpu.memory_space<vmem>>
        %dma_start3A_132 = arith.constant 0 : i32
        %dma_start3A_133 = arith.constant 0 : i32
        %dma_start3A_134 = tpu.memref_slice %arg2[%arg0, %dma_start3A_132, %dma_start3A_133] : memref<2x10240x64xf32, #tpu.memory_space<hbm>> -> memref<1x10240x64xf32, #tpu.memory_space<hbm>>
        %dma_start3A_135 = tpu.memref_squeeze %dma_start3A_134 : memref<1x10240x64xf32, #tpu.memory_space<hbm>> -> memref<10240x64xf32, #tpu.memory_space<hbm>>
        %dma_start3A_136 = arith.constant 0 : i32
        %dma_start3A_137 = arith.constant 0 : i32
        %dma_start3A_138 = tpu.memref_slice %dma_start3A_135[%dma_start3A_136, %dma_start3A_137] : memref<10240x64xf32, #tpu.memory_space<hbm>> -> memref<10240x64xf32, #tpu.memory_space<hbm>>
        tpu.enqueue_indirect_dma source(%dma_start3A_138 : memref<10240x64xf32, #tpu.memory_space<hbm>>) target(%arg9 : memref<512x64xf32, #tpu.memory_space<vmem>>) offsets(%dma_start3A_131 : memref<512xi32, #tpu.memory_space<vmem>>) semaphore(%arg12 : memref<!tpu.dma_semaphore, #tpu.memory_space<semaphore_mem>>)
      } else {
      }
      %dma_wait3A_88 = tpu.memref_slice %arg6[%mul3A_56] : memref<20480xi32, #tpu.memory_space<vmem>> -> memref<512xi32, #tpu.memory_space<vmem>>
      %dma_wait3A_89 = arith.constant 0 : i32
      %dma_wait3A_90 = arith.constant 0 : i32
      %dma_wait3A_91 = tpu.memref_slice %arg2[%arg0, %dma_wait3A_89, %dma_wait3A_90] : memref<2x10240x64xf32, #tpu.memory_space<hbm>> -> memref<1x10240x64xf32, #tpu.memory_space<hbm>>
      %dma_wait3A_92 = tpu.memref_squeeze %dma_wait3A_91 : memref<1x10240x64xf32, #tpu.memory_space<hbm>> -> memref<10240x64xf32, #tpu.memory_space<hbm>>
      %dma_wait3A_93 = arith.constant 0 : i32
      %dma_wait3A_94 = arith.constant 0 : i32
      %dma_wait3A_95 = tpu.memref_slice %dma_wait3A_92[%dma_wait3A_93, %dma_wait3A_94] : memref<10240x64xf32, #tpu.memory_space<hbm>> -> memref<10240x64xf32, #tpu.memory_space<hbm>>
      tpu.wait_indirect_dma semaphore(%arg13 : memref<!tpu.dma_semaphore, #tpu.memory_space<semaphore_mem>>) src(%dma_wait3A_95 : memref<10240x64xf32, #tpu.memory_space<hbm>>) dst(%arg10 : memref<512x64xf32, #tpu.memory_space<vmem>>)
      %mul3A_96 = arith.constant 20480 : i32
      %mul3A_97 = arith.muli %arg1, %mul3A_96 : i32
      %add3A_98 = arith.constant 1 : i32
      %add3A_99 = arith.addi %mul3A_52, %add3A_98 : i32
      %mul3A_100 = arith.constant 512 : i32
      %mul3A_101 = arith.muli %add3A_99, %mul3A_100 : i32
      %add3A_102 = arith.addi %mul3A_97, %mul3A_101 : i32
      %dma_wait3A_103 = arith.constant 1 : i32
      %dma_wait3A_104 = tpu.memref_slice %arg3[%dma_wait3A_103, %add3A_102] : memref<2x327680xi32, #tpu.memory_space<hbm>> -> memref<1x512xi32, #tpu.memory_space<hbm>>
      %dma_wait3A_105 = tpu.memref_squeeze %dma_wait3A_104 : memref<1x512xi32, #tpu.memory_space<hbm>> -> memref<512xi32, #tpu.memory_space<hbm>>
      %dma_wait3A_106 = tpu.memref_slice %arg3[%dma_wait3A_103, %add3A_102] : memref<2x327680xi32, #tpu.memory_space<hbm>> -> memref<1x512xi32, #tpu.memory_space<hbm>>
      %dma_wait3A_107 = tpu.memref_squeeze %dma_wait3A_106 : memref<1x512xi32, #tpu.memory_space<hbm>> -> memref<512xi32, #tpu.memory_space<hbm>>
      tpu.wait_dma2 semaphore(%arg15 : memref<!tpu.dma_semaphore, #tpu.memory_space<semaphore_mem>>) src(%dma_wait3A_107 : memref<512xi32, #tpu.memory_space<hbm>>) dst(%arg8 : memref<512xi32, #tpu.memory_space<vmem>>)
      %add3A_108 = arith.constant 3 : i32
      %add3A_109 = arith.addi %mul3A_52, %add3A_108 : i32
      %lt3A_110 = arith.constant 40 : i32
      %lt3A_111 = arith.cmpi slt, %add3A_109, %lt3A_110 : i32
      %convert_element_type3A_112 = arith.extui %lt3A_111 : i1 to i32
      %cond3A_113 = arith.constant 0 : i32
      %cond3A_114 = arith.cmpi ne, %convert_element_type3A_112, %cond3A_113 : i32
      scf.if %cond3A_114 {
        %add3A_115 = arith.constant 3 : i32
        %add3A_116 = arith.addi %mul3A_52, %add3A_115 : i32
        %mul3A_117 = arith.constant 20480 : i32
        %mul3A_118 = arith.muli %arg1, %mul3A_117 : i32
        %mul3A_119 = arith.constant 512 : i32
        %mul3A_120 = arith.muli %add3A_116, %mul3A_119 : i32
        %add3A_121 = arith.addi %mul3A_118, %mul3A_120 : i32
        %dma_start3A_122 = arith.constant 1 : i32
        %dma_start3A_123 = tpu.memref_slice %arg3[%dma_start3A_122, %add3A_121] : memref<2x327680xi32, #tpu.memory_space<hbm>> -> memref<1x512xi32, #tpu.memory_space<hbm>>
        %dma_start3A_124 = tpu.memref_squeeze %dma_start3A_123 : memref<1x512xi32, #tpu.memory_space<hbm>> -> memref<512xi32, #tpu.memory_space<hbm>>
        %dma_start3A_125 = tpu.memref_slice %arg3[%dma_start3A_122, %add3A_121] : memref<2x327680xi32, #tpu.memory_space<hbm>> -> memref<1x512xi32, #tpu.memory_space<hbm>>
        %dma_start3A_126 = tpu.memref_squeeze %dma_start3A_125 : memref<1x512xi32, #tpu.memory_space<hbm>> -> memref<512xi32, #tpu.memory_space<hbm>>
        tpu.enqueue_dma source(%dma_start3A_126 : memref<512xi32, #tpu.memory_space<hbm>>) target(%arg8 : memref<512xi32, #tpu.memory_space<vmem>>) target_semaphore(%arg15 : memref<!tpu.dma_semaphore, #tpu.memory_space<semaphore_mem>>)
      } else {
      }
    }
    %scan3A_40 = arith.constant 20 : i32
    %barrier3A_41 = arith.constant 0 : index
    tpu.barrier barrier_id(%barrier3A_41)
    %mul3A_42 = arith.constant 640 : i32
    %mul3A_43 = arith.muli %arg1, %mul3A_42 : i32
    %mul3A_44 = arith.constant 640 : i32
    %mul3A_45 = arith.muli %arg1, %mul3A_44 : i32
    "tpu.region"() ({
      %run_scoped3A_46 = tpu.sem_alloc : memref<!tpu.dma_semaphore, #tpu.memory_space<semaphore_mem>>
      %dma_start3A_47 = arith.constant 0 : i32
      %dma_start3A_48 = tpu.memref_slice %arg4[%arg0, %mul3A_45, %dma_start3A_47] : memref<2x10240x64xf32, #tpu.memory_space<hbm>> -> memref<1x640x64xf32, #tpu.memory_space<hbm>>
      %dma_start3A_49 = tpu.memref_squeeze %dma_start3A_48 : memref<1x640x64xf32, #tpu.memory_space<hbm>> -> memref<640x64xf32, #tpu.memory_space<hbm>>
      %dma_start3A_50 = arith.constant 0 : i32
      %dma_start3A_51 = tpu.memref_slice %arg5[%mul3A_43, %dma_start3A_50] : memref<10240x64xf32, #tpu.memory_space<vmem_shared>> -> memref<640x64xf32, #tpu.memory_space<vmem_shared>>
      tpu.enqueue_dma source(%dma_start3A_51 : memref<640x64xf32, #tpu.memory_space<vmem_shared>>) target(%dma_start3A_49 : memref<640x64xf32, #tpu.memory_space<hbm>>) target_semaphore(%run_scoped3A_46 : memref<!tpu.dma_semaphore, #tpu.memory_space<semaphore_mem>>)
      %dma_wait3A = arith.constant 0 : i32
      %dma_wait3A_52 = tpu.memref_slice %arg4[%arg0, %mul3A_45, %dma_wait3A] : memref<2x10240x64xf32, #tpu.memory_space<hbm>> -> memref<1x640x64xf32, #tpu.memory_space<hbm>>
      %dma_wait3A_53 = tpu.memref_squeeze %dma_wait3A_52 : memref<1x640x64xf32, #tpu.memory_space<hbm>> -> memref<640x64xf32, #tpu.memory_space<hbm>>
      %dma_wait3A_54 = arith.constant 0 : i32
      %dma_wait3A_55 = tpu.memref_slice %arg5[%mul3A_43, %dma_wait3A_54] : memref<10240x64xf32, #tpu.memory_space<vmem_shared>> -> memref<640x64xf32, #tpu.memory_space<vmem_shared>>
      tpu.wait_dma2 semaphore(%run_scoped3A_46 : memref<!tpu.dma_semaphore, #tpu.memory_space<semaphore_mem>>) src(%dma_wait3A_55 : memref<640x64xf32, #tpu.memory_space<vmem_shared>>) dst(%dma_wait3A_53 : memref<640x64xf32, #tpu.memory_space<hbm>>)
      tpu.yield
    }) : () -> ()
    return
  }
}

#map = affine_map<(d0, d1) -> (0, 0, 0)>
#map1 = affine_map<(d0, d1) -> (0, 0)>
module attributes {stable_mosaic.version = 14 : i64} {
  func.func @spmm(%arg0: i32, %arg1: i32, %arg2: memref<2x10240x64xf32, #tpu.memory_space<hbm>>, %arg3: memref<2x327680xi32, #tpu.memory_space<hbm>>, %arg4: memref<2x10240x64xf32, #tpu.memory_space<hbm>>, %arg5: memref<10240x64xf32, #tpu.memory_space<vmem_shared>>, %arg6: memref<20480xi32, #tpu.memory_space<vmem>>, %arg7: memref<512xi32, #tpu.memory_space<vmem>>, %arg8: memref<512xi32, #tpu.memory_space<vmem>>, %arg9: memref<512x64xf32, #tpu.memory_space<vmem>>, %arg10: memref<512x64xf32, #tpu.memory_space<vmem>>, %arg11: memref<32x64xf32, #tpu.memory_space<vmem>>, %arg12: memref<!tpu.dma_semaphore, #tpu.memory_space<semaphore_mem>>, %arg13: memref<!tpu.dma_semaphore, #tpu.memory_space<semaphore_mem>>, %arg14: memref<!tpu.dma_semaphore, #tpu.memory_space<semaphore_mem>>, %arg15: memref<!tpu.dma_semaphore, #tpu.memory_space<semaphore_mem>>) attributes {dimension_semantics = [#tpu.dimension_semantics<core_parallel>, #tpu.dimension_semantics<subcore_parallel>], iteration_bounds = array<i64: 2, 16>, scalar_prefetch = 0 : i64, scratch_operands = 11 : i64, tpu.core_type = #tpu.core_type<sc_vector_subcore>, window_params = [{transform_indices = #map}, {transform_indices = #map1}, {transform_indices = #map}]} {
    %broadcast_in_dim3A = arith.constant 0.000000e+00 : f32
    %broadcast_in_dim3A_0 = vector.broadcast %broadcast_in_dim3A : f32 to vector<16xf32>
    %scan3A = arith.constant 0 : i32
    %scan3A_1 = arith.constant 128 : i32
    %scan3A_2 = arith.addi %scan3A, %scan3A_1 : i32
    %scan3A_3 = arith.constant 1 : i32
    scf.for %scan3A_46 = %scan3A to %scan3A_2 step %scan3A_3  : i32 {
      %mul3A_47 = arith.constant 1 : i32
      %mul3A_48 = arith.muli %scan3A_46, %mul3A_47 : i32
      %add3A_49 = arith.constant 0 : i32
      %add3A_50 = arith.addi %add3A_49, %mul3A_48 : i32
      %jit3A = arith.constant 4 : i32
      %div3A = arith.divsi %add3A_50, %jit3A : i32
      %sign3A = arith.constant 0 : i32
      %sign3A_51 = arith.cmpi sgt, %add3A_50, %sign3A : i32
      %sign3A_52 = arith.extui %sign3A_51 : i1 to i32
      %sign3A_53 = arith.constant 0 : i32
      %sign3A_54 = arith.cmpi slt, %add3A_50, %sign3A_53 : i32
      %sign3A_55 = arith.extui %sign3A_54 : i1 to i32
      %sign3A_56 = arith.subi %sign3A_52, %sign3A_55 : i32
      %sign3A_57 = arith.constant 0 : i32
      %sign3A_58 = arith.cmpi sgt, %jit3A, %sign3A_57 : i32
      %sign3A_59 = arith.extui %sign3A_58 : i1 to i32
      %sign3A_60 = arith.constant 0 : i32
      %sign3A_61 = arith.cmpi slt, %jit3A, %sign3A_60 : i32
      %sign3A_62 = arith.extui %sign3A_61 : i1 to i32
      %sign3A_63 = arith.subi %sign3A_59, %sign3A_62 : i32
      %ne3A = arith.cmpi ne, %sign3A_56, %sign3A_63 : i32
      %rem3A = arith.remsi %add3A_50, %jit3A : i32
      %ne3A_64 = arith.constant 0 : i32
      %ne3A_65 = arith.cmpi ne, %rem3A, %ne3A_64 : i32
      %and3A = arith.andi %ne3A, %ne3A_65 : i1
      %sub3A = arith.constant 1 : i32
      %sub3A_66 = arith.subi %div3A, %sub3A : i32
      %select_n3A = arith.select %and3A, %sub3A_66, %div3A : i32
      %jit3A_67 = arith.constant 4 : i32
      %eq3A = arith.constant 0 : i32
      %eq3A_68 = arith.cmpi eq, %jit3A_67, %eq3A : i32
      %jit3A_69 = arith.constant 1 : i32
      %select_n3A_70 = arith.select %eq3A_68, %jit3A_69, %jit3A_67 : i32
      %rem3A_71 = arith.remsi %add3A_50, %select_n3A_70 : i32
      %ne3A_72 = arith.constant 0 : i32
      %ne3A_73 = arith.cmpi ne, %rem3A_71, %ne3A_72 : i32
      %lt3A = arith.constant 0 : i32
      %lt3A_74 = arith.cmpi slt, %rem3A_71, %lt3A : i32
      %lt3A_75 = arith.constant 0 : i32
      %lt3A_76 = arith.cmpi slt, %select_n3A_70, %lt3A_75 : i32
      %ne3A_77 = arith.xori %lt3A_74, %lt3A_76 : i1
      %and3A_78 = arith.andi %ne3A_77, %ne3A_73 : i1
      %add3A_79 = arith.addi %rem3A_71, %select_n3A_70 : i32
      %select_n3A_80 = arith.select %and3A_78, %add3A_79, %rem3A_71 : i32
      %mul3A_81 = arith.constant 16 : i32
      %mul3A_82 = arith.muli %select_n3A_80, %mul3A_81 : i32
      %swap3A = arith.index_cast %select_n3A : i32 to index
      %swap3A_83 = arith.index_cast %mul3A_82 : i32 to index
      %swap3A_84 = tpu.vector_load %arg11[%swap3A, %swap3A_83] {strides = array<i32>} : memref<32x64xf32, #tpu.memory_space<vmem>>, vector<1x16xf32>,
      %swap3A_85 = vector.shape_cast %swap3A_84 : vector<1x16xf32> to vector<16xf32>
      %swap3A_86 = vector.shape_cast %broadcast_in_dim3A_0 : vector<16xf32> to vector<1x16xf32>
      tpu.vector_store %arg11[%swap3A, %swap3A_83], %swap3A_86 {strides = array<i32>} : memref<32x64xf32, #tpu.memory_space<vmem>>, vector<1x16xf32>,
    }
    %scan3A_4 = arith.constant 128 : i32
    %scan3A_5 = arith.constant 0 : i32
    %scan3A_6 = arith.constant 20 : i32
    %scan3A_7 = arith.addi %scan3A_5, %scan3A_6 : i32
    %scan3A_8 = arith.constant 1 : i32
    scf.for %scan3A_46 = %scan3A_5 to %scan3A_7 step %scan3A_8  : i32 {
      %mul3A_47 = arith.constant 1 : i32
      %mul3A_48 = arith.muli %scan3A_46, %mul3A_47 : i32
      %add3A_49 = arith.constant 0 : i32
      %add3A_50 = arith.addi %add3A_49, %mul3A_48 : i32
      %mul3A_51 = arith.constant 640 : i32
      %mul3A_52 = arith.muli %arg1, %mul3A_51 : i32
      %mul3A_53 = arith.constant 32 : i32
      %mul3A_54 = arith.muli %add3A_50, %mul3A_53 : i32
      %add3A_55 = arith.addi %mul3A_52, %mul3A_54 : i32
      "tpu.region"() ({
        %run_scoped3A_56 = tpu.sem_alloc : memref<!tpu.dma_semaphore, #tpu.memory_space<semaphore_mem>>
        %dma_start3A_57 = arith.constant 0 : i32
        %dma_start3A_58 = tpu.memref_slice %arg5[%add3A_55, %dma_start3A_57] : memref<10240x64xf32, #tpu.memory_space<vmem_shared>> -> memref<32x64xf32, #tpu.memory_space<vmem_shared>>
        %dma_start3A_59 = arith.constant 0 : i32
        %dma_start3A_60 = tpu.memref_slice %arg5[%add3A_55, %dma_start3A_59] : memref<10240x64xf32, #tpu.memory_space<vmem_shared>> -> memref<32x64xf32, #tpu.memory_space<vmem_shared>>
        tpu.enqueue_dma source(%arg11 : memref<32x64xf32, #tpu.memory_space<vmem>>) target(%dma_start3A_60 : memref<32x64xf32, #tpu.memory_space<vmem_shared>>) target_semaphore(%run_scoped3A_56 : memref<!tpu.dma_semaphore, #tpu.memory_space<semaphore_mem>>)
        %dma_wait3A = arith.constant 0 : i32
        %dma_wait3A_61 = tpu.memref_slice %arg5[%add3A_55, %dma_wait3A] : memref<10240x64xf32, #tpu.memory_space<vmem_shared>> -> memref<32x64xf32, #tpu.memory_space<vmem_shared>>
        %dma_wait3A_62 = arith.constant 0 : i32
        %dma_wait3A_63 = tpu.memref_slice %arg5[%add3A_55, %dma_wait3A_62] : memref<10240x64xf32, #tpu.memory_space<vmem_shared>> -> memref<32x64xf32, #tpu.memory_space<vmem_shared>>
        tpu.wait_dma2 semaphore(%run_scoped3A_56 : memref<!tpu.dma_semaphore, #tpu.memory_space<semaphore_mem>>) src(%arg11 : memref<32x64xf32, #tpu.memory_space<vmem>>) dst(%dma_wait3A_63 : memref<32x64xf32, #tpu.memory_space<vmem_shared>>)
        tpu.yield
      }) : () -> ()
    }
    %scan3A_9 = arith.constant 20 : i32
    %mul3A = arith.constant 20480 : i32
    %mul3A_10 = arith.muli %arg1, %mul3A : i32
    %run_scoped3A = arith.constant 0 : i32
    "tpu.region"() ({
      %run_scoped3A_46 = tpu.sem_alloc : memref<!tpu.dma_semaphore, #tpu.memory_space<semaphore_mem>>
      %dma_start3A_47 = tpu.memref_slice %arg3[%run_scoped3A, %mul3A_10] : memref<2x327680xi32, #tpu.memory_space<hbm>> -> memref<1x20480xi32, #tpu.memory_space<hbm>>
      %dma_start3A_48 = tpu.memref_squeeze %dma_start3A_47 : memref<1x20480xi32, #tpu.memory_space<hbm>> -> memref<20480xi32, #tpu.memory_space<hbm>>
      %dma_start3A_49 = tpu.memref_slice %arg3[%run_scoped3A, %mul3A_10] : memref<2x327680xi32, #tpu.memory_space<hbm>> -> memref<1x20480xi32, #tpu.memory_space<hbm>>
      %dma_start3A_50 = tpu.memref_squeeze %dma_start3A_49 : memref<1x20480xi32, #tpu.memory_space<hbm>> -> memref<20480xi32, #tpu.memory_space<hbm>>
      tpu.enqueue_dma source(%dma_start3A_50 : memref<20480xi32, #tpu.memory_space<hbm>>) target(%arg6 : memref<20480xi32, #tpu.memory_space<vmem>>) target_semaphore(%run_scoped3A_46 : memref<!tpu.dma_semaphore, #tpu.memory_space<semaphore_mem>>)
      %dma_wait3A = tpu.memref_slice %arg3[%run_scoped3A, %mul3A_10] : memref<2x327680xi32, #tpu.memory_space<hbm>> -> memref<1x20480xi32, #tpu.memory_space<hbm>>
      %dma_wait3A_51 = tpu.memref_squeeze %dma_wait3A : memref<1x20480xi32, #tpu.memory_space<hbm>> -> memref<20480xi32, #tpu.memory_space<hbm>>
      %dma_wait3A_52 = tpu.memref_slice %arg3[%run_scoped3A, %mul3A_10] : memref<2x327680xi32, #tpu.memory_space<hbm>> -> memref<1x20480xi32, #tpu.memory_space<hbm>>
      %dma_wait3A_53 = tpu.memref_squeeze %dma_wait3A_52 : memref<1x20480xi32, #tpu.memory_space<hbm>> -> memref<20480xi32, #tpu.memory_space<hbm>>
      tpu.wait_dma2 semaphore(%run_scoped3A_46 : memref<!tpu.dma_semaphore, #tpu.memory_space<semaphore_mem>>) src(%dma_wait3A_53 : memref<20480xi32, #tpu.memory_space<hbm>>) dst(%arg6 : memref<20480xi32, #tpu.memory_space<vmem>>)
      tpu.yield
    }) : () -> ()
    %barrier3A = arith.constant 0 : index
    tpu.barrier barrier_id(%barrier3A)
    %mul3A_11 = arith.constant 20480 : i32
    %mul3A_12 = arith.muli %arg1, %mul3A_11 : i32
    %add3A = arith.constant 0 : i32
    %add3A_13 = arith.addi %mul3A_12, %add3A : i32
    %dma_start3A = arith.constant 1 : i32
    %dma_start3A_14 = tpu.memref_slice %arg3[%dma_start3A, %add3A_13] : memref<2x327680xi32, #tpu.memory_space<hbm>> -> memref<1x512xi32, #tpu.memory_space<hbm>>
    %dma_start3A_15 = tpu.memref_squeeze %dma_start3A_14 : memref<1x512xi32, #tpu.memory_space<hbm>> -> memref<512xi32, #tpu.memory_space<hbm>>
    %dma_start3A_16 = tpu.memref_slice %arg3[%dma_start3A, %add3A_13] : memref<2x327680xi32, #tpu.memory_space<hbm>> -> memref<1x512xi32, #tpu.memory_space<hbm>>
    %dma_start3A_17 = tpu.memref_squeeze %dma_start3A_16 : memref<1x512xi32, #tpu.memory_space<hbm>> -> memref<512xi32, #tpu.memory_space<hbm>>
    tpu.enqueue_dma source(%dma_start3A_17 : memref<512xi32, #tpu.memory_space<hbm>>) target(%arg7 : memref<512xi32, #tpu.memory_space<vmem>>) target_semaphore(%arg14 : memref<!tpu.dma_semaphore, #tpu.memory_space<semaphore_mem>>)
    %dma_start3A_18 = arith.constant 0 : i32
    %dma_start3A_19 = tpu.memref_slice %arg6[%dma_start3A_18] : memref<20480xi32, #tpu.memory_space<vmem>> -> memref<512xi32, #tpu.memory_space<vmem>>
    %dma_start3A_20 = arith.constant 0 : i32
    %dma_start3A_21 = arith.constant 0 : i32
    %dma_start3A_22 = tpu.memref_slice %arg2[%arg0, %dma_start3A_20, %dma_start3A_21] : memref<2x10240x64xf32, #tpu.memory_space<hbm>> -> memref<1x10240x64xf32, #tpu.memory_space<hbm>>
    %dma_start3A_23 = tpu.memref_squeeze %dma_start3A_22 : memref<1x10240x64xf32, #tpu.memory_space<hbm>> -> memref<10240x64xf32, #tpu.memory_space<hbm>>
    %dma_start3A_24 = arith.constant 0 : i32
    %dma_start3A_25 = arith.constant 0 : i32
    %dma_start3A_26 = tpu.memref_slice %dma_start3A_23[%dma_start3A_24, %dma_start3A_25] : memref<10240x64xf32, #tpu.memory_space<hbm>> -> memref<10240x64xf32, #tpu.memory_space<hbm>>
    tpu.enqueue_indirect_dma source(%dma_start3A_26 : memref<10240x64xf32, #tpu.memory_space<hbm>>) target(%arg9 : memref<512x64xf32, #tpu.memory_space<vmem>>) offsets(%dma_start3A_19 : memref<512xi32, #tpu.memory_space<vmem>>) semaphore(%arg12 : memref<!tpu.dma_semaphore, #tpu.memory_space<semaphore_mem>>)
    %mul3A_27 = arith.constant 20480 : i32
    %mul3A_28 = arith.muli %arg1, %mul3A_27 : i32
    %add3A_29 = arith.constant 512 : i32
    %add3A_30 = arith.addi %mul3A_28, %add3A_29 : i32
    %dma_start3A_31 = arith.constant 1 : i32
    %dma_start3A_32 = tpu.memref_slice %arg3[%dma_start3A_31, %add3A_30] : memref<2x327680xi32, #tpu.memory_space<hbm>> -> memref<1x512xi32, #tpu.memory_space<hbm>>
    %dma_start3A_33 = tpu.memref_squeeze %dma_start3A_32 : memref<1x512xi32, #tpu.memory_space<hbm>> -> memref<512xi32, #tpu.memory_space<hbm>>
    %dma_start3A_34 = tpu.memref_slice %arg3[%dma_start3A_31, %add3A_30] : memref<2x327680xi32, #tpu.memory_space<hbm>> -> memref<1x512xi32, #tpu.memory_space<hbm>>
    %dma_start3A_35 = tpu.memref_squeeze %dma_start3A_34 : memref<1x512xi32, #tpu.memory_space<hbm>> -> memref<512xi32, #tpu.memory_space<hbm>>
    tpu.enqueue_dma source(%dma_start3A_35 : memref<512xi32, #tpu.memory_space<hbm>>) target(%arg8 : memref<512xi32, #tpu.memory_space<vmem>>) target_semaphore(%arg15 : memref<!tpu.dma_semaphore, #tpu.memory_space<semaphore_mem>>)
    %scan3A_36 = arith.constant 0 : i32
    %scan3A_37 = arith.constant 20 : i32
    %scan3A_38 = arith.addi %scan3A_36, %scan3A_37 : i32
    %scan3A_39 = arith.constant 1 : i32
    scf.for %scan3A_46 = %scan3A_36 to %scan3A_38 step %scan3A_39  : i32 {
      %mul3A_47 = arith.constant 1 : i32
      %mul3A_48 = arith.muli %scan3A_46, %mul3A_47 : i32
      %add3A_49 = arith.constant 0 : i32
      %add3A_50 = arith.addi %add3A_49, %mul3A_48 : i32
      %mul3A_51 = arith.constant 2 : i32
      %mul3A_52 = arith.muli %add3A_50, %mul3A_51 : i32
      %add3A_53 = arith.constant 1 : i32
      %add3A_54 = arith.addi %mul3A_52, %add3A_53 : i32
      %mul3A_55 = arith.constant 512 : i32
      %mul3A_56 = arith.muli %add3A_54, %mul3A_55 : i32
      %dma_start3A_57 = tpu.memref_slice %arg6[%mul3A_56] : memref<20480xi32, #tpu.memory_space<vmem>> -> memref<512xi32, #tpu.memory_space<vmem>>
      %dma_start3A_58 = arith.constant 0 : i32
      %dma_start3A_59 = arith.constant 0 : i32
      %dma_start3A_60 = tpu.memref_slice %arg2[%arg0, %dma_start3A_58, %dma_start3A_59] : memref<2x10240x64xf32, #tpu.memory_space<hbm>> -> memref<1x10240x64xf32, #tpu.memory_space<hbm>>
      %dma_start3A_61 = tpu.memref_squeeze %dma_start3A_60 : memref<1x10240x64xf32, #tpu.memory_space<hbm>> -> memref<10240x64xf32, #tpu.memory_space<hbm>>
      %dma_start3A_62 = arith.constant 0 : i32
      %dma_start3A_63 = arith.constant 0 : i32
      %dma_start3A_64 = tpu.memref_slice %dma_start3A_61[%dma_start3A_62, %dma_start3A_63] : memref<10240x64xf32, #tpu.memory_space<hbm>> -> memref<10240x64xf32, #tpu.memory_space<hbm>>
      tpu.enqueue_indirect_dma source(%dma_start3A_64 : memref<10240x64xf32, #tpu.memory_space<hbm>>) target(%arg10 : memref<512x64xf32, #tpu.memory_space<vmem>>) offsets(%dma_start3A_57 : memref<512xi32, #tpu.memory_space<vmem>>) semaphore(%arg13 : memref<!tpu.dma_semaphore, #tpu.memory_space<semaphore_mem>>)
      %mul3A_65 = arith.constant 512 : i32
      %mul3A_66 = arith.muli %mul3A_52, %mul3A_65 : i32
      %dma_wait3A = tpu.memref_slice %arg6[%mul3A_66] : memref<20480xi32, #tpu.memory_space<vmem>> -> memref<512xi32, #tpu.memory_space<vmem>>
      %dma_wait3A_67 = arith.constant 0 : i32
      %dma_wait3A_68 = arith.constant 0 : i32
      %dma_wait3A_69 = tpu.memref_slice %arg2[%arg0, %dma_wait3A_67, %dma_wait3A_68] : memref<2x10240x64xf32, #tpu.memory_space<hbm>> -> memref<1x10240x64xf32, #tpu.memory_space<hbm>>
      %dma_wait3A_70 = tpu.memref_squeeze %dma_wait3A_69 : memref<1x10240x64xf32, #tpu.memory_space<hbm>> -> memref<10240x64xf32, #tpu.memory_space<hbm>>
      %dma_wait3A_71 = arith.constant 0 : i32
      %dma_wait3A_72 = arith.constant 0 : i32
      %dma_wait3A_73 = tpu.memref_slice %dma_wait3A_70[%dma_wait3A_71, %dma_wait3A_72] : memref<10240x64xf32, #tpu.memory_space<hbm>> -> memref<10240x64xf32, #tpu.memory_space<hbm>>
      tpu.wait_indirect_dma semaphore(%arg12 : memref<!tpu.dma_semaphore, #tpu.memory_space<semaphore_mem>>) src(%dma_wait3A_73 : memref<10240x64xf32, #tpu.memory_space<hbm>>) dst(%arg9 : memref<512x64xf32, #tpu.memory_space<vmem>>)
      %mul3A_74 = arith.constant 20480 : i32
      %mul3A_75 = arith.muli %arg1, %mul3A_74 : i32
      %mul3A_76 = arith.constant 512 : i32
      %mul3A_77 = arith.muli %mul3A_52, %mul3A_76 : i32
      %add3A_78 = arith.addi %mul3A_75, %mul3A_77 : i32
      %dma_wait3A_79 = arith.constant 1 : i32
      %dma_wait3A_80 = tpu.memref_slice %arg3[%dma_wait3A_79, %add3A_78] : memref<2x327680xi32, #tpu.memory_space<hbm>> -> memref<1x512xi32, #tpu.memory_space<hbm>>
      %dma_wait3A_81 = tpu.memref_squeeze %dma_wait3A_80 : memref<1x512xi32, #tpu.memory_space<hbm>> -> memref<512xi32, #tpu.memory_space<hbm>>
      %dma_wait3A_82 = tpu.memref_slice %arg3[%dma_wait3A_79, %add3A_78] : memref<2x327680xi32, #tpu.memory_space<hbm>> -> memref<1x512xi32, #tpu.memory_space<hbm>>
      %dma_wait3A_83 = tpu.memref_squeeze %dma_wait3A_82 : memref<1x512xi32, #tpu.memory_space<hbm>> -> memref<512xi32, #tpu.memory_space<hbm>>
      tpu.wait_dma2 semaphore(%arg14 : memref<!tpu.dma_semaphore, #tpu.memory_space<semaphore_mem>>) src(%dma_wait3A_83 : memref<512xi32, #tpu.memory_space<hbm>>) dst(%arg7 : memref<512xi32, #tpu.memory_space<vmem>>)
      %add3A_84 = arith.constant 2 : i32
      %add3A_85 = arith.addi %mul3A_52, %add3A_84 : i32
      %lt3A = arith.constant 40 : i32
      %lt3A_86 = arith.cmpi slt, %add3A_85, %lt3A : i32
      %convert_element_type3A = arith.extui %lt3A_86 : i1 to i32
      %cond3A = arith.constant 0 : i32
      %cond3A_87 = arith.cmpi ne, %convert_element_type3A, %cond3A : i32
      scf.if %cond3A_87 {
        %add3A_115 = arith.constant 2 : i32
        %add3A_116 = arith.addi %mul3A_52, %add3A_115 : i32
        %mul3A_117 = arith.constant 20480 : i32
        %mul3A_118 = arith.muli %arg1, %mul3A_117 : i32
        %mul3A_119 = arith.constant 512 : i32
        %mul3A_120 = arith.muli %add3A_116, %mul3A_119 : i32
        %add3A_121 = arith.addi %mul3A_118, %mul3A_120 : i32
        %dma_start3A_122 = arith.constant 1 : i32
        %dma_start3A_123 = tpu.memref_slice %arg3[%dma_start3A_122, %add3A_121] : memref<2x327680xi32, #tpu.memory_space<hbm>> -> memref<1x512xi32, #tpu.memory_space<hbm>>
        %dma_start3A_124 = tpu.memref_squeeze %dma_start3A_123 : memref<1x512xi32, #tpu.memory_space<hbm>> -> memref<512xi32, #tpu.memory_space<hbm>>
        %dma_start3A_125 = tpu.memref_slice %arg3[%dma_start3A_122, %add3A_121] : memref<2x327680xi32, #tpu.memory_space<hbm>> -> memref<1x512xi32, #tpu.memory_space<hbm>>
        %dma_start3A_126 = tpu.memref_squeeze %dma_start3A_125 : memref<1x512xi32, #tpu.memory_space<hbm>> -> memref<512xi32, #tpu.memory_space<hbm>>
        tpu.enqueue_dma source(%dma_start3A_126 : memref<512xi32, #tpu.memory_space<hbm>>) target(%arg7 : memref<512xi32, #tpu.memory_space<vmem>>) target_semaphore(%arg14 : memref<!tpu.dma_semaphore, #tpu.memory_space<semaphore_mem>>)
        %add3A_127 = arith.constant 2 : i32
        %add3A_128 = arith.addi %mul3A_52, %add3A_127 : i32
        %mul3A_129 = arith.constant 512 : i32
        %mul3A_130 = arith.muli %add3A_128, %mul3A_129 : i32
        %dma_start3A_131 = tpu.memref_slice %arg6[%mul3A_130] : memref<20480xi32, #tpu.memory_space<vmem>> -> memref<512xi32, #tpu.memory_space<vmem>>
        %dma_start3A_132 = arith.constant 0 : i32
        %dma_start3A_133 = arith.constant 0 : i32
        %dma_start3A_134 = tpu.memref_slice %arg2[%arg0, %dma_start3A_132, %dma_start3A_133] : memref<2x10240x64xf32, #tpu.memory_space<hbm>> -> memref<1x10240x64xf32, #tpu.memory_space<hbm>>
        %dma_start3A_135 = tpu.memref_squeeze %dma_start3A_134 : memref<1x10240x64xf32, #tpu.memory_space<hbm>> -> memref<10240x64xf32, #tpu.memory_space<hbm>>
        %dma_start3A_136 = arith.constant 0 : i32
        %dma_start3A_137 = arith.constant 0 : i32
        %dma_start3A_138 = tpu.memref_slice %dma_start3A_135[%dma_start3A_136, %dma_start3A_137] : memref<10240x64xf32, #tpu.memory_space<hbm>> -> memref<10240x64xf32, #tpu.memory_space<hbm>>
        tpu.enqueue_indirect_dma source(%dma_start3A_138 : memref<10240x64xf32, #tpu.memory_space<hbm>>) target(%arg9 : memref<512x64xf32, #tpu.memory_space<vmem>>) offsets(%dma_start3A_131 : memref<512xi32, #tpu.memory_space<vmem>>) semaphore(%arg12 : memref<!tpu.dma_semaphore, #tpu.memory_space<semaphore_mem>>)
      } else {
      }
      %dma_wait3A_88 = tpu.memref_slice %arg6[%mul3A_56] : memref<20480xi32, #tpu.memory_space<vmem>> -> memref<512xi32, #tpu.memory_space<vmem>>
      %dma_wait3A_89 = arith.constant 0 : i32
      %dma_wait3A_90 = arith.constant 0 : i32
      %dma_wait3A_91 = tpu.memref_slice %arg2[%arg0, %dma_wait3A_89, %dma_wait3A_90] : memref<2x10240x64xf32, #tpu.memory_space<hbm>> -> memref<1x10240x64xf32, #tpu.memory_space<hbm>>
      %dma_wait3A_92 = tpu.memref_squeeze %dma_wait3A_91 : memref<1x10240x64xf32, #tpu.memory_space<hbm>> -> memref<10240x64xf32, #tpu.memory_space<hbm>>
      %dma_wait3A_93 = arith.constant 0 : i32
      %dma_wait3A_94 = arith.constant 0 : i32
      %dma_wait3A_95 = tpu.memref_slice %dma_wait3A_92[%dma_wait3A_93, %dma_wait3A_94] : memref<10240x64xf32, #tpu.memory_space<hbm>> -> memref<10240x64xf32, #tpu.memory_space<hbm>>
      tpu.wait_indirect_dma semaphore(%arg13 : memref<!tpu.dma_semaphore, #tpu.memory_space<semaphore_mem>>) src(%dma_wait3A_95 : memref<10240x64xf32, #tpu.memory_space<hbm>>) dst(%arg10 : memref<512x64xf32, #tpu.memory_space<vmem>>)
      %mul3A_96 = arith.constant 20480 : i32
      %mul3A_97 = arith.muli %arg1, %mul3A_96 : i32
      %add3A_98 = arith.constant 1 : i32
      %add3A_99 = arith.addi %mul3A_52, %add3A_98 : i32
      %mul3A_100 = arith.constant 512 : i32
      %mul3A_101 = arith.muli %add3A_99, %mul3A_100 : i32
      %add3A_102 = arith.addi %mul3A_97, %mul3A_101 : i32
      %dma_wait3A_103 = arith.constant 1 : i32
      %dma_wait3A_104 = tpu.memref_slice %arg3[%dma_wait3A_103, %add3A_102] : memref<2x327680xi32, #tpu.memory_space<hbm>> -> memref<1x512xi32, #tpu.memory_space<hbm>>
      %dma_wait3A_105 = tpu.memref_squeeze %dma_wait3A_104 : memref<1x512xi32, #tpu.memory_space<hbm>> -> memref<512xi32, #tpu.memory_space<hbm>>
      %dma_wait3A_106 = tpu.memref_slice %arg3[%dma_wait3A_103, %add3A_102] : memref<2x327680xi32, #tpu.memory_space<hbm>> -> memref<1x512xi32, #tpu.memory_space<hbm>>
      %dma_wait3A_107 = tpu.memref_squeeze %dma_wait3A_106 : memref<1x512xi32, #tpu.memory_space<hbm>> -> memref<512xi32, #tpu.memory_space<hbm>>
      tpu.wait_dma2 semaphore(%arg15 : memref<!tpu.dma_semaphore, #tpu.memory_space<semaphore_mem>>) src(%dma_wait3A_107 : memref<512xi32, #tpu.memory_space<hbm>>) dst(%arg8 : memref<512xi32, #tpu.memory_space<vmem>>)
      %add3A_108 = arith.constant 3 : i32
      %add3A_109 = arith.addi %mul3A_52, %add3A_108 : i32
      %lt3A_110 = arith.constant 40 : i32
      %lt3A_111 = arith.cmpi slt, %add3A_109, %lt3A_110 : i32
      %convert_element_type3A_112 = arith.extui %lt3A_111 : i1 to i32
      %cond3A_113 = arith.constant 0 : i32
      %cond3A_114 = arith.cmpi ne, %convert_element_type3A_112, %cond3A_113 : i32
      scf.if %cond3A_114 {
        %add3A_115 = arith.constant 3 : i32
        %add3A_116 = arith.addi %mul3A_52, %add3A_115 : i32
        %mul3A_117 = arith.constant 20480 : i32
        %mul3A_118 = arith.muli %arg1, %mul3A_117 : i32
        %mul3A_119 = arith.constant 512 : i32
        %mul3A_120 = arith.muli %add3A_116, %mul3A_119 : i32
        %add3A_121 = arith.addi %mul3A_118, %mul3A_120 : i32
        %dma_start3A_122 = arith.constant 1 : i32
        %dma_start3A_123 = tpu.memref_slice %arg3[%dma_start3A_122, %add3A_121] : memref<2x327680xi32, #tpu.memory_space<hbm>> -> memref<1x512xi32, #tpu.memory_space<hbm>>
        %dma_start3A_124 = tpu.memref_squeeze %dma_start3A_123 : memref<1x512xi32, #tpu.memory_space<hbm>> -> memref<512xi32, #tpu.memory_space<hbm>>
        %dma_start3A_125 = tpu.memref_slice %arg3[%dma_start3A_122, %add3A_121] : memref<2x327680xi32, #tpu.memory_space<hbm>> -> memref<1x512xi32, #tpu.memory_space<hbm>>
        %dma_start3A_126 = tpu.memref_squeeze %dma_start3A_125 : memref<1x512xi32, #tpu.memory_space<hbm>> -> memref<512xi32, #tpu.memory_space<hbm>>
        tpu.enqueue_dma source(%dma_start3A_126 : memref<512xi32, #tpu.memory_space<hbm>>) target(%arg8 : memref<512xi32, #tpu.memory_space<vmem>>) target_semaphore(%arg15 : memref<!tpu.dma_semaphore, #tpu.memory_space<semaphore_mem>>)
      } else {
      }
    }
    %scan3A_40 = arith.constant 20 : i32
    %barrier3A_41 = arith.constant 0 : index
    tpu.barrier barrier_id(%barrier3A_41)
    %mul3A_42 = arith.constant 640 : i32
    %mul3A_43 = arith.muli %arg1, %mul3A_42 : i32
    %mul3A_44 = arith.constant 640 : i32
    %mul3A_45 = arith.muli %arg1, %mul3A_44 : i32
    "tpu.region"() ({
      %run_scoped3A_46 = tpu.sem_alloc : memref<!tpu.dma_semaphore, #tpu.memory_space<semaphore_mem>>
      %dma_start3A_47 = arith.constant 0 : i32
      %dma_start3A_48 = tpu.memref_slice %arg4[%arg0, %mul3A_45, %dma_start3A_47] : memref<2x10240x64xf32, #tpu.memory_space<hbm>> -> memref<1x640x64xf32, #tpu.memory_space<hbm>>
      %dma_start3A_49 = tpu.memref_squeeze %dma_start3A_48 : memref<1x640x64xf32, #tpu.memory_space<hbm>> -> memref<640x64xf32, #tpu.memory_space<hbm>>
      %dma_start3A_50 = arith.constant 0 : i32
      %dma_start3A_51 = tpu.memref_slice %arg5[%mul3A_43, %dma_start3A_50] : memref<10240x64xf32, #tpu.memory_space<vmem_shared>> -> memref<640x64xf32, #tpu.memory_space<vmem_shared>>
      tpu.enqueue_dma source(%dma_start3A_51 : memref<640x64xf32, #tpu.memory_space<vmem_shared>>) target(%dma_start3A_49 : memref<640x64xf32, #tpu.memory_space<hbm>>) target_semaphore(%run_scoped3A_46 : memref<!tpu.dma_semaphore, #tpu.memory_space<semaphore_mem>>)
      %dma_wait3A = arith.constant 0 : i32
      %dma_wait3A_52 = tpu.memref_slice %arg4[%arg0, %mul3A_45, %dma_wait3A] : memref<2x10240x64xf32, #tpu.memory_space<hbm>> -> memref<1x640x64xf32, #tpu.memory_space<hbm>>
      %dma_wait3A_53 = tpu.memref_squeeze %dma_wait3A_52 : memref<1x640x64xf32, #tpu.memory_space<hbm>> -> memref<640x64xf32, #tpu.memory_space<hbm>>
      %dma_wait3A_54 = arith.constant 0 : i32
      %dma_wait3A_55 = tpu.memref_slice %arg5[%mul3A_43, %dma_wait3A_54] : memref<10240x64xf32, #tpu.memory_space<vmem_shared>> -> memref<640x64xf32, #tpu.memory_space<vmem_shared>>
      tpu.wait_dma2 semaphore(%run_scoped3A_46 : memref<!tpu.dma_semaphore, #tpu.memory_space<semaphore_mem>>) src(%dma_wait3A_55 : memref<640x64xf32, #tpu.memory_space<vmem_shared>>) dst(%dma_wait3A_53 : memref<640x64xf32, #tpu.memory_space<hbm>>)
      tpu.yield
    }) : () -> ()
    return
  }
}

module attributes {stable_mosaic.version = 14 : i64} {
  func.func @_norm_body(%arg0: memref<2x16x80x128xi32, #tpu.memory_space<vmem>>, %arg1: memref<2x80x128xf32, #tpu.memory_space<vmem>>) attributes {dimension_semantics = [], scalar_prefetch = 0 : i64, scratch_operands = 0 : i64, tpu.core_type = #tpu.core_type<tc>} {
    %get3A = arith.constant 0 : index
    %get3A_0 = arith.constant 0 : index
    %get3A_1 = arith.constant 0 : index
    %get3A_2 = arith.constant 0 : index
    %get3A_3 = vector.load %arg0[%get3A, %get3A_0, %get3A_1, %get3A_2] : memref<2x16x80x128xi32, #tpu.memory_space<vmem>>, vector<2x16x80x128xi32>
    %reduce_sum3A = arith.constant dense<0> : vector<2x80x128xi32>
    %reduce_sum3A_4 = vector.multi_reduction <add>, %get3A_3, %reduce_sum3A [1] : vector<2x16x80x128xi32> to vector<2x80x128xi32>
    %convert_element_type3A = arith.sitofp %reduce_sum3A_4 : vector<2x80x128xi32> to vector<2x80x128xf32>
    %gt3A = arith.constant 0.000000e+00 : f32
    %gt3A_5 = vector.broadcast %gt3A : f32 to vector<2x80x128xf32>
    %gt3A_6 = arith.cmpf ogt, %convert_element_type3A, %gt3A_5 : vector<2x80x128xf32>
    %max3A = arith.constant 1.000000e+00 : f32
    %max3A_7 = vector.broadcast %max3A : f32 to vector<2x80x128xf32>
    %max3A_8 = arith.maximumf %convert_element_type3A, %max3A_7 : vector<2x80x128xf32>
    %rsqrt3A = math.rsqrt %max3A_8 : vector<2x80x128xf32>
    %jit3A = arith.constant 0.000000e+00 : f32
    %broadcast_in_dim3A = vector.broadcast %jit3A : f32 to vector<2x80x128xf32>
    %select_n3A = arith.select %gt3A_6, %rsqrt3A, %broadcast_in_dim3A : vector<2x80x128xi1>, vector<2x80x128xf32>
    %swap3A = arith.constant 0 : index
    %swap3A_9 = arith.constant 0 : index
    %swap3A_10 = arith.constant 0 : index
    %swap3A_11 = vector.load %arg1[%swap3A, %swap3A_9, %swap3A_10] : memref<2x80x128xf32, #tpu.memory_space<vmem>>, vector<2x80x128xf32>
    tpu.vector_store %arg1[%swap3A, %swap3A_9, %swap3A_10], %select_n3A {strides = array<i32>} : memref<2x80x128xf32, #tpu.memory_space<vmem>>, vector<2x80x128xf32>,
    return
  }
}

module attributes {stable_mosaic.version = 14 : i64} {
  func.func @_mm_first_body(%arg0: i32, %arg1: memref<256x128xf32, #tpu.memory_space<vmem>>, %arg2: memref<256x1xf32, #tpu.memory_space<vmem>>, %arg3: memref<128x128xf32, #tpu.memory_space<vmem>>, %arg4: memref<2x256x64xf32, #tpu.memory_space<vmem>>) attributes {dimension_semantics = [#tpu.dimension_semantics<arbitrary>], iteration_bounds = array<i64: 40>, scalar_prefetch = 0 : i64, scratch_operands = 0 : i64, tpu.core_type = #tpu.core_type<tc>, window_params = [{transform_indices = @transform_0, window_bounds = array<i64: 256, 128>}, {transform_indices = @transform_1, window_bounds = array<i64: 256, 1>}, {pipeline_mode = #tpu.pipeline_mode<synchronous>, transform_indices = @transform_2, window_bounds = array<i64: 128, 128>}, {transform_indices = @transform_3, window_bounds = array<i64: 2, 256, 64>}]} {
    %get3A = arith.constant 0 : index
    %get3A_0 = arith.constant 0 : index
    %get3A_1 = vector.load %arg1[%get3A, %get3A_0] : memref<256x128xf32, #tpu.memory_space<vmem>>, vector<256x128xf32>
    %get3A_2 = arith.constant 0 : index
    %get3A_3 = arith.constant 0 : index
    %get3A_4 = vector.load %arg2[%get3A_2, %get3A_3] : memref<256x1xf32, #tpu.memory_space<vmem>>, vector<256x1xf32>
    %mul3A = vector.broadcast %get3A_4 : vector<256x1xf32> to vector<256x128xf32>
    %mul3A_5 = arith.mulf %get3A_1, %mul3A : vector<256x128xf32>
    %get3A_6 = arith.constant 0 : index
    %get3A_7 = arith.constant 0 : index
    %get3A_8 = vector.load %arg3[%get3A_6, %get3A_7] : memref<128x128xf32, #tpu.memory_space<vmem>>, vector<128x128xf32>
    %dot_general3A = arith.constant dense<0.000000e+00> : vector<256x128xf32>
    %dot_general3A_9 = tpu.matmul %mul3A_5, %get3A_8, %dot_general3A {dimension_numbers = #tpu.dot_dimension_numbers<[1], [0], [0], [1], [0, 0, 1, 1], [], []>, precision = #tpu.contract_precision<fp32>, transpose_lhs_hint = false} : vector<256x128xf32>, vector<128x128xf32>, vector<256x128xf32> -> vector<256x128xf32>
    %slice3A = vector.extract_strided_slice %dot_general3A_9 {offsets = [0, 0], sizes = [256, 64], strides = [1, 1]} : vector<256x128xf32> to vector<256x64xf32>
    %swap3A = arith.constant 0 : index
    %swap3A_10 = arith.constant 0 : index
    %swap3A_11 = arith.constant 0 : index
    %swap3A_12 = vector.load %arg4[%swap3A, %swap3A_10, %swap3A_11] : memref<2x256x64xf32, #tpu.memory_space<vmem>>, vector<1x256x64xf32>
    %swap3A_13 = vector.shape_cast %swap3A_12 : vector<1x256x64xf32> to vector<256x64xf32>
    %swap3A_14 = vector.shape_cast %slice3A : vector<256x64xf32> to vector<1x256x64xf32>
    tpu.vector_store %arg4[%swap3A, %swap3A_10, %swap3A_11], %swap3A_14 {strides = array<i32>} : memref<2x256x64xf32, #tpu.memory_space<vmem>>, vector<1x256x64xf32>,
    %slice3A_15 = vector.extract_strided_slice %dot_general3A_9 {offsets = [0, 64], sizes = [256, 64], strides = [1, 1]} : vector<256x128xf32> to vector<256x64xf32>
    %swap3A_16 = arith.constant 1 : index
    %swap3A_17 = arith.constant 0 : index
    %swap3A_18 = arith.constant 0 : index
    %swap3A_19 = vector.load %arg4[%swap3A_16, %swap3A_17, %swap3A_18] : memref<2x256x64xf32, #tpu.memory_space<vmem>>, vector<1x256x64xf32>
    %swap3A_20 = vector.shape_cast %swap3A_19 : vector<1x256x64xf32> to vector<256x64xf32>
    %swap3A_21 = vector.shape_cast %slice3A_15 : vector<256x64xf32> to vector<1x256x64xf32>
    tpu.vector_store %arg4[%swap3A_16, %swap3A_17, %swap3A_18], %swap3A_21 {strides = array<i32>} : memref<2x256x64xf32, #tpu.memory_space<vmem>>, vector<1x256x64xf32>,
    return
  }
  func.func @transform_0(%arg0: i32) -> (i32, i32) {
    %c0_i32 = arith.constant 0 : i32
    %c0_i32_0 = arith.constant 0 : i32
    return %arg0, %c0_i32 : i32, i32
  }
  func.func @transform_1(%arg0: i32) -> (i32, i32) {
    %c0_i32 = arith.constant 0 : i32
    %c0_i32_0 = arith.constant 0 : i32
    return %arg0, %c0_i32 : i32, i32
  }
  func.func @transform_2(%arg0: i32) -> (i32, i32) {
    %c0_i32 = arith.constant 0 : i32
    %c0_i32_0 = arith.constant 0 : i32
    %c0_i32_1 = arith.constant 0 : i32
    return %c0_i32, %c0_i32_0 : i32, i32
  }
  func.func @transform_3(%arg0: i32) -> (i32, i32, i32) {
    %c0_i32 = arith.constant 0 : i32
    %c0_i32_0 = arith.constant 0 : i32
    %c0_i32_1 = arith.constant 0 : i32
    return %c0_i32, %arg0, %c0_i32_0 : i32, i32, i32
  }
}

module attributes {stable_mosaic.version = 14 : i64} {
  func.func @_mm_mid_body(%arg0: i32, %arg1: memref<2x256x64xf32, #tpu.memory_space<vmem>>, %arg2: memref<256x1xf32, #tpu.memory_space<vmem>>, %arg3: memref<256x1xf32, #tpu.memory_space<vmem>>, %arg4: memref<1x128xf32, #tpu.memory_space<vmem>>, %arg5: memref<128x128xf32, #tpu.memory_space<vmem>>, %arg6: memref<2x256x64xf32, #tpu.memory_space<vmem>>) attributes {dimension_semantics = [#tpu.dimension_semantics<arbitrary>], iteration_bounds = array<i64: 40>, scalar_prefetch = 0 : i64, scratch_operands = 0 : i64, tpu.core_type = #tpu.core_type<tc>, window_params = [{transform_indices = @transform_0, window_bounds = array<i64: 2, 256, 64>}, {transform_indices = @transform_1, window_bounds = array<i64: 256, 1>}, {transform_indices = @transform_2, window_bounds = array<i64: 256, 1>}, {pipeline_mode = #tpu.pipeline_mode<synchronous>, transform_indices = @transform_3, window_bounds = array<i64: 1, 128>}, {pipeline_mode = #tpu.pipeline_mode<synchronous>, transform_indices = @transform_4, window_bounds = array<i64: 128, 128>}, {transform_indices = @transform_5, window_bounds = array<i64: 2, 256, 64>}]} {
    %get3A = arith.constant 0 : index
    %get3A_0 = arith.constant 0 : index
    %get3A_1 = arith.constant 0 : index
    %get3A_2 = vector.load %arg1[%get3A, %get3A_0, %get3A_1] : memref<2x256x64xf32, #tpu.memory_space<vmem>>, vector<1x256x64xf32>
    %get3A_3 = vector.shape_cast %get3A_2 : vector<1x256x64xf32> to vector<256x64xf32>
    %get3A_4 = arith.constant 1 : index
    %get3A_5 = arith.constant 0 : index
    %get3A_6 = arith.constant 0 : index
    %get3A_7 = vector.load %arg1[%get3A_4, %get3A_5, %get3A_6] : memref<2x256x64xf32, #tpu.memory_space<vmem>>, vector<1x256x64xf32>
    %get3A_8 = vector.shape_cast %get3A_7 : vector<1x256x64xf32> to vector<256x64xf32>
    %concatenate3A = tpu.concatenate %get3A_3, %get3A_8 in 1 : vector<256x64xf32>, vector<256x64xf32> -> vector<256x128xf32>
    %get3A_9 = arith.constant 0 : index
    %get3A_10 = arith.constant 0 : index
    %get3A_11 = vector.load %arg2[%get3A_9, %get3A_10] : memref<256x1xf32, #tpu.memory_space<vmem>>, vector<256x1xf32>
    %mul3A = vector.broadcast %get3A_11 : vector<256x1xf32> to vector<256x128xf32>
    %mul3A_12 = arith.mulf %concatenate3A, %mul3A : vector<256x128xf32>
    %get3A_13 = arith.constant 0 : index
    %get3A_14 = arith.constant 0 : index
    %get3A_15 = vector.load %arg4[%get3A_13, %get3A_14] : memref<1x128xf32, #tpu.memory_space<vmem>>, vector<1x128xf32>
    %add3A = vector.broadcast %get3A_15 : vector<1x128xf32> to vector<256x128xf32>
    %add3A_16 = arith.addf %mul3A_12, %add3A : vector<256x128xf32>
    %max3A = arith.constant 0.000000e+00 : f32
    %max3A_17 = vector.broadcast %max3A : f32 to vector<256x128xf32>
    %max3A_18 = arith.maximumf %add3A_16, %max3A_17 : vector<256x128xf32>
    %get3A_19 = arith.constant 0 : index
    %get3A_20 = arith.constant 0 : index
    %get3A_21 = vector.load %arg3[%get3A_19, %get3A_20] : memref<256x1xf32, #tpu.memory_space<vmem>>, vector<256x1xf32>
    %mul3A_22 = vector.broadcast %get3A_21 : vector<256x1xf32> to vector<256x128xf32>
    %mul3A_23 = arith.mulf %max3A_18, %mul3A_22 : vector<256x128xf32>
    %get3A_24 = arith.constant 0 : index
    %get3A_25 = arith.constant 0 : index
    %get3A_26 = vector.load %arg5[%get3A_24, %get3A_25] : memref<128x128xf32, #tpu.memory_space<vmem>>, vector<128x128xf32>
    %dot_general3A = arith.constant dense<0.000000e+00> : vector<256x128xf32>
    %dot_general3A_27 = tpu.matmul %mul3A_23, %get3A_26, %dot_general3A {dimension_numbers = #tpu.dot_dimension_numbers<[1], [0], [0], [1], [0, 0, 1, 1], [], []>, precision = #tpu.contract_precision<fp32>, transpose_lhs_hint = false} : vector<256x128xf32>, vector<128x128xf32>, vector<256x128xf32> -> vector<256x128xf32>
    %slice3A = vector.extract_strided_slice %dot_general3A_27 {offsets = [0, 0], sizes = [256, 64], strides = [1, 1]} : vector<256x128xf32> to vector<256x64xf32>
    %swap3A = arith.constant 0 : index
    %swap3A_28 = arith.constant 0 : index
    %swap3A_29 = arith.constant 0 : index
    %swap3A_30 = vector.load %arg6[%swap3A, %swap3A_28, %swap3A_29] : memref<2x256x64xf32, #tpu.memory_space<vmem>>, vector<1x256x64xf32>
    %swap3A_31 = vector.shape_cast %swap3A_30 : vector<1x256x64xf32> to vector<256x64xf32>
    %swap3A_32 = vector.shape_cast %slice3A : vector<256x64xf32> to vector<1x256x64xf32>
    tpu.vector_store %arg6[%swap3A, %swap3A_28, %swap3A_29], %swap3A_32 {strides = array<i32>} : memref<2x256x64xf32, #tpu.memory_space<vmem>>, vector<1x256x64xf32>,
    %slice3A_33 = vector.extract_strided_slice %dot_general3A_27 {offsets = [0, 64], sizes = [256, 64], strides = [1, 1]} : vector<256x128xf32> to vector<256x64xf32>
    %swap3A_34 = arith.constant 1 : index
    %swap3A_35 = arith.constant 0 : index
    %swap3A_36 = arith.constant 0 : index
    %swap3A_37 = vector.load %arg6[%swap3A_34, %swap3A_35, %swap3A_36] : memref<2x256x64xf32, #tpu.memory_space<vmem>>, vector<1x256x64xf32>
    %swap3A_38 = vector.shape_cast %swap3A_37 : vector<1x256x64xf32> to vector<256x64xf32>
    %swap3A_39 = vector.shape_cast %slice3A_33 : vector<256x64xf32> to vector<1x256x64xf32>
    tpu.vector_store %arg6[%swap3A_34, %swap3A_35, %swap3A_36], %swap3A_39 {strides = array<i32>} : memref<2x256x64xf32, #tpu.memory_space<vmem>>, vector<1x256x64xf32>,
    return
  }
  func.func @transform_0(%arg0: i32) -> (i32, i32, i32) {
    %c0_i32 = arith.constant 0 : i32
    %c0_i32_0 = arith.constant 0 : i32
    %c0_i32_1 = arith.constant 0 : i32
    return %c0_i32, %arg0, %c0_i32_0 : i32, i32, i32
  }
  func.func @transform_1(%arg0: i32) -> (i32, i32) {
    %c0_i32 = arith.constant 0 : i32
    %c0_i32_0 = arith.constant 0 : i32
    return %arg0, %c0_i32 : i32, i32
  }
  func.func @transform_2(%arg0: i32) -> (i32, i32) {
    %c0_i32 = arith.constant 0 : i32
    %c0_i32_0 = arith.constant 0 : i32
    return %arg0, %c0_i32 : i32, i32
  }
  func.func @transform_3(%arg0: i32) -> (i32, i32) {
    %c0_i32 = arith.constant 0 : i32
    %c0_i32_0 = arith.constant 0 : i32
    %c0_i32_1 = arith.constant 0 : i32
    return %c0_i32, %c0_i32_0 : i32, i32
  }
  func.func @transform_4(%arg0: i32) -> (i32, i32) {
    %c0_i32 = arith.constant 0 : i32
    %c0_i32_0 = arith.constant 0 : i32
    %c0_i32_1 = arith.constant 0 : i32
    return %c0_i32, %c0_i32_0 : i32, i32
  }
  func.func @transform_5(%arg0: i32) -> (i32, i32, i32) {
    %c0_i32 = arith.constant 0 : i32
    %c0_i32_0 = arith.constant 0 : i32
    %c0_i32_1 = arith.constant 0 : i32
    return %c0_i32, %arg0, %c0_i32_0 : i32, i32, i32
  }
}

module attributes {stable_mosaic.version = 14 : i64} {
  func.func @_mm_mid_body(%arg0: i32, %arg1: memref<2x256x64xf32, #tpu.memory_space<vmem>>, %arg2: memref<256x1xf32, #tpu.memory_space<vmem>>, %arg3: memref<256x1xf32, #tpu.memory_space<vmem>>, %arg4: memref<1x128xf32, #tpu.memory_space<vmem>>, %arg5: memref<128x64xf32, #tpu.memory_space<vmem>>, %arg6: memref<2x256x32xf32, #tpu.memory_space<vmem>>) attributes {dimension_semantics = [#tpu.dimension_semantics<arbitrary>], iteration_bounds = array<i64: 40>, scalar_prefetch = 0 : i64, scratch_operands = 0 : i64, tpu.core_type = #tpu.core_type<tc>, window_params = [{transform_indices = @transform_0, window_bounds = array<i64: 2, 256, 64>}, {transform_indices = @transform_1, window_bounds = array<i64: 256, 1>}, {transform_indices = @transform_2, window_bounds = array<i64: 256, 1>}, {pipeline_mode = #tpu.pipeline_mode<synchronous>, transform_indices = @transform_3, window_bounds = array<i64: 1, 128>}, {pipeline_mode = #tpu.pipeline_mode<synchronous>, transform_indices = @transform_4, window_bounds = array<i64: 128, 64>}, {transform_indices = @transform_5, window_bounds = array<i64: 2, 256, 32>}]} {
    %get3A = arith.constant 0 : index
    %get3A_0 = arith.constant 0 : index
    %get3A_1 = arith.constant 0 : index
    %get3A_2 = vector.load %arg1[%get3A, %get3A_0, %get3A_1] : memref<2x256x64xf32, #tpu.memory_space<vmem>>, vector<1x256x64xf32>
    %get3A_3 = vector.shape_cast %get3A_2 : vector<1x256x64xf32> to vector<256x64xf32>
    %get3A_4 = arith.constant 1 : index
    %get3A_5 = arith.constant 0 : index
    %get3A_6 = arith.constant 0 : index
    %get3A_7 = vector.load %arg1[%get3A_4, %get3A_5, %get3A_6] : memref<2x256x64xf32, #tpu.memory_space<vmem>>, vector<1x256x64xf32>
    %get3A_8 = vector.shape_cast %get3A_7 : vector<1x256x64xf32> to vector<256x64xf32>
    %concatenate3A = tpu.concatenate %get3A_3, %get3A_8 in 1 : vector<256x64xf32>, vector<256x64xf32> -> vector<256x128xf32>
    %get3A_9 = arith.constant 0 : index
    %get3A_10 = arith.constant 0 : index
    %get3A_11 = vector.load %arg2[%get3A_9, %get3A_10] : memref<256x1xf32, #tpu.memory_space<vmem>>, vector<256x1xf32>
    %mul3A = vector.broadcast %get3A_11 : vector<256x1xf32> to vector<256x128xf32>
    %mul3A_12 = arith.mulf %concatenate3A, %mul3A : vector<256x128xf32>
    %get3A_13 = arith.constant 0 : index
    %get3A_14 = arith.constant 0 : index
    %get3A_15 = vector.load %arg4[%get3A_13, %get3A_14] : memref<1x128xf32, #tpu.memory_space<vmem>>, vector<1x128xf32>
    %add3A = vector.broadcast %get3A_15 : vector<1x128xf32> to vector<256x128xf32>
    %add3A_16 = arith.addf %mul3A_12, %add3A : vector<256x128xf32>
    %max3A = arith.constant 0.000000e+00 : f32
    %max3A_17 = vector.broadcast %max3A : f32 to vector<256x128xf32>
    %max3A_18 = arith.maximumf %add3A_16, %max3A_17 : vector<256x128xf32>
    %get3A_19 = arith.constant 0 : index
    %get3A_20 = arith.constant 0 : index
    %get3A_21 = vector.load %arg3[%get3A_19, %get3A_20] : memref<256x1xf32, #tpu.memory_space<vmem>>, vector<256x1xf32>
    %mul3A_22 = vector.broadcast %get3A_21 : vector<256x1xf32> to vector<256x128xf32>
    %mul3A_23 = arith.mulf %max3A_18, %mul3A_22 : vector<256x128xf32>
    %get3A_24 = arith.constant 0 : index
    %get3A_25 = arith.constant 0 : index
    %get3A_26 = vector.load %arg5[%get3A_24, %get3A_25] : memref<128x64xf32, #tpu.memory_space<vmem>>, vector<128x64xf32>
    %dot_general3A = arith.constant dense<0.000000e+00> : vector<256x64xf32>
    %dot_general3A_27 = tpu.matmul %mul3A_23, %get3A_26, %dot_general3A {dimension_numbers = #tpu.dot_dimension_numbers<[1], [0], [0], [1], [0, 0, 1, 1], [], []>, precision = #tpu.contract_precision<fp32>, transpose_lhs_hint = false} : vector<256x128xf32>, vector<128x64xf32>, vector<256x64xf32> -> vector<256x64xf32>
    %slice3A = vector.extract_strided_slice %dot_general3A_27 {offsets = [0, 0], sizes = [256, 32], strides = [1, 1]} : vector<256x64xf32> to vector<256x32xf32>
    %swap3A = arith.constant 0 : index
    %swap3A_28 = arith.constant 0 : index
    %swap3A_29 = arith.constant 0 : index
    %swap3A_30 = vector.load %arg6[%swap3A, %swap3A_28, %swap3A_29] : memref<2x256x32xf32, #tpu.memory_space<vmem>>, vector<1x256x32xf32>
    %swap3A_31 = vector.shape_cast %swap3A_30 : vector<1x256x32xf32> to vector<256x32xf32>
    %swap3A_32 = vector.shape_cast %slice3A : vector<256x32xf32> to vector<1x256x32xf32>
    tpu.vector_store %arg6[%swap3A, %swap3A_28, %swap3A_29], %swap3A_32 {strides = array<i32>} : memref<2x256x32xf32, #tpu.memory_space<vmem>>, vector<1x256x32xf32>,
    %slice3A_33 = vector.extract_strided_slice %dot_general3A_27 {offsets = [0, 32], sizes = [256, 32], strides = [1, 1]} : vector<256x64xf32> to vector<256x32xf32>
    %swap3A_34 = arith.constant 1 : index
    %swap3A_35 = arith.constant 0 : index
    %swap3A_36 = arith.constant 0 : index
    %swap3A_37 = vector.load %arg6[%swap3A_34, %swap3A_35, %swap3A_36] : memref<2x256x32xf32, #tpu.memory_space<vmem>>, vector<1x256x32xf32>
    %swap3A_38 = vector.shape_cast %swap3A_37 : vector<1x256x32xf32> to vector<256x32xf32>
    %swap3A_39 = vector.shape_cast %slice3A_33 : vector<256x32xf32> to vector<1x256x32xf32>
    tpu.vector_store %arg6[%swap3A_34, %swap3A_35, %swap3A_36], %swap3A_39 {strides = array<i32>} : memref<2x256x32xf32, #tpu.memory_space<vmem>>, vector<1x256x32xf32>,
    return
  }
  func.func @transform_0(%arg0: i32) -> (i32, i32, i32) {
    %c0_i32 = arith.constant 0 : i32
    %c0_i32_0 = arith.constant 0 : i32
    %c0_i32_1 = arith.constant 0 : i32
    return %c0_i32, %arg0, %c0_i32_0 : i32, i32, i32
  }
  func.func @transform_1(%arg0: i32) -> (i32, i32) {
    %c0_i32 = arith.constant 0 : i32
    %c0_i32_0 = arith.constant 0 : i32
    return %arg0, %c0_i32 : i32, i32
  }
  func.func @transform_2(%arg0: i32) -> (i32, i32) {
    %c0_i32 = arith.constant 0 : i32
    %c0_i32_0 = arith.constant 0 : i32
    return %arg0, %c0_i32 : i32, i32
  }
  func.func @transform_3(%arg0: i32) -> (i32, i32) {
    %c0_i32 = arith.constant 0 : i32
    %c0_i32_0 = arith.constant 0 : i32
    %c0_i32_1 = arith.constant 0 : i32
    return %c0_i32, %c0_i32_0 : i32, i32
  }
  func.func @transform_4(%arg0: i32) -> (i32, i32) {
    %c0_i32 = arith.constant 0 : i32
    %c0_i32_0 = arith.constant 0 : i32
    %c0_i32_1 = arith.constant 0 : i32
    return %c0_i32, %c0_i32_0 : i32, i32
  }
  func.func @transform_5(%arg0: i32) -> (i32, i32, i32) {
    %c0_i32 = arith.constant 0 : i32
    %c0_i32_0 = arith.constant 0 : i32
    %c0_i32_1 = arith.constant 0 : i32
    return %c0_i32, %arg0, %c0_i32_0 : i32, i32, i32
  }
}

module attributes {stable_mosaic.version = 14 : i64} {
  func.func @_final_body(%arg0: i32, %arg1: memref<2x256x32xf32, #tpu.memory_space<vmem>>, %arg2: memref<256x1xf32, #tpu.memory_space<vmem>>, %arg3: memref<1x64xf32, #tpu.memory_space<vmem>>, %arg4: memref<256x64xf32, #tpu.memory_space<vmem>>) attributes {dimension_semantics = [#tpu.dimension_semantics<arbitrary>], iteration_bounds = array<i64: 40>, scalar_prefetch = 0 : i64, scratch_operands = 0 : i64, tpu.core_type = #tpu.core_type<tc>, window_params = [{transform_indices = @transform_0, window_bounds = array<i64: 2, 256, 32>}, {transform_indices = @transform_1, window_bounds = array<i64: 256, 1>}, {pipeline_mode = #tpu.pipeline_mode<synchronous>, transform_indices = @transform_2, window_bounds = array<i64: 1, 64>}, {transform_indices = @transform_3, window_bounds = array<i64: 256, 64>}]} {
    %get3A = arith.constant 0 : index
    %get3A_0 = arith.constant 0 : index
    %get3A_1 = arith.constant 0 : index
    %get3A_2 = vector.load %arg1[%get3A, %get3A_0, %get3A_1] : memref<2x256x32xf32, #tpu.memory_space<vmem>>, vector<1x256x32xf32>
    %get3A_3 = vector.shape_cast %get3A_2 : vector<1x256x32xf32> to vector<256x32xf32>
    %get3A_4 = arith.constant 1 : index
    %get3A_5 = arith.constant 0 : index
    %get3A_6 = arith.constant 0 : index
    %get3A_7 = vector.load %arg1[%get3A_4, %get3A_5, %get3A_6] : memref<2x256x32xf32, #tpu.memory_space<vmem>>, vector<1x256x32xf32>
    %get3A_8 = vector.shape_cast %get3A_7 : vector<1x256x32xf32> to vector<256x32xf32>
    %concatenate3A = tpu.concatenate %get3A_3, %get3A_8 in 1 : vector<256x32xf32>, vector<256x32xf32> -> vector<256x64xf32>
    %get3A_9 = arith.constant 0 : index
    %get3A_10 = arith.constant 0 : index
    %get3A_11 = vector.load %arg2[%get3A_9, %get3A_10] : memref<256x1xf32, #tpu.memory_space<vmem>>, vector<256x1xf32>
    %mul3A = vector.broadcast %get3A_11 : vector<256x1xf32> to vector<256x64xf32>
    %mul3A_12 = arith.mulf %concatenate3A, %mul3A : vector<256x64xf32>
    %get3A_13 = arith.constant 0 : index
    %get3A_14 = arith.constant 0 : index
    %get3A_15 = vector.load %arg3[%get3A_13, %get3A_14] : memref<1x64xf32, #tpu.memory_space<vmem>>, vector<1x64xf32>
    %add3A = vector.broadcast %get3A_15 : vector<1x64xf32> to vector<256x64xf32>
    %add3A_16 = arith.addf %mul3A_12, %add3A : vector<256x64xf32>
    %swap3A = arith.constant 0 : index
    %swap3A_17 = arith.constant 0 : index
    %swap3A_18 = vector.load %arg4[%swap3A, %swap3A_17] : memref<256x64xf32, #tpu.memory_space<vmem>>, vector<256x64xf32>
    tpu.vector_store %arg4[%swap3A, %swap3A_17], %add3A_16 {strides = array<i32>} : memref<256x64xf32, #tpu.memory_space<vmem>>, vector<256x64xf32>,
    return
  }
  func.func @transform_0(%arg0: i32) -> (i32, i32, i32) {
    %c0_i32 = arith.constant 0 : i32
    %c0_i32_0 = arith.constant 0 : i32
    %c0_i32_1 = arith.constant 0 : i32
    return %c0_i32, %arg0, %c0_i32_0 : i32, i32, i32
  }
  func.func @transform_1(%arg0: i32) -> (i32, i32) {
    %c0_i32 = arith.constant 0 : i32
    %c0_i32_0 = arith.constant 0 : i32
    return %arg0, %c0_i32 : i32, i32
  }
  func.func @transform_2(%arg0: i32) -> (i32, i32) {
    %c0_i32 = arith.constant 0 : i32
    %c0_i32_0 = arith.constant 0 : i32
    %c0_i32_1 = arith.constant 0 : i32
    return %c0_i32, %c0_i32_0 : i32, i32
  }
  func.func @transform_3(%arg0: i32) -> (i32, i32) {
    %c0_i32 = arith.constant 0 : i32
    %c0_i32_0 = arith.constant 0 : i32
    return %arg0, %c0_i32 : i32, i32
  }
}

</mosaic_0001>

<sc_bundles>
// kernel: kernel.11.cloned.1.call-start
scs
__scs_entry_jumppad:
0x0: {  	(pc) =	sbr.rel $0x88, $3  }
0x1: {  	(tag) =	ssettag $0x0;
	lr =	simm.s32 $0x1  }
0x2: {  	[smem:$0x3F99] =	sst lr;
	_ =	strace $0xD0000000  }
0x3: {  	_ = 	snop  }
0x4: {  	_ = 	snop  }
0x5: {  	_ = 	snop  }
0x6: {  	_ = 	snop  }
0x7: {  	_ = 	snop  }
__scs_overlays_trampoline_lowered:
0x8: {  	[smem:$0x3FA8] =	sst s0  }
0x9: {  	[smem:$0x3FA9] =	sst s1  }
0xa: {  	[smem:$0x3FAA] =	sst s2  }
0xb: {  	[smem:$0x3FAB] =	sst s3  }
0xc: {  	[smem:$0x3FAC] =	sst s4  }
0xd: {  	[smem:$0x3FAD] =	sst s5  }
0xe: {  	[smem:$0x3FAE] =	sst s6  }
0xf: {  	[smem:$0x3FAF] =	sst s7  }
0x10: {  	[smem:$0x3FB0] =	sst s8  }
0x11: {  	[smem:$0x3FB1] =	sst s9;
	s0 =	simm.s32 @!p0 $0x0  }
0x12: {  	s1 =	sld [smem:$0x3F97];
	s0 =	simm.s32 @p0 $0x1  }
0x13: {  	[smem:$0x3FB2] =	sst s0;
	s0 =	simm.s32 @!p1 $0x0  }
0x14: {  	s2 =	sld [smem:$0x3F96];
	s0 =	simm.s32 @p1 $0x1  }
0x15: {  	[smem:$0x3FB3] =	sst s0;
	s0 =	simm.s32 @!p2 $0x0  }
0x16: {  	s3 =	sld [smem:$0x3FDB];
	s0 =	simm.s32 @p2 $0x1  }
0x17: {  	s4 =	simm.s32 $0x1BF5;
	[smem:$0x3FB5] =	sst s0  }
0x18: {  	s0 =	sld [smem:$0x3F98];
	_ =	swait.ge [sflag:s4], $0x0  }
0x19: {  	s7 =	sld [smem:$0x3F99]  }
0x1a: {  	s8 =	sadd.s32 $0xFFFFE003, lr  }
0x1b: {  	s9 =	sadd.s32 $0xFFFFFEF7, lr;
	s5 =	simm.s32 $0xFFFFFFFF;
	p2 =	slt.u32 s8, $0xFFFFF086  }
0x1c: {  	p1 =	slt.u32 s9, $0xF7A;
	s5 =	simm.s32 @!p2 $0x0  }
0x1d: {  	s5 =	simm.s32 @p1 $0x1;
	p0 =	seq.s32 s7, s2  }
0x1e: {  	s7 =	smul.u32 @!p0 $0xF7A, s2;
	p2 =	seq.s32 @!p0 s5, $0x0  }
0x1f: {  	s9 =	smul.u32 $0xF7A, s1;
	s8 =	simm.s32 @!p0 $0x1BF5;
	p2 =	por !p2, p0  }
0x20: {  	[sflag:s8] =	ssyncset.s32 @!p0 $0xFFFFF086;
	s6 =	sadd.s32 @!p0 s3, s7;
	s7 =	simm.s32 @!p0 $0x108  }
0x21: {  	s3 =	sadd.s32 s3, s9;
	s6 =	sadd.s32 @!p0 $0x88, s6;
	s7 =	simm.s32 @p2 $0x1082  }
0x22: {  	[simem:s7], [sflag:s8] =	dma.local @!p0 [hbm:s6], $0xF7A  }
0x23: {  	s9 =	sor.u32 $0xD0000000, s2;
	s6 =	simm.s32 $0x108;
	_ =	swait.ge @!p0 [sflag:s8], $0x0  }
0x24: {  	s3 =	sadd.s32 $0x88, s3;
	s6 =	simm.s32 @!p1 $0x1082;
	[sflag:s4] =	ssyncset.s32 $0xFFFFF086  }
0x25: {  	[simem:s6], [sflag:s4] =	dma.local [hbm:s3], $0xF7A  }
0x26: {  	[smem:$0x3F99] =	sst s1;
	(tag) =	ssettag s2;
	_ =	strace s9  }
0x27: {  	s1 =	sld [smem:$0x3FA9]  }
0x28: {  	s2 =	sld [smem:$0x3FAA]  }
0x29: {  	s4 =	sld [smem:$0x3FAC]  }
0x2a: {  	p0 =	seq.s32 s5, $0x0;
	s5 =	sld [smem:$0x3FAD]  }
0x2b: {  	s6 =	sld [smem:$0x3FAE]  }
0x2c: {  	s7 =	sld [smem:$0x3FAF]  }
0x2d: {  	s3 =	simm.s32 $0x108;
	s8 =	sld [smem:$0x3FB0]  }
0x2e: {  	s3 =	simm.s32 @!p0 $0x1082;
	s9 =	sld [smem:$0x3FB1]  }
0x2f: {  	lr =	sadd.s32 s0, s3;
	s0 =	sld [smem:$0x3FA8]  }
0x30: {  	s3 =	sld [smem:$0x3FAB]  }
0x31: {  	[smem:$0x3FB4] =	sst s10  }
0x32: {  	s10 =	sld [smem:$0x3FB2];
	_ =	sdelay $0x3  }
0x33: {  	p0 =	seq.s32 s10, $0x1;
	s10 =	sld [smem:$0x3FB4];
	_ =	sdelay $0x3  }
0x34: {  	[smem:$0x3FB4] =	sst s10  }
0x35: {  	s10 =	sld [smem:$0x3FB3];
	_ =	sdelay $0x3  }
0x36: {  	p1 =	seq.s32 s10, $0x1;
	s10 =	sld [smem:$0x3FB4];
	_ =	sdelay $0x3  }
0x37: {  	[smem:$0x3FB4] =	sst s10  }
0x38: {  	s10 =	sld [smem:$0x3FB5]  }
0x39: {  	_ = 	snop;
	(pc) =	sbr.ind lr, $3  }
0x3a: {  	_ = 	snop  }
0x3b: {  	_ = 	snop  }
0x3c: {  	p2 =	seq.s32 s10, $0x1;
	s10 =	sld [smem:$0x3FB4]  }
0x3d: {  	_ =	shalt  }
0x3e: {  	_ =	shalt  }
0x3f: {  	_ =	shalt  }
0x40: {  	_ =	shalt  }
0x41: {  	_ =	shalt  }
0x42: {  	_ =	shalt  }
0x43: {  	_ =	shalt  }
0x44: {  	_ =	shalt  }
0x45: {  	_ =	shalt  }
0x46: {  	_ =	shalt  }
0x47: {  	_ =	shalt  }
0x48: {  	_ =	shalt  }
0x49: {  	_ =	shalt  }
0x4a: {  	_ =	shalt  }
0x4b: {  	_ =	shalt  }
0x4c: {  	_ =	shalt  }
0x4d: {  	_ =	shalt  }
0x4e: {  	_ =	shalt  }
0x4f: {  	_ =	shalt  }
0x50: {  	_ =	shalt  }
0x51: {  	_ =	shalt  }
0x52: {  	_ =	shalt  }
0x53: {  	_ =	shalt  }
0x54: {  	_ =	shalt  }
0x55: {  	_ =	shalt  }
0x56: {  	_ =	shalt  }
0x57: {  	_ =	shalt  }
0x58: {  	_ =	shalt  }
0x59: {  	_ =	shalt  }
0x5a: {  	_ =	shalt  }
0x5b: {  	_ =	shalt  }
0x5c: {  	_ =	shalt  }
0x5d: {  	_ =	shalt  }
0x5e: {  	_ =	shalt  }
0x5f: {  	_ =	shalt  }
0x60: {  	_ =	shalt  }
0x61: {  	_ =	shalt  }
0x62: {  	_ =	shalt  }
0x63: {  	_ =	shalt  }
0x64: {  	_ =	shalt  }
0x65: {  	_ =	shalt  }
0x66: {  	_ =	shalt  }
0x67: {  	_ =	shalt  }
0x68: {  	_ =	shalt  }
0x69: {  	_ =	shalt  }
0x6a: {  	_ =	shalt  }
0x6b: {  	_ =	shalt  }
0x6c: {  	_ =	shalt  }
0x6d: {  	_ =	shalt  }
0x6e: {  	_ =	shalt  }
0x6f: {  	_ =	shalt  }
0x70: {  	_ =	shalt  }
0x71: {  	_ =	shalt  }
0x72: {  	_ =	shalt  }
0x73: {  	_ =	shalt  }
0x74: {  	_ =	shalt  }
0x75: {  	_ =	shalt  }
0x76: {  	_ =	shalt  }
0x77: {  	_ =	shalt  }
0x78: {  	_ =	shalt  }
0x79: {  	_ =	shalt  }
0x7a: {  	_ =	shalt  }
0x7b: {  	_ =	shalt  }
0x7c: {  	_ =	shalt  }
0x7d: {  	_ =	shalt  }
0x7e: {  	_ =	shalt  }
0x7f: {  	_ =	shalt  }
0x80: {  	_ =	shalt  }
0x81: {  	_ =	shalt  }
0x82: {  	_ =	shalt  }
0x83: {  	_ =	shalt  }
0x84: {  	_ =	shalt  }
0x85: {  	_ =	shalt  }
0x86: {  	_ =	shalt  }
0x87: {  	_ =	shalt  }
.Lfunc_end0:
.L_simem_size_0:
called_computation_lowered:
.L_overlay_start_0:
0x88: {  	s2 =	sld [smem:$0x3FD9]  }
0x89: {  	s3 =	sld [smem:$0x3FFE];
	_ =	sdelay $0x1  }
0x8a: {  	s1 =	srdreg.scid  }
0x8b: {  	s0 =	sand.u32 $0x1, s1  }
0x8c: {  	s17 =	sshll.u32 s0, $0xA;
	s2 =	sadd.s32 s3, s2  }
0x8d: {  	s2 =	sadd.s32 s2, s17  }
0x8e: {  	[smem:$0x3FC0] =	sst s2  }
0x8f: {  	_ = 	snop  }
0x90: {  	s2 =	sld [smem:$0x3FD0];
	(tm) =	ssettm $0x1  }
0x91: {  	s18 =	sld [smem:$0x3FFB];
	_ =	sdelay $0x3  }
0x92: {  	_ =	strace s18  }
0x93: {  	s3 =	sld [smem:$0x3FFC];
	_ =	sdelay $0x3  }
0x94: {  	_ =	strace s3  }
0x95: {  	s3 =	sld [smem:$0x3FFD];
	_ =	sdelay $0x3  }
0x96: {  	_ =	strace s3  }
0x97: {  	_ =	strace $0x8FFFFFFF  }
0x98: {  	s19 =	sld [smem:$0x3FDB];
	_ =	sdelay $0x1  }
0x99: {  	s4 =	simm.s32 $_scs_section_size  }
0x9a: {  	s5 =	simm.s32 $_size__tile_overlayer_lowered;
	s6 =	simm.s32 $_tile_overlayer_lowered  }
0x9b: {  	s22 =	simm.s32 $0x1BFF;
	s21 =	sshll.u32 s6, $0x1;
	s3 =	sadd.s32 s4, s19  }
0x9c: {  	s7 =	simm.s32 $0x0;
	s20 =	sshll.u32 s5, $0x1;
	s5 =	sadd.s32 s21, s3  }
0x9d: {  	[timem:s7], [sflag:s22] =	dma.local [hbm:s5], s20  }
0x9e: {  	_ =	swait.ge [sflag:s22], s20  }
0x9f: {  	s4 =	ssub.s32 $0x0, s20;
	[sflag:s22] =	ssyncset.done $0x0  }
0xa0: {  	[sflag:s22] =	ssyncadd.s32 s4;
	_ =	sdelay $0x1  }
0xa1: {  	s23 =	simm.s32 $0x1B8B  }
0xa2: {  	_ =	swait.ge [sflag:s23], $0x1  }
0xa3: {  	[sflag:s23] =	ssyncset.done $0x0  }
0xa4: {  	s25 =	simm.s32 $0x1B8E;
	s24 =	sld [smem:$0x3FFE];
	[sflag:s23] =	ssyncadd.s32 $0xFFFFFFFF  }
0xa5: {  	s26 =	simm.s32 $execute0_lowered;
	[smem:$0x3FD2] =	sst s25  }
0xa6: {  	s5 =	sshll.u32 s26, $0x1;
	_ =	strace $0x80000046;
	[dreg:$0x1] =	wrdreg $0xFFFFFFFF  }
0xa7: {  	s28 =	simm.s32 $_size_execute0_lowered;
	s3 =	sadd.s32 s3, s5;
	[dreg:$0x0] =	wrdreg $0x0  }
0xa8: {  	s5 =	sshll.u32 s28, $0x1;
	[dreg:$0x2] =	wrdreg s3  }
0xa9: {  	[dreg:$0x3] =	wrdreg s5  }
0xaa: {  	[dreg:$0x4] =	wrdreg $0xC0  }
0xab: {  	_ =	task [dreg:s7], $0x5FFFF  }
0xac: {  	[dreg:$0x1] =	wrdreg $0xFFFFFFFF  }
0xad: {  	[dreg:$0x0] =	wrdreg $0x60  }
0xae: {  	[dreg:$0x2] =	wrdreg s24  }
0xaf: {  	[dreg:$0x3] =	wrdreg s2  }
0xb0: {  	[dreg:$0x4] =	wrdreg $0x9  }
0xb1: {  	_ =	task.clear_ibuf [dreg:s7], $0x5FFFF;
	_ =	strace $0x90000046  }
0xb2: {  	s29 =	simm.s32 $0x9;
	_ =	strace $0x80000048  }
0xb3: {  	_ =	swait.ge [sflag:s29], $0x1  }
0xb4: {  	[sflag:s29] =	ssyncadd.s32 $0xFFFFFFFF  }
0xb5: {  	_ =	strace $0x90000048  }
0xb6: {  	_ =	sfence  }
0xb7: {  	s30 =	sld [smem:$0x0];
	_ =	sdelay $0x2  }
0xb8: {  	s31 =	sshll.u32 s1, $0xD;
	s1 =	sshrl.u32 s1, $0x2  }
0xb9: {  	s3 =	sand.u32 $0x4000, s31;
	s1 =	sadd.s32 s1, s30  }
0xba: {  	s0 =	sor.u32 s3, s0;
	s1 =	sshll.u32 s1, $0x11  }
0xbb: {  	s0 =	sor.u32 s1, s0  }
0xbc: {  	s0 =	sadd.s32 $0x8F2B, s0  }
0xbd: {  	[sflag:s0] =	ssyncadd.remote.s32 $0x1  }
0xbe: {  	_ =	sfence.sel $0xFFFF  }
0xbf: {  	[dreg:$0x0] =	wrdreg $0xFFFFFFFF;
	(pc) =	sbr.abs _section_cstart, $3  }
0xc0: {  	[dreg:$0x1] =	wrdreg $0xFFFFFFFF  }
0xc1: {  	_ =	task.clear_ibuf [dreg:s7], $0x2FFFF;
	_ =	strace $0x9FFFFFFF  }
0xc2: {  	(tm) =	ssettm $0x7FFFFFFF  }
0xc3: {  	_ =	shalt  }
tec
execute0_lowered:
.L_overlay_start_1:
0x0: {  	(tag) =	ssettag $0x1  }
0x1: {  	s3 =	rddreg [dreg:$0x0];
	s0 =	srdreg.scid  }
0x2: {  	s4 =	rddreg [dreg:$0x1];
	s1 =	stileid.u32;
	s2 =	simm.s32 $0x0  }
0x3: {  	s5 =	sand.u32 $0x1, s0;
	s0 =	rddreg [dreg:$0x2];
	s7 =	smul.u32 $0x5000, s1  }
0x4: {  	[smem:$0x7FF] =	sst s2;
	s6 =	smul.u32 $0x50000, s5;
	s8 =	sshll.u32 s5, $0x4  }
0x5: {  	s5 =	ssub.s32 $0x2, s5;
	_ =	strace $0x80000047;
	s30 =	sor.u32 s1, s8  }
0x6: {  	s31 =	sshrl.u32 s5, $0x1;
	s6 =	sadd.s32 s7, s6;
	s7 =	smul.u32 $0x500, s30  }
0x7: {  	s8 =	simm.s32 $0x0;
	s5 =	ssub.s32 s5, s31;
	s6 =	sshrl.u32 s6, $0x3  }
0x8: {  	s5 =	smax.u32 s5, $0x1;
	s3 =	sadd.s32 s6, s3;
	s4 =	sadd.s32 s4, s7  }
0x9: {  	v0 =	vimm.s32 $0x0;
	v1 =	vimm.s32 $0x1;
	s6 =	simm.s32 $0x2800;
	s7 =	simm.s32 $0x1;
	s3 =	sadd.s32 $0x2800, s3  }
.LBB2_1:
0xa: {  	s9 =	simm.s32 $0x40;
	s10 =	simm.s32 $0x0  }
.LBB2_2:
0xb: {  	p0 =	sne.s32 s9, $0x9FC0;
	[tilespmem:s10+$0x0] =	vst v0;
	s10 =	smov.u32 s9;
	s9 =	sadd.s32 $0x40, s9  }
.Ltmp0:
0xc: {  	(pc) =	sbr.rel @p0 .LBB2_2-.Ltmp0, $2  }
0xd: {  	_ =	sdelay $0x2  }
0xe: {  	s10 =	sshra.s32 s10, $0x2  }
0xf: {  	[tilespmem:s10+$0x0] =	vst v0;
	s9 =	simm.s32 $0x0  }
0x10: {  	[tilespmem:s6], [sflag:$0x1] =	stream.linear.gather [hbm4b:s3+s9], $0x5000, $0x38;
	[tilespmem:$0x7800] =	vst v63  }
0x11: {  	_ =	swait.ge [sflag:s7], $0x5000  }
0x12: {  	[sflag:s7] =	ssyncset.done $0x0  }
0x13: {  	s10 =	simm.s32 $0x0;
	s9 =	simm.s32 $0x40;
	[sflag:s7] =	ssyncadd.s32 $0xFFFFB000  }
.LBB2_4:
0x14: {  	p0 =	sne.s32 s9, $0x13FC0;
	v2 =	vld [tilespmem:s10+$0x2800];
	_ =	sdelay $0x3  }
.Ltmp1:
0x15: {  	(pc) =	sbr.rel @p0 .LBB2_4-.Ltmp1, $2  }
0x16: {  	_ =	sdelay $0x2  }
0x17: {  	s10 =	sshra.s32 s9, $0x2;
	s9 =	sadd.s32 $0x40, s9;
	[tilespmem:v2+s2+$0x0] =	vst.idx.add.s32.msk $0xffff, v1  }
0x18: {  	v2 =	vld [tilespmem:s10+$0x2800];
	_ =	sdelay $0x5  }
0x19: {  	s8 =	sadd.s32 $0x1, s8  }
0x1a: {  	p0 =	sne.s32 s8, s5  }
.Ltmp2:
0x1b: {  	[tilespmem:v2+s2+$0x0] =	vst.idx.add.s32.msk $0xffff, v1;
	(pc) =	sbr.rel @p0 .LBB2_1-.Ltmp2, $4  }
0x1c: {  	[hbm4b:s4+s2] =	stream.linear.scatter [tilespmem:s2], [sflag:$0x1], $0x2800, $0x38;
	[tilespmem:$0x7800] =	vst v63  }
0x1d: {  	_ =	swait.ge [sflag:s7], $0x2800  }
0x1e: {  	[sflag:s7] =	ssyncset.done $0x0  }
0x1f: {  	[sflag:s7] =	ssyncadd.s32 $0xFFFFD800  }
0x20: {  	_ =	sfence.sel $0x180000  }
0x21: {  	[bflag:$0x0] =	sbarrier.arrive $0xFFFF  }
0x22: {  	p0 =	sne.s32 s1, $0x0;
	_ =	strace $0x90000047  }
0x23: {  	s0 =	sadd.s32 @!p0 $0x100000, s0;
	[bflag:$0x2] =	sbarrier.arrive $0xFFFF  }
0x24: {  	[sflag:s0] =	ssyncadd.tile.s32 @!p0 $0x1;
	_ =	shalt  }
.Lfunc_end2:
_tile_overlayer_lowered:
.L_overlay_start_2:
0x25: {  	(tag) =	ssettag $0x2  }
0x26: {  	s0 =	rddreg [dreg:$0x0];
	s2 =	stileid.u32  }
0x27: {  	s1 =	rddreg [dreg:$0x1];
	p0 =	sne.s32 s2, $0x0  }
0x28: {  	s3 =	rddreg [dreg:$0x2];
	[bflag:$0x3] =	sbarrier.arrive $0xFFFF;
	s2 =	simm.s32 @!p0 $0x1C01  }
0x29: {  	[timem:s3], [sflag:s2] =	dma.local @!p0 [hbm:s0], s1  }
0x2a: {  	s0 =	simm.s32 @!p0 $0x1  }
0x2b: {  	_ =	swait.ge @!p0 [sflag:s0], s1  }
0x2c: {  	s1 =	ssub.s32 @!p0 $0x0, s1;
	[sflag:s0] =	ssyncset.done @!p0 $0x0  }
0x2d: {  	[sflag:s0] =	ssyncadd.s32 @!p0 s1  }
0x2e: {  	[bflag:$0x3] =	sbarrier.arrive $0xFFFF  }
0x2f: {  	_ =	shalt  }

// kernel: kernel.14.cloned.1.call-start
scs
__scs_entry_jumppad:
0x0: {  	(pc) =	sbr.rel $0x88, $3  }
0x1: {  	(tag) =	ssettag $0x0;
	lr =	simm.s32 $0x1  }
0x2: {  	[smem:$0x3F99] =	sst lr;
	_ =	strace $0xD0000000  }
0x3: {  	_ = 	snop  }
0x4: {  	_ = 	snop  }
0x5: {  	_ = 	snop  }
0x6: {  	_ = 	snop  }
0x7: {  	_ = 	snop  }
__scs_overlays_trampoline_lowered:
0x8: {  	[smem:$0x3FA8] =	sst s0  }
0x9: {  	[smem:$0x3FA9] =	sst s1  }
0xa: {  	[smem:$0x3FAA] =	sst s2  }
0xb: {  	[smem:$0x3FAB] =	sst s3  }
0xc: {  	[smem:$0x3FAC] =	sst s4  }
0xd: {  	[smem:$0x3FAD] =	sst s5  }
0xe: {  	[smem:$0x3FAE] =	sst s6  }
0xf: {  	[smem:$0x3FAF] =	sst s7  }
0x10: {  	[smem:$0x3FB0] =	sst s8  }
0x11: {  	[smem:$0x3FB1] =	sst s9;
	s0 =	simm.s32 @!p0 $0x0  }
0x12: {  	s1 =	sld [smem:$0x3F97];
	s0 =	simm.s32 @p0 $0x1  }
0x13: {  	[smem:$0x3FB2] =	sst s0;
	s0 =	simm.s32 @!p1 $0x0  }
0x14: {  	s2 =	sld [smem:$0x3F96];
	s0 =	simm.s32 @p1 $0x1  }
0x15: {  	[smem:$0x3FB3] =	sst s0;
	s0 =	simm.s32 @!p2 $0x0  }
0x16: {  	s3 =	sld [smem:$0x3FDB];
	s0 =	simm.s32 @p2 $0x1  }
0x17: {  	s4 =	simm.s32 $0x1BF5;
	[smem:$0x3FB5] =	sst s0  }
0x18: {  	s0 =	sld [smem:$0x3F98];
	_ =	swait.ge [sflag:s4], $0x0  }
0x19: {  	s7 =	sld [smem:$0x3F99]  }
0x1a: {  	s8 =	sadd.s32 $0xFFFFE003, lr  }
0x1b: {  	s9 =	sadd.s32 $0xFFFFFEF7, lr;
	s5 =	simm.s32 $0xFFFFFFFF;
	p2 =	slt.u32 s8, $0xFFFFF086  }
0x1c: {  	p1 =	slt.u32 s9, $0xF7A;
	s5 =	simm.s32 @!p2 $0x0  }
0x1d: {  	s5 =	simm.s32 @p1 $0x1;
	p0 =	seq.s32 s7, s2  }
0x1e: {  	s7 =	smul.u32 @!p0 $0xF7A, s2;
	p2 =	seq.s32 @!p0 s5, $0x0  }
0x1f: {  	s9 =	smul.u32 $0xF7A, s1;
	s8 =	simm.s32 @!p0 $0x1BF5;
	p2 =	por !p2, p0  }
0x20: {  	[sflag:s8] =	ssyncset.s32 @!p0 $0xFFFFF086;
	s6 =	sadd.s32 @!p0 s3, s7;
	s7 =	simm.s32 @!p0 $0x108  }
0x21: {  	s3 =	sadd.s32 s3, s9;
	s6 =	sadd.s32 @!p0 $0x88, s6;
	s7 =	simm.s32 @p2 $0x1082  }
0x22: {  	[simem:s7], [sflag:s8] =	dma.local @!p0 [hbm:s6], $0xF7A  }
0x23: {  	s9 =	sor.u32 $0xD0000000, s2;
	s6 =	simm.s32 $0x108;
	_ =	swait.ge @!p0 [sflag:s8], $0x0  }
0x24: {  	s3 =	sadd.s32 $0x88, s3;
	s6 =	simm.s32 @!p1 $0x1082;
	[sflag:s4] =	ssyncset.s32 $0xFFFFF086  }
0x25: {  	[simem:s6], [sflag:s4] =	dma.local [hbm:s3], $0xF7A  }
0x26: {  	[smem:$0x3F99] =	sst s1;
	(tag) =	ssettag s2;
	_ =	strace s9  }
0x27: {  	s1 =	sld [smem:$0x3FA9]  }
0x28: {  	s2 =	sld [smem:$0x3FAA]  }
0x29: {  	s4 =	sld [smem:$0x3FAC]  }
0x2a: {  	p0 =	seq.s32 s5, $0x0;
	s5 =	sld [smem:$0x3FAD]  }
0x2b: {  	s6 =	sld [smem:$0x3FAE]  }
0x2c: {  	s7 =	sld [smem:$0x3FAF]  }
0x2d: {  	s3 =	simm.s32 $0x108;
	s8 =	sld [smem:$0x3FB0]  }
0x2e: {  	s3 =	simm.s32 @!p0 $0x1082;
	s9 =	sld [smem:$0x3FB1]  }
0x2f: {  	lr =	sadd.s32 s0, s3;
	s0 =	sld [smem:$0x3FA8]  }
0x30: {  	s3 =	sld [smem:$0x3FAB]  }
0x31: {  	[smem:$0x3FB4] =	sst s10  }
0x32: {  	s10 =	sld [smem:$0x3FB2];
	_ =	sdelay $0x3  }
0x33: {  	p0 =	seq.s32 s10, $0x1;
	s10 =	sld [smem:$0x3FB4];
	_ =	sdelay $0x3  }
0x34: {  	[smem:$0x3FB4] =	sst s10  }
0x35: {  	s10 =	sld [smem:$0x3FB3];
	_ =	sdelay $0x3  }
0x36: {  	p1 =	seq.s32 s10, $0x1;
	s10 =	sld [smem:$0x3FB4];
	_ =	sdelay $0x3  }
0x37: {  	[smem:$0x3FB4] =	sst s10  }
0x38: {  	s10 =	sld [smem:$0x3FB5]  }
0x39: {  	_ = 	snop;
	(pc) =	sbr.ind lr, $3  }
0x3a: {  	_ = 	snop  }
0x3b: {  	_ = 	snop  }
0x3c: {  	p2 =	seq.s32 s10, $0x1;
	s10 =	sld [smem:$0x3FB4]  }
0x3d: {  	_ =	shalt  }
0x3e: {  	_ =	shalt  }
0x3f: {  	_ =	shalt  }
0x40: {  	_ =	shalt  }
0x41: {  	_ =	shalt  }
0x42: {  	_ =	shalt  }
0x43: {  	_ =	shalt  }
0x44: {  	_ =	shalt  }
0x45: {  	_ =	shalt  }
0x46: {  	_ =	shalt  }
0x47: {  	_ =	shalt  }
0x48: {  	_ =	shalt  }
0x49: {  	_ =	shalt  }
0x4a: {  	_ =	shalt  }
0x4b: {  	_ =	shalt  }
0x4c: {  	_ =	shalt  }
0x4d: {  	_ =	shalt  }
0x4e: {  	_ =	shalt  }
0x4f: {  	_ =	shalt  }
0x50: {  	_ =	shalt  }
0x51: {  	_ =	shalt  }
0x52: {  	_ =	shalt  }
0x53: {  	_ =	shalt  }
0x54: {  	_ =	shalt  }
0x55: {  	_ =	shalt  }
0x56: {  	_ =	shalt  }
0x57: {  	_ =	shalt  }
0x58: {  	_ =	shalt  }
0x59: {  	_ =	shalt  }
0x5a: {  	_ =	shalt  }
0x5b: {  	_ =	shalt  }
0x5c: {  	_ =	shalt  }
0x5d: {  	_ =	shalt  }
0x5e: {  	_ =	shalt  }
0x5f: {  	_ =	shalt  }
0x60: {  	_ =	shalt  }
0x61: {  	_ =	shalt  }
0x62: {  	_ =	shalt  }
0x63: {  	_ =	shalt  }
0x64: {  	_ =	shalt  }
0x65: {  	_ =	shalt  }
0x66: {  	_ =	shalt  }
0x67: {  	_ =	shalt  }
0x68: {  	_ =	shalt  }
0x69: {  	_ =	shalt  }
0x6a: {  	_ =	shalt  }
0x6b: {  	_ =	shalt  }
0x6c: {  	_ =	shalt  }
0x6d: {  	_ =	shalt  }
0x6e: {  	_ =	shalt  }
0x6f: {  	_ =	shalt  }
0x70: {  	_ =	shalt  }
0x71: {  	_ =	shalt  }
0x72: {  	_ =	shalt  }
0x73: {  	_ =	shalt  }
0x74: {  	_ =	shalt  }
0x75: {  	_ =	shalt  }
0x76: {  	_ =	shalt  }
0x77: {  	_ =	shalt  }
0x78: {  	_ =	shalt  }
0x79: {  	_ =	shalt  }
0x7a: {  	_ =	shalt  }
0x7b: {  	_ =	shalt  }
0x7c: {  	_ =	shalt  }
0x7d: {  	_ =	shalt  }
0x7e: {  	_ =	shalt  }
0x7f: {  	_ =	shalt  }
0x80: {  	_ =	shalt  }
0x81: {  	_ =	shalt  }
0x82: {  	_ =	shalt  }
0x83: {  	_ =	shalt  }
0x84: {  	_ =	shalt  }
0x85: {  	_ =	shalt  }
0x86: {  	_ =	shalt  }
0x87: {  	_ =	shalt  }
.Lfunc_end0:
.L_simem_size_0:
called_computation.1_lowered:
.L_overlay_start_0:
0x88: {  	s2 =	sld [smem:$0x3FD9]  }
0x89: {  	s3 =	sld [smem:$0x3FFE];
	_ =	sdelay $0x1  }
0x8a: {  	s1 =	srdreg.scid  }
0x8b: {  	s0 =	sand.u32 $0x1, s1  }
0x8c: {  	s16 =	sshll.u32 s0, $0xA;
	s2 =	sadd.s32 s3, s2  }
0x8d: {  	s2 =	sadd.s32 s2, s16  }
0x8e: {  	[smem:$0x3FC0] =	sst s2  }
0x8f: {  	_ = 	snop  }
0x90: {  	(tm) =	ssettm $0x1  }
0x91: {  	s17 =	sld [smem:$0x3FFB];
	_ =	sdelay $0x3  }
0x92: {  	_ =	strace s17  }
0x93: {  	s2 =	sld [smem:$0x3FFC];
	_ =	sdelay $0x3  }
0x94: {  	_ =	strace s2  }
0x95: {  	s2 =	sld [smem:$0x3FFD];
	_ =	sdelay $0x3  }
0x96: {  	_ =	strace s2  }
0x97: {  	_ =	strace $0x8FFFFFFF  }
0x98: {  	s18 =	sld [smem:$0x3FDB];
	_ =	sdelay $0x1  }
0x99: {  	s19 =	simm.s32 $_scs_section_size  }
0x9a: {  	s4 =	simm.s32 $_size__tile_overlayer_lowered;
	s5 =	simm.s32 $_tile_overlayer_lowered  }
0x9b: {  	s22 =	simm.s32 $0x1BFF;
	s21 =	sshll.u32 s5, $0x1;
	s2 =	sadd.s32 s19, s18  }
0x9c: {  	s6 =	simm.s32 $0x0;
	s20 =	sshll.u32 s4, $0x1;
	s4 =	sadd.s32 s21, s2  }
0x9d: {  	[timem:s6], [sflag:s22] =	dma.local [hbm:s4], s20  }
0x9e: {  	_ =	swait.ge [sflag:s22], s20  }
0x9f: {  	s3 =	ssub.s32 $0x0, s20;
	[sflag:s22] =	ssyncset.done $0x0  }
0xa0: {  	[sflag:s22] =	ssyncadd.s32 s3;
	_ =	sdelay $0x1  }
0xa1: {  	s23 =	simm.s32 $0x1B8B  }
0xa2: {  	_ =	swait.ge [sflag:s23], $0x1  }
0xa3: {  	[sflag:s23] =	ssyncset.done $0x0  }
0xa4: {  	s25 =	simm.s32 $0x1B8E;
	s24 =	sld [smem:$0x3FFE];
	[sflag:s23] =	ssyncadd.s32 $0xFFFFFFFF  }
0xa5: {  	s26 =	simm.s32 $execute0_lowered;
	[smem:$0x3FD2] =	sst s25  }
0xa6: {  	s4 =	sshll.u32 s26, $0x1;
	_ =	strace $0x80000049;
	[dreg:$0x1] =	wrdreg $0xFFFFFFFF  }
0xa7: {  	s28 =	simm.s32 $_size_execute0_lowered;
	s2 =	sadd.s32 s2, s4;
	[dreg:$0x0] =	wrdreg $0x0  }
0xa8: {  	s4 =	sshll.u32 s28, $0x1;
	[dreg:$0x2] =	wrdreg s2  }
0xa9: {  	[dreg:$0x3] =	wrdreg s4  }
0xaa: {  	[dreg:$0x4] =	wrdreg $0xC0  }
0xab: {  	_ =	task [dreg:s6], $0x5FFFF  }
0xac: {  	[dreg:$0x1] =	wrdreg $0xFFFFFFFF  }
0xad: {  	[dreg:$0x0] =	wrdreg $0x60  }
0xae: {  	[dreg:$0x2] =	wrdreg s24  }
0xaf: {  	[dreg:$0x3] =	wrdreg $0x0  }
0xb0: {  	[dreg:$0x4] =	wrdreg $0x9  }
0xb1: {  	_ =	task.clear_ibuf [dreg:s6], $0x5FFFF;
	_ =	strace $0x90000049  }
0xb2: {  	s29 =	simm.s32 $0x9;
	_ =	strace $0x8000004B  }
0xb3: {  	_ =	swait.ge [sflag:s29], $0x1  }
0xb4: {  	[sflag:s29] =	ssyncadd.s32 $0xFFFFFFFF  }
0xb5: {  	_ =	strace $0x9000004B  }
0xb6: {  	_ =	sfence  }
0xb7: {  	s30 =	sld [smem:$0x0];
	_ =	sdelay $0x2  }
0xb8: {  	s31 =	sshll.u32 s1, $0xD;
	s1 =	sshrl.u32 s1, $0x2  }
0xb9: {  	s3 =	sand.u32 $0x4000, s31;
	s1 =	sadd.s32 s1, s30  }
0xba: {  	s0 =	sor.u32 s3, s0;
	s1 =	sshll.u32 s1, $0x11  }
0xbb: {  	s0 =	sor.u32 s1, s0  }
0xbc: {  	s0 =	sadd.s32 $0x8F2B, s0  }
0xbd: {  	[sflag:s0] =	ssyncadd.remote.s32 $0x1  }
0xbe: {  	_ =	sfence.sel $0xFFFF  }
0xbf: {  	[dreg:$0x0] =	wrdreg $0xFFFFFFFF;
	(pc) =	sbr.abs _section_cstart, $3  }
0xc0: {  	[dreg:$0x1] =	wrdreg $0xFFFFFFFF  }
0xc1: {  	_ =	task.clear_ibuf [dreg:s6], $0x2FFFF;
	_ =	strace $0x9FFFFFFF  }
0xc2: {  	(tm) =	ssettm $0x7FFFFFFF  }
0xc3: {  	_ =	shalt  }
tec
execute0_lowered:
.L_overlay_start_1:
0x0: {  	(tag) =	ssettag $0x1  }
0x1: {  	s0 =	rddreg [dreg:$0x0];
	s10 =	stileid.u32  }
0x2: {  	s2 =	srdreg.scid;
	s5 =	smul.u32 $0xA000, s10  }
0x3: {  	s1 =	rddreg [dreg:$0x1];
	s3 =	sand.u32 $0x1, s2;
	s7 =	smul.u32 $0x5000, s10  }
0x4: {  	s2 =	simm.s32 $0x0;
	s8 =	sadd.s32 $0x2800, s0;
	s9 =	smul.u32 $0x28000, s10  }
0x5: {  	s4 =	smul.u32 $0xA0000, s3;
	[smem:$0x7FF] =	sst s2;
	s3 =	ssub.s32 $0x2, s3  }
0x6: {  	_ =	strace $0x8000004A;
	s24 =	sshrl.u32 s7, $0x3;
	s25 =	sshrl.u32 s3, $0x1  }
0x7: {  	s9 =	sshrl.u32 s9, $0x2;
	s6 =	sshrl.u32 s4, $0x3;
	s4 =	sadd.s32 s5, s4  }
0x8: {  	s11 =	sadd.s32 s8, s24;
	s3 =	ssub.s32 s3, s25;
	s6 =	sadd.s32 s6, s0  }
0x9: {  	s4 =	sshrl.u32 s4, $0x3;
	s26 =	sadd.s32 $0xA000, s11;
	[dreg:$0x3] =	wrdreg s11  }
0xa: {  	s12 =	smax.u32 s3, $0x1;
	s0 =	sadd.s32 s4, s0;
	[dreg:$0x4] =	wrdreg s26  }
0xb: {  	s4 =	sadd.s32 s9, s1;
	s9 =	sadd.s32 $0xA040, s11;
	[dreg:$0x7] =	wrdreg s12  }
0xc: {  	s22 =	smul.u32 $0xA00, s10;
	[dreg:$0x5] =	wrdreg s9;
	s0 =	sadd.s32 $0x3E800, s0  }
0xd: {  	s10 =	simm.s32 $0xF200;
	s13 =	sadd.s32 $0x800, s4;
	[dreg:$0x6] =	wrdreg s0  }
0xe: {  	s7 =	simm.s32 $0xF000;
	s14 =	sadd.s32 $0x1000, s4;
	[dreg:$0x8] =	wrdreg s13  }
0xf: {  	s6 =	sadd.s32 $0x16800, s6;
	s15 =	sadd.s32 $0x1800, s4;
	[dreg:$0x9] =	wrdreg s14  }
0x10: {  	s11 =	sadd.s32 s5, s1;
	s16 =	sadd.s32 $0x2000, s4;
	[dreg:$0xa] =	wrdreg s15  }
0x11: {  	s1 =	sadd.s32 s22, s8;
	s17 =	sadd.s32 $0x2800, s4;
	[dreg:$0xb] =	wrdreg s16  }
0x12: {  	s5 =	simm.s32 $0xA000;
	s18 =	sadd.s32 $0x3000, s4;
	[dreg:$0xc] =	wrdreg s17  }
0x13: {  	s8 =	simm.s32 $0x200;
	s19 =	sadd.s32 $0x3800, s4;
	[dreg:$0xd] =	wrdreg s18  }
0x14: {  	s12 =	simm.s32 $0x1;
	s20 =	sadd.s32 $0x4000, s4;
	[dreg:$0xe] =	wrdreg s19  }
0x15: {  	s21 =	sadd.s32 $0x4800, s4;
	s23 =	sadd.s32 $0x5000, s4;
	[dreg:$0xf] =	wrdreg s20  }
0x16: {  	s24 =	sadd.s32 $0x5800, s4;
	s25 =	sadd.s32 $0x6000, s4;
	[dreg:$0x10] =	wrdreg s21  }
0x17: {  	s26 =	sadd.s32 $0x6800, s4;
	s3 =	sadd.s32 $0xA0C0, s1;
	[dreg:$0x11] =	wrdreg s23  }
0x18: {  	s28 =	sadd.s32 $0x8000, s4;
	s29 =	sadd.s32 $0x8800, s4;
	[dreg:$0x12] =	wrdreg s24  }
0x19: {  	s30 =	sadd.s32 $0x9000, s4;
	s31 =	sadd.s32 $0x9800, s4;
	[dreg:$0x13] =	wrdreg s25  }
0x1a: {  	s1 =	simm.s32 $0x5;
	s9 =	simm.s32 $0xF400;
	[dreg:$0x14] =	wrdreg s26  }
0x1b: {  	s23 =	sadd.s32 $0x7000, s4;
	s25 =	sshrl.u32 s11, $0x3;
	s26 =	sadd.s32 $0x7800, s4  }
0x1c: {  	s0 =	simm.s32 $0x1F400;
	s11 =	simm.s32 $0x17400;
	s13 =	simm.s32 $0x3  }
0x1d: {  	v0 =	vimm.f32 $0.0e+00;
	s14 =	simm.s32 $0x2;
	s15 =	simm.s32 $0x4;
	s16 =	simm.s32 $0x0  }
.LBB2_1:
0x1e: {  	s17 =	sand.u32 $0x1F00, s2  }
0x1f: {  	s18 =	sand.u32 $0x30, s2;
	s19 =	sshrl.u32 s17, $0x2  }
0x20: {  	s17 =	simm.s32 $0x40;
	s19 =	sor.u32 s18, s19;
	s18 =	simm.s32 $0x0  }
.LBB2_2:
0x21: {  	p0 =	sne.s32 s17, $0x1FC0  }
0x22: {  	[tilespmem:s19+$0x1F400] =	vst v0;
	s18 =	sadd.s32 $0x10, s18;
	s19 =	smov.u32 s17;
	s17 =	sadd.s32 $0x40, s17  }
.Ltmp0:
0x23: {  	(pc) =	sbr.rel @p0 .LBB2_2-.Ltmp0, $4  }
0x24: {  	_ = 	snop  }
0x25: {  	s19 =	sand.u32 $0x1F00, s19  }
0x26: {  	s24 =	sand.u32 $0x30, s18;
	s19 =	sshrl.u32 s19, $0x2  }
0x27: {  	s19 =	sor.u32 s24, s19  }
0x28: {  	[tilespmem:s19+$0x1F400] =	vst v0  }
0x29: {  	[spmem:s4] =	stream.linear.scatter [tilespmem:s0], [sflag:$0x5], $0x800, $0x38;
	[tilespmem:$0x1FC00] =	vst v63  }
0x2a: {  	_ =	swait.ge [sflag:s1], $0x800  }
0x2b: {  	[sflag:s1] =	ssyncset.done $0x0  }
0x2c: {  	s17 =	rddreg [dreg:$0x8];
	[sflag:s1] =	ssyncadd.s32 $0xFFFFF800  }
0x2d: {  	[spmem:s17] =	stream.linear.scatter [tilespmem:s0], [sflag:$0x5], $0x800, $0x38;
	[tilespmem:$0x1FC00] =	vst v63  }
0x2e: {  	_ =	swait.ge [sflag:s1], $0x800  }
0x2f: {  	[sflag:s1] =	ssyncset.done $0x0  }
0x30: {  	s18 =	rddreg [dreg:$0x9];
	[sflag:s1] =	ssyncadd.s32 $0xFFFFF800  }
0x31: {  	[spmem:s18] =	stream.linear.scatter [tilespmem:s0], [sflag:$0x5], $0x800, $0x38;
	[tilespmem:$0x1FC00] =	vst v63  }
0x32: {  	_ =	swait.ge [sflag:s1], $0x800  }
0x33: {  	[sflag:s1] =	ssyncset.done $0x0  }
0x34: {  	s19 =	rddreg [dreg:$0xa];
	[sflag:s1] =	ssyncadd.s32 $0xFFFFF800  }
0x35: {  	[spmem:s19] =	stream.linear.scatter [tilespmem:s0], [sflag:$0x5], $0x800, $0x38;
	[tilespmem:$0x1FC00] =	vst v63  }
0x36: {  	_ =	swait.ge [sflag:s1], $0x800  }
0x37: {  	[sflag:s1] =	ssyncset.done $0x0  }
0x38: {  	s20 =	rddreg [dreg:$0xb];
	[sflag:s1] =	ssyncadd.s32 $0xFFFFF800  }
0x39: {  	[spmem:s20] =	stream.linear.scatter [tilespmem:s0], [sflag:$0x5], $0x800, $0x38;
	[tilespmem:$0x1FC00] =	vst v63  }
0x3a: {  	_ =	swait.ge [sflag:s1], $0x800  }
0x3b: {  	[sflag:s1] =	ssyncset.done $0x0  }
0x3c: {  	s21 =	rddreg [dreg:$0xc];
	[sflag:s1] =	ssyncadd.s32 $0xFFFFF800  }
0x3d: {  	[spmem:s21] =	stream.linear.scatter [tilespmem:s0], [sflag:$0x5], $0x800, $0x38;
	[tilespmem:$0x1FC00] =	vst v63  }
0x3e: {  	_ =	swait.ge [sflag:s1], $0x800  }
0x3f: {  	[sflag:s1] =	ssyncset.done $0x0  }
0x40: {  	s22 =	rddreg [dreg:$0xd];
	[sflag:s1] =	ssyncadd.s32 $0xFFFFF800  }
0x41: {  	[spmem:s22] =	stream.linear.scatter [tilespmem:s0], [sflag:$0x5], $0x800, $0x38;
	[tilespmem:$0x1FC00] =	vst v63  }
0x42: {  	_ =	swait.ge [sflag:s1], $0x800  }
0x43: {  	[sflag:s1] =	ssyncset.done $0x0  }
0x44: {  	s24 =	rddreg [dreg:$0xe];
	[sflag:s1] =	ssyncadd.s32 $0xFFFFF800  }
0x45: {  	[spmem:s24] =	stream.linear.scatter [tilespmem:s0], [sflag:$0x5], $0x800, $0x38;
	[tilespmem:$0x1FC00] =	vst v63  }
0x46: {  	_ =	swait.ge [sflag:s1], $0x800  }
0x47: {  	[sflag:s1] =	ssyncset.done $0x0  }
0x48: {  	s18 =	rddreg [dreg:$0xf];
	[sflag:s1] =	ssyncadd.s32 $0xFFFFF800  }
0x49: {  	[spmem:s18] =	stream.linear.scatter [tilespmem:s0], [sflag:$0x5], $0x800, $0x38;
	[tilespmem:$0x1FC00] =	vst v63  }
0x4a: {  	_ =	swait.ge [sflag:s1], $0x800  }
0x4b: {  	[sflag:s1] =	ssyncset.done $0x0  }
0x4c: {  	s19 =	rddreg [dreg:$0x10];
	[sflag:s1] =	ssyncadd.s32 $0xFFFFF800  }
0x4d: {  	[spmem:s19] =	stream.linear.scatter [tilespmem:s0], [sflag:$0x5], $0x800, $0x38;
	[tilespmem:$0x1FC00] =	vst v63  }
0x4e: {  	_ =	swait.ge [sflag:s1], $0x800  }
0x4f: {  	[sflag:s1] =	ssyncset.done $0x0  }
0x50: {  	s20 =	rddreg [dreg:$0x11];
	[sflag:s1] =	ssyncadd.s32 $0xFFFFF800  }
0x51: {  	[spmem:s20] =	stream.linear.scatter [tilespmem:s0], [sflag:$0x5], $0x800, $0x38;
	[tilespmem:$0x1FC00] =	vst v63  }
0x52: {  	_ =	swait.ge [sflag:s1], $0x800  }
0x53: {  	[sflag:s1] =	ssyncset.done $0x0  }
0x54: {  	s21 =	rddreg [dreg:$0x12];
	[sflag:s1] =	ssyncadd.s32 $0xFFFFF800  }
0x55: {  	[spmem:s21] =	stream.linear.scatter [tilespmem:s0], [sflag:$0x5], $0x800, $0x38;
	[tilespmem:$0x1FC00] =	vst v63  }
0x56: {  	_ =	swait.ge [sflag:s1], $0x800  }
0x57: {  	[sflag:s1] =	ssyncset.done $0x0  }
0x58: {  	s22 =	rddreg [dreg:$0x13];
	[sflag:s1] =	ssyncadd.s32 $0xFFFFF800  }
0x59: {  	[spmem:s22] =	stream.linear.scatter [tilespmem:s0], [sflag:$0x5], $0x800, $0x38;
	[tilespmem:$0x1FC00] =	vst v63  }
0x5a: {  	_ =	swait.ge [sflag:s1], $0x800  }
0x5b: {  	[sflag:s1] =	ssyncset.done $0x0  }
0x5c: {  	s24 =	rddreg [dreg:$0x14];
	[sflag:s1] =	ssyncadd.s32 $0xFFFFF800  }
0x5d: {  	[spmem:s24] =	stream.linear.scatter [tilespmem:s0], [sflag:$0x5], $0x800, $0x38;
	[tilespmem:$0x1FC00] =	vst v63  }
0x5e: {  	_ =	swait.ge [sflag:s1], $0x800  }
0x5f: {  	[sflag:s1] =	ssyncset.done $0x0  }
0x60: {  	[sflag:s1] =	ssyncadd.s32 $0xFFFFF800  }
0x61: {  	[spmem:s23] =	stream.linear.scatter [tilespmem:s0], [sflag:$0x5], $0x800, $0x38;
	[tilespmem:$0x1FC00] =	vst v63  }
0x62: {  	_ =	swait.ge [sflag:s1], $0x800  }
0x63: {  	[sflag:s1] =	ssyncset.done $0x0  }
0x64: {  	[sflag:s1] =	ssyncadd.s32 $0xFFFFF800  }
0x65: {  	[spmem:s26] =	stream.linear.scatter [tilespmem:s0], [sflag:$0x5], $0x800, $0x38;
	[tilespmem:$0x1FC00] =	vst v63  }
0x66: {  	_ =	swait.ge [sflag:s1], $0x800  }
0x67: {  	[sflag:s1] =	ssyncset.done $0x0  }
0x68: {  	[sflag:s1] =	ssyncadd.s32 $0xFFFFF800  }
0x69: {  	[spmem:s28] =	stream.linear.scatter [tilespmem:s0], [sflag:$0x5], $0x800, $0x38;
	[tilespmem:$0x1FC00] =	vst v63  }
0x6a: {  	_ =	swait.ge [sflag:s1], $0x800  }
0x6b: {  	[sflag:s1] =	ssyncset.done $0x0  }
0x6c: {  	[sflag:s1] =	ssyncadd.s32 $0xFFFFF800  }
0x6d: {  	[spmem:s29] =	stream.linear.scatter [tilespmem:s0], [sflag:$0x5], $0x800, $0x38;
	[tilespmem:$0x1FC00] =	vst v63  }
0x6e: {  	_ =	swait.ge [sflag:s1], $0x800  }
0x6f: {  	[sflag:s1] =	ssyncset.done $0x0  }
0x70: {  	[sflag:s1] =	ssyncadd.s32 $0xFFFFF800  }
0x71: {  	[spmem:s30] =	stream.linear.scatter [tilespmem:s0], [sflag:$0x5], $0x800, $0x38;
	[tilespmem:$0x1FC00] =	vst v63  }
0x72: {  	_ =	swait.ge [sflag:s1], $0x800  }
0x73: {  	[sflag:s1] =	ssyncset.done $0x0  }
0x74: {  	[sflag:s1] =	ssyncadd.s32 $0xFFFFF800  }
0x75: {  	[spmem:s31] =	stream.linear.scatter [tilespmem:s0], [sflag:$0x5], $0x800, $0x38;
	[tilespmem:$0x1FC00] =	vst v63  }
0x76: {  	_ =	swait.ge [sflag:s1], $0x800  }
0x77: {  	[sflag:s1] =	ssyncset.done $0x0  }
0x78: {  	s18 =	rddreg [dreg:$0x3];
	[sflag:s1] =	ssyncadd.s32 $0xFFFFF800  }
0x79: {  	[tilespmem:s5], [sflag:$0x5] =	stream.linear.gather [hbm4b:s18+s2], $0x5000, $0x38;
	[tilespmem:$0x1FC00] =	vst v63  }
0x7a: {  	_ =	swait.ge [sflag:s1], $0x5000  }
0x7b: {  	[sflag:s1] =	ssyncset.done $0x0  }
0x7c: {  	[sflag:s1] =	ssyncadd.s32 $0xFFFFB000  }
0x7d: {  	[bflag:$0x0] =	sbarrier.arrive $0xFFFF  }
0x7e: {  	s19 =	rddreg [dreg:$0x4]  }
0x7f: {  	[tilespmem:s7], [sflag:$0x3] =	stream.linear.gather [hbm4b:s19+s2], $0x200, $0x38;
	[tilespmem:$0x1FC00] =	vst v63  }
0x80: {  	_ = 	snop  }
0x81: {  	[tilespmem:s9], [sflag:$0x1] =	stream.indirect.gather [hbm4b:s6+s8], $0x40, s5, s8, $0xb8;
	[tilespmem:$0x1FC00] =	vst v63  }
0x82: {  	s20 =	rddreg [dreg:$0x5]  }
0x83: {  	[tilespmem:s10], [sflag:$0x4] =	stream.linear.gather [hbm4b:s20+s2], $0x200, $0x38;
	[tilespmem:$0x1FC00] =	vst v63  }
0x84: {  	s21 =	simm.s32 $0xA200  }
0x85: {  	[tilespmem:s11], [sflag:$0x2] =	stream.indirect.gather [hbm4b:s6+s8], $0x40, s21, s8, $0xb8;
	[tilespmem:$0x1FC00] =	vst v63  }
0x86: {  	_ =	swait.ge [sflag:s12], $0x8000  }
0x87: {  	[sflag:s12] =	ssyncset.done $0x0  }
0x88: {  	[sflag:s12] =	ssyncadd.s32 $0xFFFF8000  }
0x89: {  	_ =	swait.ge [sflag:s13], $0x200  }
0x8a: {  	[sflag:s13] =	ssyncset.done $0x0  }
0x8b: {  	s22 =	sadd.s32 $0xFFFFFFC0, s3;
	[sflag:s13] =	ssyncadd.s32 $0xFFFFFE00  }
0x8c: {  	[tilespmem:s7], [sflag:$0x3] =	stream.linear.gather [hbm4b:s22+s2], $0x200, $0x38;
	[tilespmem:$0x1FC00] =	vst v63  }
0x8d: {  	s24 =	simm.s32 $0xA400  }
0x8e: {  	[tilespmem:s9], [sflag:$0x1] =	stream.indirect.gather [hbm4b:s6+s8], $0x40, s24, s8, $0xb8;
	[tilespmem:$0x1FC00] =	vst v63  }
0x8f: {  	_ =	swait.ge [sflag:s14], $0x8000  }
0x90: {  	[sflag:s14] =	ssyncset.done $0x0  }
0x91: {  	[sflag:s14] =	ssyncadd.s32 $0xFFFF8000  }
0x92: {  	_ =	swait.ge [sflag:s15], $0x200  }
0x93: {  	s17 =	sadd.s32 $0x80, s3;
	s18 =	simm.s32 $0xFFFFB800;
	[sflag:s15] =	ssyncset.done $0x0  }
0x94: {  	s19 =	simm.s32 $0xFFFEF000;
	s24 =	smov.u32 s3;
	[sflag:s15] =	ssyncadd.s32 $0xFFFFFE00  }
.LBB2_4:
0x95: {  	[tilespmem:s10], [sflag:$0x4] =	stream.linear.gather [hbm4b:s24+s2], $0x200, $0x38;
	[tilespmem:$0x1FC00] =	vst v63  }
0x96: {  	s20 =	smov.u32 s19;
	s24 =	smov.u32 s17  }
0x97: {  	s21 =	sadd.s32 $0x1000, s19;
	s22 =	sadd.s32 $0xEE00, s18;
	s20 =	sshra.s32 s20, $0x2  }
0x98: {  	[tilespmem:s11], [sflag:$0x2] =	stream.indirect.gather [hbm4b:s6+s8], $0x40, s22, s8, $0xb8;
	[tilespmem:$0x1FC00] =	vst v63  }
0x99: {  	p0 =	sne.s32 s19, $0xFFFFF000;
	_ =	swait.ge [sflag:s12], $0x8000  }
0x9a: {  	[sflag:s12] =	ssyncset.done $0x0  }
0x9b: {  	[sflag:s12] =	ssyncadd.s32 $0xFFFF8000  }
0x9c: {  	_ =	swait.ge [sflag:s13], $0x200  }
0x9d: {  	[sflag:s13] =	ssyncset.done $0x0  }
0x9e: {  	s19 =	sadd.s32 $0xFFFFFFC0, s17;
	[sflag:s13] =	ssyncadd.s32 $0xFFFFFE00  }
0x9f: {  	[tilespmem:s7], [sflag:$0x3] =	stream.linear.gather [hbm4b:s19+s2], $0x200, $0x38;
	[tilespmem:$0x1FC00] =	vst v63  }
0xa0: {  	s19 =	sadd.s32 $0xF000, s18;
	s18 =	smov.u32 s20  }
0xa1: {  	[tilespmem:s9], [sflag:$0x1] =	stream.indirect.gather [hbm4b:s6+s8], $0x40, s19, s8, $0xb8;
	[tilespmem:$0x1FC00] =	vst v63  }
0xa2: {  	_ =	swait.ge [sflag:s14], $0x8000  }
.Ltmp1:
0xa3: {  	[sflag:s14] =	ssyncset.done $0x0;
	(pc) =	sbr.rel @p0 .LBB2_4-.Ltmp1, $4  }
0xa4: {  	[sflag:s14] =	ssyncadd.s32 $0xFFFF8000  }
0xa5: {  	_ =	swait.ge [sflag:s15], $0x200  }
0xa6: {  	[sflag:s15] =	ssyncset.done $0x0  }
0xa7: {  	s17 =	sadd.s32 $0x80, s17;
	s19 =	smov.u32 s21;
	[sflag:s15] =	ssyncadd.s32 $0xFFFFFE00  }
0xa8: {  	[tilespmem:s10], [sflag:$0x4] =	stream.linear.gather [hbm4b:s24+s2], $0x200, $0x38;
	[tilespmem:$0x1FC00] =	vst v63  }
0xa9: {  	s19 =	sadd.s32 $0xEE00, s18  }
0xaa: {  	[tilespmem:s11], [sflag:$0x2] =	stream.indirect.gather [hbm4b:s6+s8], $0x40, s19, s8, $0xb8;
	[tilespmem:$0x1FC00] =	vst v63  }
0xab: {  	_ =	swait.ge [sflag:s12], $0x8000  }
0xac: {  	[sflag:s12] =	ssyncset.done $0x0  }
0xad: {  	[sflag:s12] =	ssyncadd.s32 $0xFFFF8000  }
0xae: {  	_ =	swait.ge [sflag:s13], $0x200  }
0xaf: {  	[sflag:s13] =	ssyncset.done $0x0  }
0xb0: {  	s24 =	sadd.s32 $0xFFFFFFC0, s17;
	[sflag:s13] =	ssyncadd.s32 $0xFFFFFE00  }
0xb1: {  	[tilespmem:s7], [sflag:$0x3] =	stream.linear.gather [hbm4b:s24+s2], $0x200, $0x38;
	[tilespmem:$0x1FC00] =	vst v63  }
0xb2: {  	s19 =	sadd.s32 $0xF000, s18  }
0xb3: {  	[tilespmem:s9], [sflag:$0x1] =	stream.indirect.gather [hbm4b:s6+s8], $0x40, s19, s8, $0xb8;
	[tilespmem:$0x1FC00] =	vst v63  }
0xb4: {  	_ =	swait.ge [sflag:s14], $0x8000  }
0xb5: {  	[sflag:s14] =	ssyncset.done $0x0  }
0xb6: {  	[sflag:s14] =	ssyncadd.s32 $0xFFFF8000  }
0xb7: {  	_ =	swait.ge [sflag:s15], $0x200  }
0xb8: {  	[sflag:s15] =	ssyncset.done $0x0  }
0xb9: {  	[sflag:s15] =	ssyncadd.s32 $0xFFFFFE00  }
0xba: {  	[tilespmem:s10], [sflag:$0x4] =	stream.linear.gather [hbm4b:s17+s2], $0x200, $0x38;
	[tilespmem:$0x1FC00] =	vst v63  }
0xbb: {  	s20 =	simm.s32 $0xEE00  }
0xbc: {  	[tilespmem:s11], [sflag:$0x2] =	stream.indirect.gather [hbm4b:s6+s8], $0x40, s20, s8, $0xb8;
	[tilespmem:$0x1FC00] =	vst v63  }
0xbd: {  	_ =	swait.ge [sflag:s12], $0x8000  }
0xbe: {  	[sflag:s12] =	ssyncset.done $0x0  }
0xbf: {  	[sflag:s12] =	ssyncadd.s32 $0xFFFF8000  }
0xc0: {  	_ =	swait.ge [sflag:s13], $0x200  }
0xc1: {  	[sflag:s13] =	ssyncset.done $0x0  }
0xc2: {  	[sflag:s13] =	ssyncadd.s32 $0xFFFFFE00  }
0xc3: {  	_ =	swait.ge [sflag:s14], $0x8000  }
0xc4: {  	[sflag:s14] =	ssyncset.done $0x0  }
0xc5: {  	[sflag:s14] =	ssyncadd.s32 $0xFFFF8000  }
0xc6: {  	_ =	swait.ge [sflag:s15], $0x200  }
0xc7: {  	[sflag:s15] =	ssyncset.done $0x0  }
0xc8: {  	s21 =	stileid.u32;
	[sflag:s15] =	ssyncadd.s32 $0xFFFFFE00  }
0xc9: {  	s17 =	sshll.u32 s21, $0x6;
	[bflag:$0x0] =	sbarrier.arrive $0xFFFF  }
0xca: {  	s17 =	sor.u32 $0x1C05, s17;
	s22 =	rddreg [dreg:$0x6]  }
0xcb: {  	[hbm:s22], [sflag:s17] =	dma.local [spmem:s25], $0x1400  }
0xcc: {  	_ =	swait.ge [sflag:s1], $0x1400  }
0xcd: {  	s16 =	sadd.s32 $0x1, s16;
	s24 =	rddreg [dreg:$0x7]  }
0xce: {  	p0 =	sne.s32 s16, s24  }
.Ltmp2:
0xcf: {  	_ = 	snop;
	(pc) =	sbr.rel @p0 .LBB2_1-.Ltmp2, $3  }
0xd0: {  	_ =	sdelay $0x1  }
0xd1: {  	[sflag:s1] =	ssyncset.done $0x0  }
0xd2: {  	[sflag:s1] =	ssyncadd.s32 $0xFFFFEC00  }
0xd3: {  	_ =	sfence.sel $0x180000  }
0xd4: {  	[bflag:$0x0] =	sbarrier.arrive $0xFFFF  }
0xd5: {  	_ =	strace $0x9000004A  }
0xd6: {  	s0 =	stileid.u32;
	[bflag:$0x2] =	sbarrier.arrive $0xFFFF  }
0xd7: {  	p0 =	sne.s32 s0, $0x0;
	s0 =	rddreg [dreg:$0x2]  }
0xd8: {  	s0 =	sadd.s32 @!p0 $0x100000, s0  }
0xd9: {  	[sflag:s0] =	ssyncadd.tile.s32 @!p0 $0x1;
	_ =	shalt  }
.Lfunc_end2:
_tile_overlayer_lowered:
.L_overlay_start_2:
0xda: {  	(tag) =	ssettag $0x2  }
0xdb: {  	s0 =	rddreg [dreg:$0x0];
	s2 =	stileid.u32  }
0xdc: {  	s1 =	rddreg [dreg:$0x1];
	p0 =	sne.s32 s2, $0x0  }
0xdd: {  	s3 =	rddreg [dreg:$0x2];
	[bflag:$0x3] =	sbarrier.arrive $0xFFFF;
	s2 =	simm.s32 @!p0 $0x1C05  }
0xde: {  	[timem:s3], [sflag:s2] =	dma.local @!p0 [hbm:s0], s1  }
0xdf: {  	s0 =	simm.s32 @!p0 $0x5  }
0xe0: {  	_ =	swait.ge @!p0 [sflag:s0], s1  }
0xe1: {  	s1 =	ssub.s32 @!p0 $0x0, s1;
	[sflag:s0] =	ssyncset.done @!p0 $0x0  }
0xe2: {  	[sflag:s0] =	ssyncadd.s32 @!p0 s1  }
0xe3: {  	[bflag:$0x3] =	sbarrier.arrive $0xFFFF  }
0xe4: {  	_ =	shalt  }

// kernel: kernel.17.cloned.1.call-start
scs
__scs_entry_jumppad:
0x0: {  	(pc) =	sbr.rel $0x88, $3  }
0x1: {  	(tag) =	ssettag $0x0;
	lr =	simm.s32 $0x1  }
0x2: {  	[smem:$0x3F99] =	sst lr;
	_ =	strace $0xD0000000  }
0x3: {  	_ = 	snop  }
0x4: {  	_ = 	snop  }
0x5: {  	_ = 	snop  }
0x6: {  	_ = 	snop  }
0x7: {  	_ = 	snop  }
__scs_overlays_trampoline_lowered:
0x8: {  	[smem:$0x3FA8] =	sst s0  }
0x9: {  	[smem:$0x3FA9] =	sst s1  }
0xa: {  	[smem:$0x3FAA] =	sst s2  }
0xb: {  	[smem:$0x3FAB] =	sst s3  }
0xc: {  	[smem:$0x3FAC] =	sst s4  }
0xd: {  	[smem:$0x3FAD] =	sst s5  }
0xe: {  	[smem:$0x3FAE] =	sst s6  }
0xf: {  	[smem:$0x3FAF] =	sst s7  }
0x10: {  	[smem:$0x3FB0] =	sst s8  }
0x11: {  	[smem:$0x3FB1] =	sst s9;
	s0 =	simm.s32 @!p0 $0x0  }
0x12: {  	s1 =	sld [smem:$0x3F97];
	s0 =	simm.s32 @p0 $0x1  }
0x13: {  	[smem:$0x3FB2] =	sst s0;
	s0 =	simm.s32 @!p1 $0x0  }
0x14: {  	s2 =	sld [smem:$0x3F96];
	s0 =	simm.s32 @p1 $0x1  }
0x15: {  	[smem:$0x3FB3] =	sst s0;
	s0 =	simm.s32 @!p2 $0x0  }
0x16: {  	s3 =	sld [smem:$0x3FDB];
	s0 =	simm.s32 @p2 $0x1  }
0x17: {  	s4 =	simm.s32 $0x1BF5;
	[smem:$0x3FB5] =	sst s0  }
0x18: {  	s0 =	sld [smem:$0x3F98];
	_ =	swait.ge [sflag:s4], $0x0  }
0x19: {  	s7 =	sld [smem:$0x3F99]  }
0x1a: {  	s8 =	sadd.s32 $0xFFFFE003, lr  }
0x1b: {  	s9 =	sadd.s32 $0xFFFFFEF7, lr;
	s5 =	simm.s32 $0xFFFFFFFF;
	p2 =	slt.u32 s8, $0xFFFFF086  }
0x1c: {  	p1 =	slt.u32 s9, $0xF7A;
	s5 =	simm.s32 @!p2 $0x0  }
0x1d: {  	s5 =	simm.s32 @p1 $0x1;
	p0 =	seq.s32 s7, s2  }
0x1e: {  	s7 =	smul.u32 @!p0 $0xF7A, s2;
	p2 =	seq.s32 @!p0 s5, $0x0  }
0x1f: {  	s9 =	smul.u32 $0xF7A, s1;
	s8 =	simm.s32 @!p0 $0x1BF5;
	p2 =	por !p2, p0  }
0x20: {  	[sflag:s8] =	ssyncset.s32 @!p0 $0xFFFFF086;
	s6 =	sadd.s32 @!p0 s3, s7;
	s7 =	simm.s32 @!p0 $0x108  }
0x21: {  	s3 =	sadd.s32 s3, s9;
	s6 =	sadd.s32 @!p0 $0x88, s6;
	s7 =	simm.s32 @p2 $0x1082  }
0x22: {  	[simem:s7], [sflag:s8] =	dma.local @!p0 [hbm:s6], $0xF7A  }
0x23: {  	s9 =	sor.u32 $0xD0000000, s2;
	s6 =	simm.s32 $0x108;
	_ =	swait.ge @!p0 [sflag:s8], $0x0  }
0x24: {  	s3 =	sadd.s32 $0x88, s3;
	s6 =	simm.s32 @!p1 $0x1082;
	[sflag:s4] =	ssyncset.s32 $0xFFFFF086  }
0x25: {  	[simem:s6], [sflag:s4] =	dma.local [hbm:s3], $0xF7A  }
0x26: {  	[smem:$0x3F99] =	sst s1;
	(tag) =	ssettag s2;
	_ =	strace s9  }
0x27: {  	s1 =	sld [smem:$0x3FA9]  }
0x28: {  	s2 =	sld [smem:$0x3FAA]  }
0x29: {  	s4 =	sld [smem:$0x3FAC]  }
0x2a: {  	p0 =	seq.s32 s5, $0x0;
	s5 =	sld [smem:$0x3FAD]  }
0x2b: {  	s6 =	sld [smem:$0x3FAE]  }
0x2c: {  	s7 =	sld [smem:$0x3FAF]  }
0x2d: {  	s3 =	simm.s32 $0x108;
	s8 =	sld [smem:$0x3FB0]  }
0x2e: {  	s3 =	simm.s32 @!p0 $0x1082;
	s9 =	sld [smem:$0x3FB1]  }
0x2f: {  	lr =	sadd.s32 s0, s3;
	s0 =	sld [smem:$0x3FA8]  }
0x30: {  	s3 =	sld [smem:$0x3FAB]  }
0x31: {  	[smem:$0x3FB4] =	sst s10  }
0x32: {  	s10 =	sld [smem:$0x3FB2];
	_ =	sdelay $0x3  }
0x33: {  	p0 =	seq.s32 s10, $0x1;
	s10 =	sld [smem:$0x3FB4];
	_ =	sdelay $0x3  }
0x34: {  	[smem:$0x3FB4] =	sst s10  }
0x35: {  	s10 =	sld [smem:$0x3FB3];
	_ =	sdelay $0x3  }
0x36: {  	p1 =	seq.s32 s10, $0x1;
	s10 =	sld [smem:$0x3FB4];
	_ =	sdelay $0x3  }
0x37: {  	[smem:$0x3FB4] =	sst s10  }
0x38: {  	s10 =	sld [smem:$0x3FB5]  }
0x39: {  	_ = 	snop;
	(pc) =	sbr.ind lr, $3  }
0x3a: {  	_ = 	snop  }
0x3b: {  	_ = 	snop  }
0x3c: {  	p2 =	seq.s32 s10, $0x1;
	s10 =	sld [smem:$0x3FB4]  }
0x3d: {  	_ =	shalt  }
0x3e: {  	_ =	shalt  }
0x3f: {  	_ =	shalt  }
0x40: {  	_ =	shalt  }
0x41: {  	_ =	shalt  }
0x42: {  	_ =	shalt  }
0x43: {  	_ =	shalt  }
0x44: {  	_ =	shalt  }
0x45: {  	_ =	shalt  }
0x46: {  	_ =	shalt  }
0x47: {  	_ =	shalt  }
0x48: {  	_ =	shalt  }
0x49: {  	_ =	shalt  }
0x4a: {  	_ =	shalt  }
0x4b: {  	_ =	shalt  }
0x4c: {  	_ =	shalt  }
0x4d: {  	_ =	shalt  }
0x4e: {  	_ =	shalt  }
0x4f: {  	_ =	shalt  }
0x50: {  	_ =	shalt  }
0x51: {  	_ =	shalt  }
0x52: {  	_ =	shalt  }
0x53: {  	_ =	shalt  }
0x54: {  	_ =	shalt  }
0x55: {  	_ =	shalt  }
0x56: {  	_ =	shalt  }
0x57: {  	_ =	shalt  }
0x58: {  	_ =	shalt  }
0x59: {  	_ =	shalt  }
0x5a: {  	_ =	shalt  }
0x5b: {  	_ =	shalt  }
0x5c: {  	_ =	shalt  }
0x5d: {  	_ =	shalt  }
0x5e: {  	_ =	shalt  }
0x5f: {  	_ =	shalt  }
0x60: {  	_ =	shalt  }
0x61: {  	_ =	shalt  }
0x62: {  	_ =	shalt  }
0x63: {  	_ =	shalt  }
0x64: {  	_ =	shalt  }
0x65: {  	_ =	shalt  }
0x66: {  	_ =	shalt  }
0x67: {  	_ =	shalt  }
0x68: {  	_ =	shalt  }
0x69: {  	_ =	shalt  }
0x6a: {  	_ =	shalt  }
0x6b: {  	_ =	shalt  }
0x6c: {  	_ =	shalt  }
0x6d: {  	_ =	shalt  }
0x6e: {  	_ =	shalt  }
0x6f: {  	_ =	shalt  }
0x70: {  	_ =	shalt  }
0x71: {  	_ =	shalt  }
0x72: {  	_ =	shalt  }
0x73: {  	_ =	shalt  }
0x74: {  	_ =	shalt  }
0x75: {  	_ =	shalt  }
0x76: {  	_ =	shalt  }
0x77: {  	_ =	shalt  }
0x78: {  	_ =	shalt  }
0x79: {  	_ =	shalt  }
0x7a: {  	_ =	shalt  }
0x7b: {  	_ =	shalt  }
0x7c: {  	_ =	shalt  }
0x7d: {  	_ =	shalt  }
0x7e: {  	_ =	shalt  }
0x7f: {  	_ =	shalt  }
0x80: {  	_ =	shalt  }
0x81: {  	_ =	shalt  }
0x82: {  	_ =	shalt  }
0x83: {  	_ =	shalt  }
0x84: {  	_ =	shalt  }
0x85: {  	_ =	shalt  }
0x86: {  	_ =	shalt  }
0x87: {  	_ =	shalt  }
.Lfunc_end0:
.L_simem_size_0:
called_computation.2_lowered:
.L_overlay_start_0:
0x88: {  	s2 =	sld [smem:$0x3FD9]  }
0x89: {  	s3 =	sld [smem:$0x3FFE];
	_ =	sdelay $0x1  }
0x8a: {  	s1 =	srdreg.scid  }
0x8b: {  	s0 =	sand.u32 $0x1, s1  }
0x8c: {  	s16 =	sshll.u32 s0, $0xA;
	s2 =	sadd.s32 s3, s2  }
0x8d: {  	s2 =	sadd.s32 s2, s16  }
0x8e: {  	[smem:$0x3FC0] =	sst s2  }
0x8f: {  	_ = 	snop  }
0x90: {  	(tm) =	ssettm $0x1  }
0x91: {  	s17 =	sld [smem:$0x3FFB];
	_ =	sdelay $0x3  }
0x92: {  	_ =	strace s17  }
0x93: {  	s2 =	sld [smem:$0x3FFC];
	_ =	sdelay $0x3  }
0x94: {  	_ =	strace s2  }
0x95: {  	s2 =	sld [smem:$0x3FFD];
	_ =	sdelay $0x3  }
0x96: {  	_ =	strace s2  }
0x97: {  	_ =	strace $0x8FFFFFFF  }
0x98: {  	s18 =	sld [smem:$0x3FDB];
	_ =	sdelay $0x1  }
0x99: {  	s19 =	simm.s32 $_scs_section_size  }
0x9a: {  	s4 =	simm.s32 $_size__tile_overlayer_lowered;
	s5 =	simm.s32 $_tile_overlayer_lowered  }
0x9b: {  	s22 =	simm.s32 $0x1BFF;
	s21 =	sshll.u32 s5, $0x1;
	s2 =	sadd.s32 s19, s18  }
0x9c: {  	s6 =	simm.s32 $0x0;
	s20 =	sshll.u32 s4, $0x1;
	s4 =	sadd.s32 s21, s2  }
0x9d: {  	[timem:s6], [sflag:s22] =	dma.local [hbm:s4], s20  }
0x9e: {  	_ =	swait.ge [sflag:s22], s20  }
0x9f: {  	s3 =	ssub.s32 $0x0, s20;
	[sflag:s22] =	ssyncset.done $0x0  }
0xa0: {  	[sflag:s22] =	ssyncadd.s32 s3;
	_ =	sdelay $0x1  }
0xa1: {  	s23 =	simm.s32 $0x1B8B  }
0xa2: {  	_ =	swait.ge [sflag:s23], $0x1  }
0xa3: {  	[sflag:s23] =	ssyncset.done $0x0  }
0xa4: {  	s25 =	simm.s32 $0x1B8E;
	s24 =	sld [smem:$0x3FFE];
	[sflag:s23] =	ssyncadd.s32 $0xFFFFFFFF  }
0xa5: {  	s26 =	simm.s32 $execute0_lowered;
	[smem:$0x3FD2] =	sst s25  }
0xa6: {  	s4 =	sshll.u32 s26, $0x1;
	_ =	strace $0x8000004C;
	[dreg:$0x1] =	wrdreg $0xFFFFFFFF  }
0xa7: {  	s28 =	simm.s32 $_size_execute0_lowered;
	s2 =	sadd.s32 s2, s4;
	[dreg:$0x0] =	wrdreg $0x0  }
0xa8: {  	s4 =	sshll.u32 s28, $0x1;
	[dreg:$0x2] =	wrdreg s2  }
0xa9: {  	[dreg:$0x3] =	wrdreg s4  }
0xaa: {  	[dreg:$0x4] =	wrdreg $0xC0  }
0xab: {  	_ =	task [dreg:s6], $0x5FFFF  }
0xac: {  	[dreg:$0x1] =	wrdreg $0xFFFFFFFF  }
0xad: {  	[dreg:$0x0] =	wrdreg $0x60  }
0xae: {  	[dreg:$0x2] =	wrdreg s24  }
0xaf: {  	[dreg:$0x3] =	wrdreg $0x0  }
0xb0: {  	[dreg:$0x4] =	wrdreg $0x9  }
0xb1: {  	_ =	task.clear_ibuf [dreg:s6], $0x5FFFF;
	_ =	strace $0x9000004C  }
0xb2: {  	s29 =	simm.s32 $0x9;
	_ =	strace $0x8000004E  }
0xb3: {  	_ =	swait.ge [sflag:s29], $0x1  }
0xb4: {  	[sflag:s29] =	ssyncadd.s32 $0xFFFFFFFF  }
0xb5: {  	_ =	strace $0x9000004E  }
0xb6: {  	_ =	sfence  }
0xb7: {  	s30 =	sld [smem:$0x0];
	_ =	sdelay $0x2  }
0xb8: {  	s31 =	sshll.u32 s1, $0xD;
	s1 =	sshrl.u32 s1, $0x2  }
0xb9: {  	s3 =	sand.u32 $0x4000, s31;
	s1 =	sadd.s32 s1, s30  }
0xba: {  	s0 =	sor.u32 s3, s0;
	s1 =	sshll.u32 s1, $0x11  }
0xbb: {  	s0 =	sor.u32 s1, s0  }
0xbc: {  	s0 =	sadd.s32 $0x8F2B, s0  }
0xbd: {  	[sflag:s0] =	ssyncadd.remote.s32 $0x1  }
0xbe: {  	_ =	sfence.sel $0xFFFF  }
0xbf: {  	[dreg:$0x0] =	wrdreg $0xFFFFFFFF;
	(pc) =	sbr.abs _section_cstart, $3  }
0xc0: {  	[dreg:$0x1] =	wrdreg $0xFFFFFFFF  }
0xc1: {  	_ =	task.clear_ibuf [dreg:s6], $0x2FFFF;
	_ =	strace $0x9FFFFFFF  }
0xc2: {  	(tm) =	ssettm $0x7FFFFFFF  }
0xc3: {  	_ =	shalt  }
tec
execute0_lowered:
.L_overlay_start_1:
0x0: {  	(tag) =	ssettag $0x1  }
0x1: {  	s0 =	rddreg [dreg:$0x0];
	s10 =	stileid.u32  }
0x2: {  	s2 =	srdreg.scid;
	s5 =	smul.u32 $0xA000, s10  }
0x3: {  	s1 =	rddreg [dreg:$0x1];
	s3 =	sand.u32 $0x1, s2;
	s7 =	smul.u32 $0x5000, s10  }
0x4: {  	s2 =	simm.s32 $0x0;
	s8 =	sadd.s32 $0x2800, s0;
	s9 =	smul.u32 $0x28000, s10  }
0x5: {  	s4 =	smul.u32 $0xA0000, s3;
	[smem:$0x7FF] =	sst s2;
	s3 =	ssub.s32 $0x2, s3  }
0x6: {  	_ =	strace $0x8000004D;
	s24 =	sshrl.u32 s7, $0x3;
	s25 =	sshrl.u32 s3, $0x1  }
0x7: {  	s9 =	sshrl.u32 s9, $0x2;
	s6 =	sshrl.u32 s4, $0x3;
	s4 =	sadd.s32 s5, s4  }
0x8: {  	s11 =	sadd.s32 s8, s24;
	s3 =	ssub.s32 s3, s25;
	s6 =	sadd.s32 s6, s0  }
0x9: {  	s4 =	sshrl.u32 s4, $0x3;
	s26 =	sadd.s32 $0xA000, s11;
	[dreg:$0x3] =	wrdreg s11  }
0xa: {  	s12 =	smax.u32 s3, $0x1;
	s0 =	sadd.s32 s4, s0;
	[dreg:$0x4] =	wrdreg s26  }
0xb: {  	s4 =	sadd.s32 s9, s1;
	s9 =	sadd.s32 $0xA040, s11;
	[dreg:$0x7] =	wrdreg s12  }
0xc: {  	s22 =	smul.u32 $0xA00, s10;
	[dreg:$0x5] =	wrdreg s9;
	s0 =	sadd.s32 $0x3E800, s0  }
0xd: {  	s10 =	simm.s32 $0xF200;
	s13 =	sadd.s32 $0x800, s4;
	[dreg:$0x6] =	wrdreg s0  }
0xe: {  	s7 =	simm.s32 $0xF000;
	s14 =	sadd.s32 $0x1000, s4;
	[dreg:$0x8] =	wrdreg s13  }
0xf: {  	s6 =	sadd.s32 $0x16800, s6;
	s15 =	sadd.s32 $0x1800, s4;
	[dreg:$0x9] =	wrdreg s14  }
0x10: {  	s11 =	sadd.s32 s5, s1;
	s16 =	sadd.s32 $0x2000, s4;
	[dreg:$0xa] =	wrdreg s15  }
0x11: {  	s1 =	sadd.s32 s22, s8;
	s17 =	sadd.s32 $0x2800, s4;
	[dreg:$0xb] =	wrdreg s16  }
0x12: {  	s5 =	simm.s32 $0xA000;
	s18 =	sadd.s32 $0x3000, s4;
	[dreg:$0xc] =	wrdreg s17  }
0x13: {  	s8 =	simm.s32 $0x200;
	s19 =	sadd.s32 $0x3800, s4;
	[dreg:$0xd] =	wrdreg s18  }
0x14: {  	s12 =	simm.s32 $0x1;
	s20 =	sadd.s32 $0x4000, s4;
	[dreg:$0xe] =	wrdreg s19  }
0x15: {  	s21 =	sadd.s32 $0x4800, s4;
	s23 =	sadd.s32 $0x5000, s4;
	[dreg:$0xf] =	wrdreg s20  }
0x16: {  	s24 =	sadd.s32 $0x5800, s4;
	s25 =	sadd.s32 $0x6000, s4;
	[dreg:$0x10] =	wrdreg s21  }
0x17: {  	s26 =	sadd.s32 $0x6800, s4;
	s3 =	sadd.s32 $0xA0C0, s1;
	[dreg:$0x11] =	wrdreg s23  }
0x18: {  	s28 =	sadd.s32 $0x8000, s4;
	s29 =	sadd.s32 $0x8800, s4;
	[dreg:$0x12] =	wrdreg s24  }
0x19: {  	s30 =	sadd.s32 $0x9000, s4;
	s31 =	sadd.s32 $0x9800, s4;
	[dreg:$0x13] =	wrdreg s25  }
0x1a: {  	s1 =	simm.s32 $0x5;
	s9 =	simm.s32 $0xF400;
	[dreg:$0x14] =	wrdreg s26  }
0x1b: {  	s23 =	sadd.s32 $0x7000, s4;
	s25 =	sshrl.u32 s11, $0x3;
	s26 =	sadd.s32 $0x7800, s4  }
0x1c: {  	s0 =	simm.s32 $0x1F400;
	s11 =	simm.s32 $0x17400;
	s13 =	simm.s32 $0x3  }
0x1d: {  	v0 =	vimm.f32 $0.0e+00;
	s14 =	simm.s32 $0x2;
	s15 =	simm.s32 $0x4;
	s16 =	simm.s32 $0x0  }
.LBB2_1:
0x1e: {  	s17 =	sand.u32 $0x1F00, s2  }
0x1f: {  	s18 =	sand.u32 $0x30, s2;
	s19 =	sshrl.u32 s17, $0x2  }
0x20: {  	s17 =	simm.s32 $0x40;
	s19 =	sor.u32 s18, s19;
	s18 =	simm.s32 $0x0  }
.LBB2_2:
0x21: {  	p0 =	sne.s32 s17, $0x1FC0  }
0x22: {  	[tilespmem:s19+$0x1F400] =	vst v0;
	s18 =	sadd.s32 $0x10, s18;
	s19 =	smov.u32 s17;
	s17 =	sadd.s32 $0x40, s17  }
.Ltmp0:
0x23: {  	(pc) =	sbr.rel @p0 .LBB2_2-.Ltmp0, $4  }
0x24: {  	_ = 	snop  }
0x25: {  	s19 =	sand.u32 $0x1F00, s19  }
0x26: {  	s24 =	sand.u32 $0x30, s18;
	s19 =	sshrl.u32 s19, $0x2  }
0x27: {  	s19 =	sor.u32 s24, s19  }
0x28: {  	[tilespmem:s19+$0x1F400] =	vst v0  }
0x29: {  	[spmem:s4] =	stream.linear.scatter [tilespmem:s0], [sflag:$0x5], $0x800, $0x38;
	[tilespmem:$0x1FC00] =	vst v63  }
0x2a: {  	_ =	swait.ge [sflag:s1], $0x800  }
0x2b: {  	[sflag:s1] =	ssyncset.done $0x0  }
0x2c: {  	s17 =	rddreg [dreg:$0x8];
	[sflag:s1] =	ssyncadd.s32 $0xFFFFF800  }
0x2d: {  	[spmem:s17] =	stream.linear.scatter [tilespmem:s0], [sflag:$0x5], $0x800, $0x38;
	[tilespmem:$0x1FC00] =	vst v63  }
0x2e: {  	_ =	swait.ge [sflag:s1], $0x800  }
0x2f: {  	[sflag:s1] =	ssyncset.done $0x0  }
0x30: {  	s18 =	rddreg [dreg:$0x9];
	[sflag:s1] =	ssyncadd.s32 $0xFFFFF800  }
0x31: {  	[spmem:s18] =	stream.linear.scatter [tilespmem:s0], [sflag:$0x5], $0x800, $0x38;
	[tilespmem:$0x1FC00] =	vst v63  }
0x32: {  	_ =	swait.ge [sflag:s1], $0x800  }
0x33: {  	[sflag:s1] =	ssyncset.done $0x0  }
0x34: {  	s19 =	rddreg [dreg:$0xa];
	[sflag:s1] =	ssyncadd.s32 $0xFFFFF800  }
0x35: {  	[spmem:s19] =	stream.linear.scatter [tilespmem:s0], [sflag:$0x5], $0x800, $0x38;
	[tilespmem:$0x1FC00] =	vst v63  }
0x36: {  	_ =	swait.ge [sflag:s1], $0x800  }
0x37: {  	[sflag:s1] =	ssyncset.done $0x0  }
0x38: {  	s20 =	rddreg [dreg:$0xb];
	[sflag:s1] =	ssyncadd.s32 $0xFFFFF800  }
0x39: {  	[spmem:s20] =	stream.linear.scatter [tilespmem:s0], [sflag:$0x5], $0x800, $0x38;
	[tilespmem:$0x1FC00] =	vst v63  }
0x3a: {  	_ =	swait.ge [sflag:s1], $0x800  }
0x3b: {  	[sflag:s1] =	ssyncset.done $0x0  }
0x3c: {  	s21 =	rddreg [dreg:$0xc];
	[sflag:s1] =	ssyncadd.s32 $0xFFFFF800  }
0x3d: {  	[spmem:s21] =	stream.linear.scatter [tilespmem:s0], [sflag:$0x5], $0x800, $0x38;
	[tilespmem:$0x1FC00] =	vst v63  }
0x3e: {  	_ =	swait.ge [sflag:s1], $0x800  }
0x3f: {  	[sflag:s1] =	ssyncset.done $0x0  }
0x40: {  	s22 =	rddreg [dreg:$0xd];
	[sflag:s1] =	ssyncadd.s32 $0xFFFFF800  }
0x41: {  	[spmem:s22] =	stream.linear.scatter [tilespmem:s0], [sflag:$0x5], $0x800, $0x38;
	[tilespmem:$0x1FC00] =	vst v63  }
0x42: {  	_ =	swait.ge [sflag:s1], $0x800  }
0x43: {  	[sflag:s1] =	ssyncset.done $0x0  }
0x44: {  	s24 =	rddreg [dreg:$0xe];
	[sflag:s1] =	ssyncadd.s32 $0xFFFFF800  }
0x45: {  	[spmem:s24] =	stream.linear.scatter [tilespmem:s0], [sflag:$0x5], $0x800, $0x38;
	[tilespmem:$0x1FC00] =	vst v63  }
0x46: {  	_ =	swait.ge [sflag:s1], $0x800  }
0x47: {  	[sflag:s1] =	ssyncset.done $0x0  }
0x48: {  	s18 =	rddreg [dreg:$0xf];
	[sflag:s1] =	ssyncadd.s32 $0xFFFFF800  }
0x49: {  	[spmem:s18] =	stream.linear.scatter [tilespmem:s0], [sflag:$0x5], $0x800, $0x38;
	[tilespmem:$0x1FC00] =	vst v63  }
0x4a: {  	_ =	swait.ge [sflag:s1], $0x800  }
0x4b: {  	[sflag:s1] =	ssyncset.done $0x0  }
0x4c: {  	s19 =	rddreg [dreg:$0x10];
	[sflag:s1] =	ssyncadd.s32 $0xFFFFF800  }
0x4d: {  	[spmem:s19] =	stream.linear.scatter [tilespmem:s0], [sflag:$0x5], $0x800, $0x38;
	[tilespmem:$0x1FC00] =	vst v63  }
0x4e: {  	_ =	swait.ge [sflag:s1], $0x800  }
0x4f: {  	[sflag:s1] =	ssyncset.done $0x0  }
0x50: {  	s20 =	rddreg [dreg:$0x11];
	[sflag:s1] =	ssyncadd.s32 $0xFFFFF800  }
0x51: {  	[spmem:s20] =	stream.linear.scatter [tilespmem:s0], [sflag:$0x5], $0x800, $0x38;
	[tilespmem:$0x1FC00] =	vst v63  }
0x52: {  	_ =	swait.ge [sflag:s1], $0x800  }
0x53: {  	[sflag:s1] =	ssyncset.done $0x0  }
0x54: {  	s21 =	rddreg [dreg:$0x12];
	[sflag:s1] =	ssyncadd.s32 $0xFFFFF800  }
0x55: {  	[spmem:s21] =	stream.linear.scatter [tilespmem:s0], [sflag:$0x5], $0x800, $0x38;
	[tilespmem:$0x1FC00] =	vst v63  }
0x56: {  	_ =	swait.ge [sflag:s1], $0x800  }
0x57: {  	[sflag:s1] =	ssyncset.done $0x0  }
0x58: {  	s22 =	rddreg [dreg:$0x13];
	[sflag:s1] =	ssyncadd.s32 $0xFFFFF800  }
0x59: {  	[spmem:s22] =	stream.linear.scatter [tilespmem:s0], [sflag:$0x5], $0x800, $0x38;
	[tilespmem:$0x1FC00] =	vst v63  }
0x5a: {  	_ =	swait.ge [sflag:s1], $0x800  }
0x5b: {  	[sflag:s1] =	ssyncset.done $0x0  }
0x5c: {  	s24 =	rddreg [dreg:$0x14];
	[sflag:s1] =	ssyncadd.s32 $0xFFFFF800  }
0x5d: {  	[spmem:s24] =	stream.linear.scatter [tilespmem:s0], [sflag:$0x5], $0x800, $0x38;
	[tilespmem:$0x1FC00] =	vst v63  }
0x5e: {  	_ =	swait.ge [sflag:s1], $0x800  }
0x5f: {  	[sflag:s1] =	ssyncset.done $0x0  }
0x60: {  	[sflag:s1] =	ssyncadd.s32 $0xFFFFF800  }
0x61: {  	[spmem:s23] =	stream.linear.scatter [tilespmem:s0], [sflag:$0x5], $0x800, $0x38;
	[tilespmem:$0x1FC00] =	vst v63  }
0x62: {  	_ =	swait.ge [sflag:s1], $0x800  }
0x63: {  	[sflag:s1] =	ssyncset.done $0x0  }
0x64: {  	[sflag:s1] =	ssyncadd.s32 $0xFFFFF800  }
0x65: {  	[spmem:s26] =	stream.linear.scatter [tilespmem:s0], [sflag:$0x5], $0x800, $0x38;
	[tilespmem:$0x1FC00] =	vst v63  }
0x66: {  	_ =	swait.ge [sflag:s1], $0x800  }
0x67: {  	[sflag:s1] =	ssyncset.done $0x0  }
0x68: {  	[sflag:s1] =	ssyncadd.s32 $0xFFFFF800  }
0x69: {  	[spmem:s28] =	stream.linear.scatter [tilespmem:s0], [sflag:$0x5], $0x800, $0x38;
	[tilespmem:$0x1FC00] =	vst v63  }
0x6a: {  	_ =	swait.ge [sflag:s1], $0x800  }
0x6b: {  	[sflag:s1] =	ssyncset.done $0x0  }
0x6c: {  	[sflag:s1] =	ssyncadd.s32 $0xFFFFF800  }
0x6d: {  	[spmem:s29] =	stream.linear.scatter [tilespmem:s0], [sflag:$0x5], $0x800, $0x38;
	[tilespmem:$0x1FC00] =	vst v63  }
0x6e: {  	_ =	swait.ge [sflag:s1], $0x800  }
0x6f: {  	[sflag:s1] =	ssyncset.done $0x0  }
0x70: {  	[sflag:s1] =	ssyncadd.s32 $0xFFFFF800  }
0x71: {  	[spmem:s30] =	stream.linear.scatter [tilespmem:s0], [sflag:$0x5], $0x800, $0x38;
	[tilespmem:$0x1FC00] =	vst v63  }
0x72: {  	_ =	swait.ge [sflag:s1], $0x800  }
0x73: {  	[sflag:s1] =	ssyncset.done $0x0  }
0x74: {  	[sflag:s1] =	ssyncadd.s32 $0xFFFFF800  }
0x75: {  	[spmem:s31] =	stream.linear.scatter [tilespmem:s0], [sflag:$0x5], $0x800, $0x38;
	[tilespmem:$0x1FC00] =	vst v63  }
0x76: {  	_ =	swait.ge [sflag:s1], $0x800  }
0x77: {  	[sflag:s1] =	ssyncset.done $0x0  }
0x78: {  	s18 =	rddreg [dreg:$0x3];
	[sflag:s1] =	ssyncadd.s32 $0xFFFFF800  }
0x79: {  	[tilespmem:s5], [sflag:$0x5] =	stream.linear.gather [hbm4b:s18+s2], $0x5000, $0x38;
	[tilespmem:$0x1FC00] =	vst v63  }
0x7a: {  	_ =	swait.ge [sflag:s1], $0x5000  }
0x7b: {  	[sflag:s1] =	ssyncset.done $0x0  }
0x7c: {  	[sflag:s1] =	ssyncadd.s32 $0xFFFFB000  }
0x7d: {  	[bflag:$0x0] =	sbarrier.arrive $0xFFFF  }
0x7e: {  	s19 =	rddreg [dreg:$0x4]  }
0x7f: {  	[tilespmem:s7], [sflag:$0x3] =	stream.linear.gather [hbm4b:s19+s2], $0x200, $0x38;
	[tilespmem:$0x1FC00] =	vst v63  }
0x80: {  	_ = 	snop  }
0x81: {  	[tilespmem:s9], [sflag:$0x1] =	stream.indirect.gather [hbm4b:s6+s8], $0x40, s5, s8, $0xb8;
	[tilespmem:$0x1FC00] =	vst v63  }
0x82: {  	s20 =	rddreg [dreg:$0x5]  }
0x83: {  	[tilespmem:s10], [sflag:$0x4] =	stream.linear.gather [hbm4b:s20+s2], $0x200, $0x38;
	[tilespmem:$0x1FC00] =	vst v63  }
0x84: {  	s21 =	simm.s32 $0xA200  }
0x85: {  	[tilespmem:s11], [sflag:$0x2] =	stream.indirect.gather [hbm4b:s6+s8], $0x40, s21, s8, $0xb8;
	[tilespmem:$0x1FC00] =	vst v63  }
0x86: {  	_ =	swait.ge [sflag:s12], $0x8000  }
0x87: {  	[sflag:s12] =	ssyncset.done $0x0  }
0x88: {  	[sflag:s12] =	ssyncadd.s32 $0xFFFF8000  }
0x89: {  	_ =	swait.ge [sflag:s13], $0x200  }
0x8a: {  	[sflag:s13] =	ssyncset.done $0x0  }
0x8b: {  	s22 =	sadd.s32 $0xFFFFFFC0, s3;
	[sflag:s13] =	ssyncadd.s32 $0xFFFFFE00  }
0x8c: {  	[tilespmem:s7], [sflag:$0x3] =	stream.linear.gather [hbm4b:s22+s2], $0x200, $0x38;
	[tilespmem:$0x1FC00] =	vst v63  }
0x8d: {  	s24 =	simm.s32 $0xA400  }
0x8e: {  	[tilespmem:s9], [sflag:$0x1] =	stream.indirect.gather [hbm4b:s6+s8], $0x40, s24, s8, $0xb8;
	[tilespmem:$0x1FC00] =	vst v63  }
0x8f: {  	_ =	swait.ge [sflag:s14], $0x8000  }
0x90: {  	[sflag:s14] =	ssyncset.done $0x0  }
0x91: {  	[sflag:s14] =	ssyncadd.s32 $0xFFFF8000  }
0x92: {  	_ =	swait.ge [sflag:s15], $0x200  }
0x93: {  	s17 =	sadd.s32 $0x80, s3;
	s18 =	simm.s32 $0xFFFFB800;
	[sflag:s15] =	ssyncset.done $0x0  }
0x94: {  	s19 =	simm.s32 $0xFFFEF000;
	s24 =	smov.u32 s3;
	[sflag:s15] =	ssyncadd.s32 $0xFFFFFE00  }
.LBB2_4:
0x95: {  	[tilespmem:s10], [sflag:$0x4] =	stream.linear.gather [hbm4b:s24+s2], $0x200, $0x38;
	[tilespmem:$0x1FC00] =	vst v63  }
0x96: {  	s20 =	smov.u32 s19;
	s24 =	smov.u32 s17  }
0x97: {  	s21 =	sadd.s32 $0x1000, s19;
	s22 =	sadd.s32 $0xEE00, s18;
	s20 =	sshra.s32 s20, $0x2  }
0x98: {  	[tilespmem:s11], [sflag:$0x2] =	stream.indirect.gather [hbm4b:s6+s8], $0x40, s22, s8, $0xb8;
	[tilespmem:$0x1FC00] =	vst v63  }
0x99: {  	p0 =	sne.s32 s19, $0xFFFFF000;
	_ =	swait.ge [sflag:s12], $0x8000  }
0x9a: {  	[sflag:s12] =	ssyncset.done $0x0  }
0x9b: {  	[sflag:s12] =	ssyncadd.s32 $0xFFFF8000  }
0x9c: {  	_ =	swait.ge [sflag:s13], $0x200  }
0x9d: {  	[sflag:s13] =	ssyncset.done $0x0  }
0x9e: {  	s19 =	sadd.s32 $0xFFFFFFC0, s17;
	[sflag:s13] =	ssyncadd.s32 $0xFFFFFE00  }
0x9f: {  	[tilespmem:s7], [sflag:$0x3] =	stream.linear.gather [hbm4b:s19+s2], $0x200, $0x38;
	[tilespmem:$0x1FC00] =	vst v63  }
0xa0: {  	s19 =	sadd.s32 $0xF000, s18;
	s18 =	smov.u32 s20  }
0xa1: {  	[tilespmem:s9], [sflag:$0x1] =	stream.indirect.gather [hbm4b:s6+s8], $0x40, s19, s8, $0xb8;
	[tilespmem:$0x1FC00] =	vst v63  }
0xa2: {  	_ =	swait.ge [sflag:s14], $0x8000  }
.Ltmp1:
0xa3: {  	[sflag:s14] =	ssyncset.done $0x0;
	(pc) =	sbr.rel @p0 .LBB2_4-.Ltmp1, $4  }
0xa4: {  	[sflag:s14] =	ssyncadd.s32 $0xFFFF8000  }
0xa5: {  	_ =	swait.ge [sflag:s15], $0x200  }
0xa6: {  	[sflag:s15] =	ssyncset.done $0x0  }
0xa7: {  	s17 =	sadd.s32 $0x80, s17;
	s19 =	smov.u32 s21;
	[sflag:s15] =	ssyncadd.s32 $0xFFFFFE00  }
0xa8: {  	[tilespmem:s10], [sflag:$0x4] =	stream.linear.gather [hbm4b:s24+s2], $0x200, $0x38;
	[tilespmem:$0x1FC00] =	vst v63  }
0xa9: {  	s19 =	sadd.s32 $0xEE00, s18  }
0xaa: {  	[tilespmem:s11], [sflag:$0x2] =	stream.indirect.gather [hbm4b:s6+s8], $0x40, s19, s8, $0xb8;
	[tilespmem:$0x1FC00] =	vst v63  }
0xab: {  	_ =	swait.ge [sflag:s12], $0x8000  }
0xac: {  	[sflag:s12] =	ssyncset.done $0x0  }
0xad: {  	[sflag:s12] =	ssyncadd.s32 $0xFFFF8000  }
0xae: {  	_ =	swait.ge [sflag:s13], $0x200  }
0xaf: {  	[sflag:s13] =	ssyncset.done $0x0  }
0xb0: {  	s24 =	sadd.s32 $0xFFFFFFC0, s17;
	[sflag:s13] =	ssyncadd.s32 $0xFFFFFE00  }
0xb1: {  	[tilespmem:s7], [sflag:$0x3] =	stream.linear.gather [hbm4b:s24+s2], $0x200, $0x38;
	[tilespmem:$0x1FC00] =	vst v63  }
0xb2: {  	s19 =	sadd.s32 $0xF000, s18  }
0xb3: {  	[tilespmem:s9], [sflag:$0x1] =	stream.indirect.gather [hbm4b:s6+s8], $0x40, s19, s8, $0xb8;
	[tilespmem:$0x1FC00] =	vst v63  }
0xb4: {  	_ =	swait.ge [sflag:s14], $0x8000  }
0xb5: {  	[sflag:s14] =	ssyncset.done $0x0  }
0xb6: {  	[sflag:s14] =	ssyncadd.s32 $0xFFFF8000  }
0xb7: {  	_ =	swait.ge [sflag:s15], $0x200  }
0xb8: {  	[sflag:s15] =	ssyncset.done $0x0  }
0xb9: {  	[sflag:s15] =	ssyncadd.s32 $0xFFFFFE00  }
0xba: {  	[tilespmem:s10], [sflag:$0x4] =	stream.linear.gather [hbm4b:s17+s2], $0x200, $0x38;
	[tilespmem:$0x1FC00] =	vst v63  }
0xbb: {  	s20 =	simm.s32 $0xEE00  }
0xbc: {  	[tilespmem:s11], [sflag:$0x2] =	stream.indirect.gather [hbm4b:s6+s8], $0x40, s20, s8, $0xb8;
	[tilespmem:$0x1FC00] =	vst v63  }
0xbd: {  	_ =	swait.ge [sflag:s12], $0x8000  }
0xbe: {  	[sflag:s12] =	ssyncset.done $0x0  }
0xbf: {  	[sflag:s12] =	ssyncadd.s32 $0xFFFF8000  }
0xc0: {  	_ =	swait.ge [sflag:s13], $0x200  }
0xc1: {  	[sflag:s13] =	ssyncset.done $0x0  }
0xc2: {  	[sflag:s13] =	ssyncadd.s32 $0xFFFFFE00  }
0xc3: {  	_ =	swait.ge [sflag:s14], $0x8000  }
0xc4: {  	[sflag:s14] =	ssyncset.done $0x0  }
0xc5: {  	[sflag:s14] =	ssyncadd.s32 $0xFFFF8000  }
0xc6: {  	_ =	swait.ge [sflag:s15], $0x200  }
0xc7: {  	[sflag:s15] =	ssyncset.done $0x0  }
0xc8: {  	s21 =	stileid.u32;
	[sflag:s15] =	ssyncadd.s32 $0xFFFFFE00  }
0xc9: {  	s17 =	sshll.u32 s21, $0x6;
	[bflag:$0x0] =	sbarrier.arrive $0xFFFF  }
0xca: {  	s17 =	sor.u32 $0x1C05, s17;
	s22 =	rddreg [dreg:$0x6]  }
0xcb: {  	[hbm:s22], [sflag:s17] =	dma.local [spmem:s25], $0x1400  }
0xcc: {  	_ =	swait.ge [sflag:s1], $0x1400  }
0xcd: {  	s16 =	sadd.s32 $0x1, s16;
	s24 =	rddreg [dreg:$0x7]  }
0xce: {  	p0 =	sne.s32 s16, s24  }
.Ltmp2:
0xcf: {  	_ = 	snop;
	(pc) =	sbr.rel @p0 .LBB2_1-.Ltmp2, $3  }
0xd0: {  	_ =	sdelay $0x1  }
0xd1: {  	[sflag:s1] =	ssyncset.done $0x0  }
0xd2: {  	[sflag:s1] =	ssyncadd.s32 $0xFFFFEC00  }
0xd3: {  	_ =	sfence.sel $0x180000  }
0xd4: {  	[bflag:$0x0] =	sbarrier.arrive $0xFFFF  }
0xd5: {  	_ =	strace $0x9000004D  }
0xd6: {  	s0 =	stileid.u32;
	[bflag:$0x2] =	sbarrier.arrive $0xFFFF  }
0xd7: {  	p0 =	sne.s32 s0, $0x0;
	s0 =	rddreg [dreg:$0x2]  }
0xd8: {  	s0 =	sadd.s32 @!p0 $0x100000, s0  }
0xd9: {  	[sflag:s0] =	ssyncadd.tile.s32 @!p0 $0x1;
	_ =	shalt  }
.Lfunc_end2:
_tile_overlayer_lowered:
.L_overlay_start_2:
0xda: {  	(tag) =	ssettag $0x2  }
0xdb: {  	s0 =	rddreg [dreg:$0x0];
	s2 =	stileid.u32  }
0xdc: {  	s1 =	rddreg [dreg:$0x1];
	p0 =	sne.s32 s2, $0x0  }
0xdd: {  	s3 =	rddreg [dreg:$0x2];
	[bflag:$0x3] =	sbarrier.arrive $0xFFFF;
	s2 =	simm.s32 @!p0 $0x1C05  }
0xde: {  	[timem:s3], [sflag:s2] =	dma.local @!p0 [hbm:s0], s1  }
0xdf: {  	s0 =	simm.s32 @!p0 $0x5  }
0xe0: {  	_ =	swait.ge @!p0 [sflag:s0], s1  }
0xe1: {  	s1 =	ssub.s32 @!p0 $0x0, s1;
	[sflag:s0] =	ssyncset.done @!p0 $0x0  }
0xe2: {  	[sflag:s0] =	ssyncadd.s32 @!p0 s1  }
0xe3: {  	[bflag:$0x3] =	sbarrier.arrive $0xFFFF  }
0xe4: {  	_ =	shalt  }

// kernel: kernel.20.cloned.1.call-start
scs
__scs_entry_jumppad:
0x0: {  	(pc) =	sbr.rel $0x88, $3  }
0x1: {  	(tag) =	ssettag $0x0;
	lr =	simm.s32 $0x1  }
0x2: {  	[smem:$0x3F99] =	sst lr;
	_ =	strace $0xD0000000  }
0x3: {  	_ = 	snop  }
0x4: {  	_ = 	snop  }
0x5: {  	_ = 	snop  }
0x6: {  	_ = 	snop  }
0x7: {  	_ = 	snop  }
__scs_overlays_trampoline_lowered:
0x8: {  	[smem:$0x3FA8] =	sst s0  }
0x9: {  	[smem:$0x3FA9] =	sst s1  }
0xa: {  	[smem:$0x3FAA] =	sst s2  }
0xb: {  	[smem:$0x3FAB] =	sst s3  }
0xc: {  	[smem:$0x3FAC] =	sst s4  }
0xd: {  	[smem:$0x3FAD] =	sst s5  }
0xe: {  	[smem:$0x3FAE] =	sst s6  }
0xf: {  	[smem:$0x3FAF] =	sst s7  }
0x10: {  	[smem:$0x3FB0] =	sst s8  }
0x11: {  	[smem:$0x3FB1] =	sst s9;
	s0 =	simm.s32 @!p0 $0x0  }
0x12: {  	s1 =	sld [smem:$0x3F97];
	s0 =	simm.s32 @p0 $0x1  }
0x13: {  	[smem:$0x3FB2] =	sst s0;
	s0 =	simm.s32 @!p1 $0x0  }
0x14: {  	s2 =	sld [smem:$0x3F96];
	s0 =	simm.s32 @p1 $0x1  }
0x15: {  	[smem:$0x3FB3] =	sst s0;
	s0 =	simm.s32 @!p2 $0x0  }
0x16: {  	s3 =	sld [smem:$0x3FDB];
	s0 =	simm.s32 @p2 $0x1  }
0x17: {  	s4 =	simm.s32 $0x1BF5;
	[smem:$0x3FB5] =	sst s0  }
0x18: {  	s0 =	sld [smem:$0x3F98];
	_ =	swait.ge [sflag:s4], $0x0  }
0x19: {  	s7 =	sld [smem:$0x3F99]  }
0x1a: {  	s8 =	sadd.s32 $0xFFFFE003, lr  }
0x1b: {  	s9 =	sadd.s32 $0xFFFFFEF7, lr;
	s5 =	simm.s32 $0xFFFFFFFF;
	p2 =	slt.u32 s8, $0xFFFFF086  }
0x1c: {  	p1 =	slt.u32 s9, $0xF7A;
	s5 =	simm.s32 @!p2 $0x0  }
0x1d: {  	s5 =	simm.s32 @p1 $0x1;
	p0 =	seq.s32 s7, s2  }
0x1e: {  	s7 =	smul.u32 @!p0 $0xF7A, s2;
	p2 =	seq.s32 @!p0 s5, $0x0  }
0x1f: {  	s9 =	smul.u32 $0xF7A, s1;
	s8 =	simm.s32 @!p0 $0x1BF5;
	p2 =	por !p2, p0  }
0x20: {  	[sflag:s8] =	ssyncset.s32 @!p0 $0xFFFFF086;
	s6 =	sadd.s32 @!p0 s3, s7;
	s7 =	simm.s32 @!p0 $0x108  }
0x21: {  	s3 =	sadd.s32 s3, s9;
	s6 =	sadd.s32 @!p0 $0x88, s6;
	s7 =	simm.s32 @p2 $0x1082  }
0x22: {  	[simem:s7], [sflag:s8] =	dma.local @!p0 [hbm:s6], $0xF7A  }
0x23: {  	s9 =	sor.u32 $0xD0000000, s2;
	s6 =	simm.s32 $0x108;
	_ =	swait.ge @!p0 [sflag:s8], $0x0  }
0x24: {  	s3 =	sadd.s32 $0x88, s3;
	s6 =	simm.s32 @!p1 $0x1082;
	[sflag:s4] =	ssyncset.s32 $0xFFFFF086  }
0x25: {  	[simem:s6], [sflag:s4] =	dma.local [hbm:s3], $0xF7A  }
0x26: {  	[smem:$0x3F99] =	sst s1;
	(tag) =	ssettag s2;
	_ =	strace s9  }
0x27: {  	s1 =	sld [smem:$0x3FA9]  }
0x28: {  	s2 =	sld [smem:$0x3FAA]  }
0x29: {  	s4 =	sld [smem:$0x3FAC]  }
0x2a: {  	p0 =	seq.s32 s5, $0x0;
	s5 =	sld [smem:$0x3FAD]  }
0x2b: {  	s6 =	sld [smem:$0x3FAE]  }
0x2c: {  	s7 =	sld [smem:$0x3FAF]  }
0x2d: {  	s3 =	simm.s32 $0x108;
	s8 =	sld [smem:$0x3FB0]  }
0x2e: {  	s3 =	simm.s32 @!p0 $0x1082;
	s9 =	sld [smem:$0x3FB1]  }
0x2f: {  	lr =	sadd.s32 s0, s3;
	s0 =	sld [smem:$0x3FA8]  }
0x30: {  	s3 =	sld [smem:$0x3FAB]  }
0x31: {  	[smem:$0x3FB4] =	sst s10  }
0x32: {  	s10 =	sld [smem:$0x3FB2];
	_ =	sdelay $0x3  }
0x33: {  	p0 =	seq.s32 s10, $0x1;
	s10 =	sld [smem:$0x3FB4];
	_ =	sdelay $0x3  }
0x34: {  	[smem:$0x3FB4] =	sst s10  }
0x35: {  	s10 =	sld [smem:$0x3FB3];
	_ =	sdelay $0x3  }
0x36: {  	p1 =	seq.s32 s10, $0x1;
	s10 =	sld [smem:$0x3FB4];
	_ =	sdelay $0x3  }
0x37: {  	[smem:$0x3FB4] =	sst s10  }
0x38: {  	s10 =	sld [smem:$0x3FB5]  }
0x39: {  	_ = 	snop;
	(pc) =	sbr.ind lr, $3  }
0x3a: {  	_ = 	snop  }
0x3b: {  	_ = 	snop  }
0x3c: {  	p2 =	seq.s32 s10, $0x1;
	s10 =	sld [smem:$0x3FB4]  }
0x3d: {  	_ =	shalt  }
0x3e: {  	_ =	shalt  }
0x3f: {  	_ =	shalt  }
0x40: {  	_ =	shalt  }
0x41: {  	_ =	shalt  }
0x42: {  	_ =	shalt  }
0x43: {  	_ =	shalt  }
0x44: {  	_ =	shalt  }
0x45: {  	_ =	shalt  }
0x46: {  	_ =	shalt  }
0x47: {  	_ =	shalt  }
0x48: {  	_ =	shalt  }
0x49: {  	_ =	shalt  }
0x4a: {  	_ =	shalt  }
0x4b: {  	_ =	shalt  }
0x4c: {  	_ =	shalt  }
0x4d: {  	_ =	shalt  }
0x4e: {  	_ =	shalt  }
0x4f: {  	_ =	shalt  }
0x50: {  	_ =	shalt  }
0x51: {  	_ =	shalt  }
0x52: {  	_ =	shalt  }
0x53: {  	_ =	shalt  }
0x54: {  	_ =	shalt  }
0x55: {  	_ =	shalt  }
0x56: {  	_ =	shalt  }
0x57: {  	_ =	shalt  }
0x58: {  	_ =	shalt  }
0x59: {  	_ =	shalt  }
0x5a: {  	_ =	shalt  }
0x5b: {  	_ =	shalt  }
0x5c: {  	_ =	shalt  }
0x5d: {  	_ =	shalt  }
0x5e: {  	_ =	shalt  }
0x5f: {  	_ =	shalt  }
0x60: {  	_ =	shalt  }
0x61: {  	_ =	shalt  }
0x62: {  	_ =	shalt  }
0x63: {  	_ =	shalt  }
0x64: {  	_ =	shalt  }
0x65: {  	_ =	shalt  }
0x66: {  	_ =	shalt  }
0x67: {  	_ =	shalt  }
0x68: {  	_ =	shalt  }
0x69: {  	_ =	shalt  }
0x6a: {  	_ =	shalt  }
0x6b: {  	_ =	shalt  }
0x6c: {  	_ =	shalt  }
0x6d: {  	_ =	shalt  }
0x6e: {  	_ =	shalt  }
0x6f: {  	_ =	shalt  }
0x70: {  	_ =	shalt  }
0x71: {  	_ =	shalt  }
0x72: {  	_ =	shalt  }
0x73: {  	_ =	shalt  }
0x74: {  	_ =	shalt  }
0x75: {  	_ =	shalt  }
0x76: {  	_ =	shalt  }
0x77: {  	_ =	shalt  }
0x78: {  	_ =	shalt  }
0x79: {  	_ =	shalt  }
0x7a: {  	_ =	shalt  }
0x7b: {  	_ =	shalt  }
0x7c: {  	_ =	shalt  }
0x7d: {  	_ =	shalt  }
0x7e: {  	_ =	shalt  }
0x7f: {  	_ =	shalt  }
0x80: {  	_ =	shalt  }
0x81: {  	_ =	shalt  }
0x82: {  	_ =	shalt  }
0x83: {  	_ =	shalt  }
0x84: {  	_ =	shalt  }
0x85: {  	_ =	shalt  }
0x86: {  	_ =	shalt  }
0x87: {  	_ =	shalt  }
.Lfunc_end0:
.L_simem_size_0:
called_computation.3_lowered:
.L_overlay_start_0:
0x88: {  	s2 =	sld [smem:$0x3FD9]  }
0x89: {  	s3 =	sld [smem:$0x3FFE];
	_ =	sdelay $0x1  }
0x8a: {  	s1 =	srdreg.scid  }
0x8b: {  	s0 =	sand.u32 $0x1, s1  }
0x8c: {  	s16 =	sshll.u32 s0, $0xA;
	s2 =	sadd.s32 s3, s2  }
0x8d: {  	s2 =	sadd.s32 s2, s16  }
0x8e: {  	[smem:$0x3FC0] =	sst s2  }
0x8f: {  	_ = 	snop  }
0x90: {  	(tm) =	ssettm $0x1  }
0x91: {  	s17 =	sld [smem:$0x3FFB];
	_ =	sdelay $0x3  }
0x92: {  	_ =	strace s17  }
0x93: {  	s2 =	sld [smem:$0x3FFC];
	_ =	sdelay $0x3  }
0x94: {  	_ =	strace s2  }
0x95: {  	s2 =	sld [smem:$0x3FFD];
	_ =	sdelay $0x3  }
0x96: {  	_ =	strace s2  }
0x97: {  	_ =	strace $0x8FFFFFFF  }
0x98: {  	s18 =	sld [smem:$0x3FDB];
	_ =	sdelay $0x1  }
0x99: {  	s19 =	simm.s32 $_scs_section_size  }
0x9a: {  	s4 =	simm.s32 $_size__tile_overlayer_lowered;
	s5 =	simm.s32 $_tile_overlayer_lowered  }
0x9b: {  	s22 =	simm.s32 $0x1BFF;
	s21 =	sshll.u32 s5, $0x1;
	s2 =	sadd.s32 s19, s18  }
0x9c: {  	s6 =	simm.s32 $0x0;
	s20 =	sshll.u32 s4, $0x1;
	s4 =	sadd.s32 s21, s2  }
0x9d: {  	[timem:s6], [sflag:s22] =	dma.local [hbm:s4], s20  }
0x9e: {  	_ =	swait.ge [sflag:s22], s20  }
0x9f: {  	s3 =	ssub.s32 $0x0, s20;
	[sflag:s22] =	ssyncset.done $0x0  }
0xa0: {  	[sflag:s22] =	ssyncadd.s32 s3;
	_ =	sdelay $0x1  }
0xa1: {  	s23 =	simm.s32 $0x1B8B  }
0xa2: {  	_ =	swait.ge [sflag:s23], $0x1  }
0xa3: {  	[sflag:s23] =	ssyncset.done $0x0  }
0xa4: {  	s25 =	simm.s32 $0x1B8E;
	s24 =	sld [smem:$0x3FFE];
	[sflag:s23] =	ssyncadd.s32 $0xFFFFFFFF  }
0xa5: {  	s26 =	simm.s32 $execute0_lowered;
	[smem:$0x3FD2] =	sst s25  }
0xa6: {  	s4 =	sshll.u32 s26, $0x1;
	_ =	strace $0x8000004F;
	[dreg:$0x1] =	wrdreg $0xFFFFFFFF  }
0xa7: {  	s28 =	simm.s32 $_size_execute0_lowered;
	s2 =	sadd.s32 s2, s4;
	[dreg:$0x0] =	wrdreg $0x0  }
0xa8: {  	s4 =	sshll.u32 s28, $0x1;
	[dreg:$0x2] =	wrdreg s2  }
0xa9: {  	[dreg:$0x3] =	wrdreg s4  }
0xaa: {  	[dreg:$0x4] =	wrdreg $0xC0  }
0xab: {  	_ =	task [dreg:s6], $0x5FFFF  }
0xac: {  	[dreg:$0x1] =	wrdreg $0xFFFFFFFF  }
0xad: {  	[dreg:$0x0] =	wrdreg $0x60  }
0xae: {  	[dreg:$0x2] =	wrdreg s24  }
0xaf: {  	[dreg:$0x3] =	wrdreg $0x0  }
0xb0: {  	[dreg:$0x4] =	wrdreg $0x9  }
0xb1: {  	_ =	task.clear_ibuf [dreg:s6], $0x5FFFF;
	_ =	strace $0x9000004F  }
0xb2: {  	s29 =	simm.s32 $0x9;
	_ =	strace $0x80000051  }
0xb3: {  	_ =	swait.ge [sflag:s29], $0x1  }
0xb4: {  	[sflag:s29] =	ssyncadd.s32 $0xFFFFFFFF  }
0xb5: {  	_ =	strace $0x90000051  }
0xb6: {  	_ =	sfence  }
0xb7: {  	s30 =	sld [smem:$0x0];
	_ =	sdelay $0x2  }
0xb8: {  	s31 =	sshll.u32 s1, $0xD;
	s1 =	sshrl.u32 s1, $0x2  }
0xb9: {  	s3 =	sand.u32 $0x4000, s31;
	s1 =	sadd.s32 s1, s30  }
0xba: {  	s0 =	sor.u32 s3, s0;
	s1 =	sshll.u32 s1, $0x11  }
0xbb: {  	s0 =	sor.u32 s1, s0  }
0xbc: {  	s0 =	sadd.s32 $0x8F2B, s0  }
0xbd: {  	[sflag:s0] =	ssyncadd.remote.s32 $0x1  }
0xbe: {  	_ =	sfence.sel $0xFFFF  }
0xbf: {  	[dreg:$0x0] =	wrdreg $0xFFFFFFFF;
	(pc) =	sbr.abs _section_cstart, $3  }
0xc0: {  	[dreg:$0x1] =	wrdreg $0xFFFFFFFF  }
0xc1: {  	_ =	task.clear_ibuf [dreg:s6], $0x2FFFF;
	_ =	strace $0x9FFFFFFF  }
0xc2: {  	(tm) =	ssettm $0x7FFFFFFF  }
0xc3: {  	_ =	shalt  }
tec
execute0_lowered:
.L_overlay_start_1:
0x0: {  	(tag) =	ssettag $0x1  }
0x1: {  	s0 =	rddreg [dreg:$0x0];
	s10 =	stileid.u32  }
0x2: {  	s1 =	srdreg.scid;
	s5 =	smul.u32 $0x5000, s10  }
0x3: {  	s3 =	rddreg [dreg:$0x1];
	s8 =	smul.u32 $0x14000, s10  }
0x4: {  	s2 =	simm.s32 $0x0;
	s1 =	sand.u32 $0x1, s1;
	s22 =	smul.u32 $0xA00, s10  }
0x5: {  	[smem:$0x7FF] =	sst s2;
	s7 =	sadd.s32 $0x2800, s0;
	s4 =	smul.u32 $0x50000, s1  }
0x6: {  	_ =	strace $0x80000050;
	s1 =	ssub.s32 $0x2, s1;
	s26 =	sshrl.u32 s5, $0x3  }
0x7: {  	s9 =	sshrl.u32 s1, $0x1;
	s8 =	sshrl.u32 s8, $0x2;
	s6 =	sshrl.u32 s4, $0x3  }
0x8: {  	s4 =	sadd.s32 s5, s4;
	s11 =	sadd.s32 s7, s26;
	s1 =	ssub.s32 s1, s9  }
0x9: {  	s6 =	sadd.s32 s6, s0;
	s9 =	sadd.s32 $0xA000, s11;
	[dreg:$0x3] =	wrdreg s11  }
0xa: {  	s4 =	sshrl.u32 s4, $0x3;
	s11 =	sadd.s32 $0xA080, s11;
	[dreg:$0x4] =	wrdreg s9  }
0xb: {  	s1 =	smax.u32 s1, $0x1;
	s0 =	sadd.s32 s4, s0;
	[dreg:$0x5] =	wrdreg s11  }
0xc: {  	s4 =	sadd.s32 s8, s3;
	[dreg:$0x7] =	wrdreg s1;
	s0 =	sadd.s32 $0x2A800, s0  }
0xd: {  	s10 =	simm.s32 $0xA400;
	s13 =	sadd.s32 $0x400, s4;
	[dreg:$0x6] =	wrdreg s0  }
0xe: {  	s12 =	sadd.s32 s5, s3;
	s14 =	sadd.s32 $0x800, s4;
	[dreg:$0x8] =	wrdreg s13  }
0xf: {  	s5 =	simm.s32 $0x5000;
	s15 =	sadd.s32 $0xC00, s4;
	[dreg:$0x9] =	wrdreg s14  }
0x10: {  	s6 =	sadd.s32 $0x16800, s6;
	s16 =	sadd.s32 $0x1000, s4;
	[dreg:$0xa] =	wrdreg s15  }
0x11: {  	s1 =	sadd.s32 s22, s7;
	s17 =	sadd.s32 $0x1400, s4;
	[dreg:$0xb] =	wrdreg s16  }
0x12: {  	s7 =	simm.s32 $0xA000;
	s18 =	sadd.s32 $0x1800, s4;
	[dreg:$0xc] =	wrdreg s17  }
0x13: {  	s8 =	simm.s32 $0x400;
	s19 =	sadd.s32 $0x1C00, s4;
	[dreg:$0xd] =	wrdreg s18  }
0x14: {  	s9 =	simm.s32 $0xA800;
	s20 =	sadd.s32 $0x2000, s4;
	[dreg:$0xe] =	wrdreg s19  }
0x15: {  	s11 =	simm.s32 $0x12800;
	s21 =	sadd.s32 $0x2400, s4;
	[dreg:$0xf] =	wrdreg s20  }
0x16: {  	s23 =	sadd.s32 $0x2800, s4;
	s24 =	sadd.s32 $0x2C00, s4;
	[dreg:$0x10] =	wrdreg s21  }
0x17: {  	s25 =	sadd.s32 $0x3000, s4;
	s26 =	sadd.s32 $0x3400, s4;
	[dreg:$0x11] =	wrdreg s23  }
0x18: {  	s3 =	sadd.s32 $0xA180, s1;
	s28 =	sadd.s32 $0x4000, s4;
	[dreg:$0x12] =	wrdreg s24  }
0x19: {  	s29 =	sadd.s32 $0x4400, s4;
	s30 =	sadd.s32 $0x4800, s4;
	[dreg:$0x13] =	wrdreg s25  }
0x1a: {  	s31 =	sadd.s32 $0x4C00, s4;
	s1 =	simm.s32 $0x5;
	[dreg:$0x14] =	wrdreg s26  }
0x1b: {  	s23 =	sadd.s32 $0x3800, s4;
	s25 =	sshrl.u32 s12, $0x3;
	s26 =	sadd.s32 $0x3C00, s4  }
0x1c: {  	s0 =	simm.s32 $0x1A800;
	s12 =	simm.s32 $0x1;
	s13 =	simm.s32 $0x3  }
0x1d: {  	v0 =	vimm.f32 $0.0e+00;
	s14 =	simm.s32 $0x2;
	s15 =	simm.s32 $0x4;
	s16 =	simm.s32 $0x0  }
.LBB2_1:
0x1e: {  	s17 =	sand.u32 $0xF80, s2  }
0x1f: {  	s18 =	sand.u32 $0x10, s2;
	s19 =	sshrl.u32 s17, $0x2  }
0x20: {  	s17 =	simm.s32 $0x40;
	s19 =	sor.u32 s18, s19;
	s18 =	simm.s32 $0x0  }
.LBB2_2:
0x21: {  	p0 =	sne.s32 s17, $0xFC0  }
0x22: {  	[tilespmem:s19+$0x1A800] =	vst v0;
	s18 =	sadd.s32 $0x10, s18;
	s19 =	smov.u32 s17;
	s17 =	sadd.s32 $0x40, s17  }
.Ltmp0:
0x23: {  	(pc) =	sbr.rel @p0 .LBB2_2-.Ltmp0, $4  }
0x24: {  	_ = 	snop  }
0x25: {  	s19 =	sand.u32 $0xF80, s19  }
0x26: {  	s24 =	sand.u32 $0x10, s18;
	s19 =	sshrl.u32 s19, $0x2  }
0x27: {  	s19 =	sor.u32 s24, s19  }
0x28: {  	[tilespmem:s19+$0x1A800] =	vst v0  }
0x29: {  	[spmem:s4] =	stream.linear.scatter [tilespmem:s0], [sflag:$0x5], $0x400, $0x38;
	[tilespmem:$0x1AC00] =	vst v63  }
0x2a: {  	_ =	swait.ge [sflag:s1], $0x400  }
0x2b: {  	[sflag:s1] =	ssyncset.done $0x0  }
0x2c: {  	s17 =	rddreg [dreg:$0x8];
	[sflag:s1] =	ssyncadd.s32 $0xFFFFFC00  }
0x2d: {  	[spmem:s17] =	stream.linear.scatter [tilespmem:s0], [sflag:$0x5], $0x400, $0x38;
	[tilespmem:$0x1AC00] =	vst v63  }
0x2e: {  	_ =	swait.ge [sflag:s1], $0x400  }
0x2f: {  	[sflag:s1] =	ssyncset.done $0x0  }
0x30: {  	s18 =	rddreg [dreg:$0x9];
	[sflag:s1] =	ssyncadd.s32 $0xFFFFFC00  }
0x31: {  	[spmem:s18] =	stream.linear.scatter [tilespmem:s0], [sflag:$0x5], $0x400, $0x38;
	[tilespmem:$0x1AC00] =	vst v63  }
0x32: {  	_ =	swait.ge [sflag:s1], $0x400  }
0x33: {  	[sflag:s1] =	ssyncset.done $0x0  }
0x34: {  	s19 =	rddreg [dreg:$0xa];
	[sflag:s1] =	ssyncadd.s32 $0xFFFFFC00  }
0x35: {  	[spmem:s19] =	stream.linear.scatter [tilespmem:s0], [sflag:$0x5], $0x400, $0x38;
	[tilespmem:$0x1AC00] =	vst v63  }
0x36: {  	_ =	swait.ge [sflag:s1], $0x400  }
0x37: {  	[sflag:s1] =	ssyncset.done $0x0  }
0x38: {  	s20 =	rddreg [dreg:$0xb];
	[sflag:s1] =	ssyncadd.s32 $0xFFFFFC00  }
0x39: {  	[spmem:s20] =	stream.linear.scatter [tilespmem:s0], [sflag:$0x5], $0x400, $0x38;
	[tilespmem:$0x1AC00] =	vst v63  }
0x3a: {  	_ =	swait.ge [sflag:s1], $0x400  }
0x3b: {  	[sflag:s1] =	ssyncset.done $0x0  }
0x3c: {  	s21 =	rddreg [dreg:$0xc];
	[sflag:s1] =	ssyncadd.s32 $0xFFFFFC00  }
0x3d: {  	[spmem:s21] =	stream.linear.scatter [tilespmem:s0], [sflag:$0x5], $0x400, $0x38;
	[tilespmem:$0x1AC00] =	vst v63  }
0x3e: {  	_ =	swait.ge [sflag:s1], $0x400  }
0x3f: {  	[sflag:s1] =	ssyncset.done $0x0  }
0x40: {  	s22 =	rddreg [dreg:$0xd];
	[sflag:s1] =	ssyncadd.s32 $0xFFFFFC00  }
0x41: {  	[spmem:s22] =	stream.linear.scatter [tilespmem:s0], [sflag:$0x5], $0x400, $0x38;
	[tilespmem:$0x1AC00] =	vst v63  }
0x42: {  	_ =	swait.ge [sflag:s1], $0x400  }
0x43: {  	[sflag:s1] =	ssyncset.done $0x0  }
0x44: {  	s24 =	rddreg [dreg:$0xe];
	[sflag:s1] =	ssyncadd.s32 $0xFFFFFC00  }
0x45: {  	[spmem:s24] =	stream.linear.scatter [tilespmem:s0], [sflag:$0x5], $0x400, $0x38;
	[tilespmem:$0x1AC00] =	vst v63  }
0x46: {  	_ =	swait.ge [sflag:s1], $0x400  }
0x47: {  	[sflag:s1] =	ssyncset.done $0x0  }
0x48: {  	s18 =	rddreg [dreg:$0xf];
	[sflag:s1] =	ssyncadd.s32 $0xFFFFFC00  }
0x49: {  	[spmem:s18] =	stream.linear.scatter [tilespmem:s0], [sflag:$0x5], $0x400, $0x38;
	[tilespmem:$0x1AC00] =	vst v63  }
0x4a: {  	_ =	swait.ge [sflag:s1], $0x400  }
0x4b: {  	[sflag:s1] =	ssyncset.done $0x0  }
0x4c: {  	s19 =	rddreg [dreg:$0x10];
	[sflag:s1] =	ssyncadd.s32 $0xFFFFFC00  }
0x4d: {  	[spmem:s19] =	stream.linear.scatter [tilespmem:s0], [sflag:$0x5], $0x400, $0x38;
	[tilespmem:$0x1AC00] =	vst v63  }
0x4e: {  	_ =	swait.ge [sflag:s1], $0x400  }
0x4f: {  	[sflag:s1] =	ssyncset.done $0x0  }
0x50: {  	s20 =	rddreg [dreg:$0x11];
	[sflag:s1] =	ssyncadd.s32 $0xFFFFFC00  }
0x51: {  	[spmem:s20] =	stream.linear.scatter [tilespmem:s0], [sflag:$0x5], $0x400, $0x38;
	[tilespmem:$0x1AC00] =	vst v63  }
0x52: {  	_ =	swait.ge [sflag:s1], $0x400  }
0x53: {  	[sflag:s1] =	ssyncset.done $0x0  }
0x54: {  	s21 =	rddreg [dreg:$0x12];
	[sflag:s1] =	ssyncadd.s32 $0xFFFFFC00  }
0x55: {  	[spmem:s21] =	stream.linear.scatter [tilespmem:s0], [sflag:$0x5], $0x400, $0x38;
	[tilespmem:$0x1AC00] =	vst v63  }
0x56: {  	_ =	swait.ge [sflag:s1], $0x400  }
0x57: {  	[sflag:s1] =	ssyncset.done $0x0  }
0x58: {  	s22 =	rddreg [dreg:$0x13];
	[sflag:s1] =	ssyncadd.s32 $0xFFFFFC00  }
0x59: {  	[spmem:s22] =	stream.linear.scatter [tilespmem:s0], [sflag:$0x5], $0x400, $0x38;
	[tilespmem:$0x1AC00] =	vst v63  }
0x5a: {  	_ =	swait.ge [sflag:s1], $0x400  }
0x5b: {  	[sflag:s1] =	ssyncset.done $0x0  }
0x5c: {  	s24 =	rddreg [dreg:$0x14];
	[sflag:s1] =	ssyncadd.s32 $0xFFFFFC00  }
0x5d: {  	[spmem:s24] =	stream.linear.scatter [tilespmem:s0], [sflag:$0x5], $0x400, $0x38;
	[tilespmem:$0x1AC00] =	vst v63  }
0x5e: {  	_ =	swait.ge [sflag:s1], $0x400  }
0x5f: {  	[sflag:s1] =	ssyncset.done $0x0  }
0x60: {  	[sflag:s1] =	ssyncadd.s32 $0xFFFFFC00  }
0x61: {  	[spmem:s23] =	stream.linear.scatter [tilespmem:s0], [sflag:$0x5], $0x400, $0x38;
	[tilespmem:$0x1AC00] =	vst v63  }
0x62: {  	_ =	swait.ge [sflag:s1], $0x400  }
0x63: {  	[sflag:s1] =	ssyncset.done $0x0  }
0x64: {  	[sflag:s1] =	ssyncadd.s32 $0xFFFFFC00  }
0x65: {  	[spmem:s26] =	stream.linear.scatter [tilespmem:s0], [sflag:$0x5], $0x400, $0x38;
	[tilespmem:$0x1AC00] =	vst v63  }
0x66: {  	_ =	swait.ge [sflag:s1], $0x400  }
0x67: {  	[sflag:s1] =	ssyncset.done $0x0  }
0x68: {  	[sflag:s1] =	ssyncadd.s32 $0xFFFFFC00  }
0x69: {  	[spmem:s28] =	stream.linear.scatter [tilespmem:s0], [sflag:$0x5], $0x400, $0x38;
	[tilespmem:$0x1AC00] =	vst v63  }
0x6a: {  	_ =	swait.ge [sflag:s1], $0x400  }
0x6b: {  	[sflag:s1] =	ssyncset.done $0x0  }
0x6c: {  	[sflag:s1] =	ssyncadd.s32 $0xFFFFFC00  }
0x6d: {  	[spmem:s29] =	stream.linear.scatter [tilespmem:s0], [sflag:$0x5], $0x400, $0x38;
	[tilespmem:$0x1AC00] =	vst v63  }
0x6e: {  	_ =	swait.ge [sflag:s1], $0x400  }
0x6f: {  	[sflag:s1] =	ssyncset.done $0x0  }
0x70: {  	[sflag:s1] =	ssyncadd.s32 $0xFFFFFC00  }
0x71: {  	[spmem:s30] =	stream.linear.scatter [tilespmem:s0], [sflag:$0x5], $0x400, $0x38;
	[tilespmem:$0x1AC00] =	vst v63  }
0x72: {  	_ =	swait.ge [sflag:s1], $0x400  }
0x73: {  	[sflag:s1] =	ssyncset.done $0x0  }
0x74: {  	[sflag:s1] =	ssyncadd.s32 $0xFFFFFC00  }
0x75: {  	[spmem:s31] =	stream.linear.scatter [tilespmem:s0], [sflag:$0x5], $0x400, $0x38;
	[tilespmem:$0x1AC00] =	vst v63  }
0x76: {  	_ =	swait.ge [sflag:s1], $0x400  }
0x77: {  	[sflag:s1] =	ssyncset.done $0x0  }
0x78: {  	s18 =	rddreg [dreg:$0x3];
	[sflag:s1] =	ssyncadd.s32 $0xFFFFFC00  }
0x79: {  	[tilespmem:s5], [sflag:$0x5] =	stream.linear.gather [hbm4b:s18+s2], $0x5000, $0x38;
	[tilespmem:$0x1AC00] =	vst v63  }
0x7a: {  	_ =	swait.ge [sflag:s1], $0x5000  }
0x7b: {  	[sflag:s1] =	ssyncset.done $0x0  }
0x7c: {  	[sflag:s1] =	ssyncadd.s32 $0xFFFFB000  }
0x7d: {  	[bflag:$0x0] =	sbarrier.arrive $0xFFFF  }
0x7e: {  	s19 =	rddreg [dreg:$0x4]  }
0x7f: {  	[tilespmem:s7], [sflag:$0x3] =	stream.linear.gather [hbm4b:s19+s2], $0x400, $0x38;
	[tilespmem:$0x1AC00] =	vst v63  }
0x80: {  	_ = 	snop  }
0x81: {  	[tilespmem:s9], [sflag:$0x1] =	stream.indirect.gather [hbm4b:s6+s8], $0x20, s5, s8, $0xb8;
	[tilespmem:$0x1AC00] =	vst v63  }
0x82: {  	s20 =	rddreg [dreg:$0x5]  }
0x83: {  	[tilespmem:s10], [sflag:$0x4] =	stream.linear.gather [hbm4b:s20+s2], $0x400, $0x38;
	[tilespmem:$0x1AC00] =	vst v63  }
0x84: {  	s21 =	simm.s32 $0x5400  }
0x85: {  	[tilespmem:s11], [sflag:$0x2] =	stream.indirect.gather [hbm4b:s6+s8], $0x20, s21, s8, $0xb8;
	[tilespmem:$0x1AC00] =	vst v63  }
0x86: {  	_ =	swait.ge [sflag:s12], $0x8000  }
0x87: {  	[sflag:s12] =	ssyncset.done $0x0  }
0x88: {  	[sflag:s12] =	ssyncadd.s32 $0xFFFF8000  }
0x89: {  	_ =	swait.ge [sflag:s13], $0x400  }
0x8a: {  	[sflag:s13] =	ssyncset.done $0x0  }
0x8b: {  	s22 =	sadd.s32 $0xFFFFFF80, s3;
	[sflag:s13] =	ssyncadd.s32 $0xFFFFFC00  }
0x8c: {  	[tilespmem:s7], [sflag:$0x3] =	stream.linear.gather [hbm4b:s22+s2], $0x400, $0x38;
	[tilespmem:$0x1AC00] =	vst v63  }
0x8d: {  	s24 =	simm.s32 $0x5800  }
0x8e: {  	[tilespmem:s9], [sflag:$0x1] =	stream.indirect.gather [hbm4b:s6+s8], $0x20, s24, s8, $0xb8;
	[tilespmem:$0x1AC00] =	vst v63  }
0x8f: {  	_ =	swait.ge [sflag:s14], $0x8000  }
0x90: {  	[sflag:s14] =	ssyncset.done $0x0  }
0x91: {  	[sflag:s14] =	ssyncadd.s32 $0xFFFF8000  }
0x92: {  	_ =	swait.ge [sflag:s15], $0x400  }
0x93: {  	s17 =	sadd.s32 $0x100, s3;
	s18 =	simm.s32 $0xFFFFC000;
	[sflag:s15] =	ssyncset.done $0x0  }
0x94: {  	s19 =	simm.s32 $0xFFFF2000;
	s24 =	smov.u32 s3;
	[sflag:s15] =	ssyncadd.s32 $0xFFFFFC00  }
.LBB2_4:
0x95: {  	[tilespmem:s10], [sflag:$0x4] =	stream.linear.gather [hbm4b:s24+s2], $0x400, $0x38;
	[tilespmem:$0x1AC00] =	vst v63  }
0x96: {  	s20 =	smov.u32 s19;
	s24 =	smov.u32 s17  }
0x97: {  	s21 =	sadd.s32 $0x2000, s19;
	s22 =	sadd.s32 $0x9C00, s18;
	s20 =	sshra.s32 s20, $0x2  }
0x98: {  	[tilespmem:s11], [sflag:$0x2] =	stream.indirect.gather [hbm4b:s6+s8], $0x20, s22, s8, $0xb8;
	[tilespmem:$0x1AC00] =	vst v63  }
0x99: {  	p0 =	sne.s32 s19, $0xFFFFE000;
	_ =	swait.ge [sflag:s12], $0x8000  }
0x9a: {  	[sflag:s12] =	ssyncset.done $0x0  }
0x9b: {  	[sflag:s12] =	ssyncadd.s32 $0xFFFF8000  }
0x9c: {  	_ =	swait.ge [sflag:s13], $0x400  }
0x9d: {  	[sflag:s13] =	ssyncset.done $0x0  }
0x9e: {  	s19 =	sadd.s32 $0xFFFFFF80, s17;
	[sflag:s13] =	ssyncadd.s32 $0xFFFFFC00  }
0x9f: {  	[tilespmem:s7], [sflag:$0x3] =	stream.linear.gather [hbm4b:s19+s2], $0x400, $0x38;
	[tilespmem:$0x1AC00] =	vst v63  }
0xa0: {  	s19 =	sadd.s32 $0xA000, s18;
	s18 =	smov.u32 s20  }
0xa1: {  	[tilespmem:s9], [sflag:$0x1] =	stream.indirect.gather [hbm4b:s6+s8], $0x20, s19, s8, $0xb8;
	[tilespmem:$0x1AC00] =	vst v63  }
0xa2: {  	_ =	swait.ge [sflag:s14], $0x8000  }
.Ltmp1:
0xa3: {  	[sflag:s14] =	ssyncset.done $0x0;
	(pc) =	sbr.rel @p0 .LBB2_4-.Ltmp1, $4  }
0xa4: {  	[sflag:s14] =	ssyncadd.s32 $0xFFFF8000  }
0xa5: {  	_ =	swait.ge [sflag:s15], $0x400  }
0xa6: {  	[sflag:s15] =	ssyncset.done $0x0  }
0xa7: {  	s17 =	sadd.s32 $0x100, s17;
	s19 =	smov.u32 s21;
	[sflag:s15] =	ssyncadd.s32 $0xFFFFFC00  }
0xa8: {  	[tilespmem:s10], [sflag:$0x4] =	stream.linear.gather [hbm4b:s24+s2], $0x400, $0x38;
	[tilespmem:$0x1AC00] =	vst v63  }
0xa9: {  	s19 =	sadd.s32 $0x9C00, s18  }
0xaa: {  	[tilespmem:s11], [sflag:$0x2] =	stream.indirect.gather [hbm4b:s6+s8], $0x20, s19, s8, $0xb8;
	[tilespmem:$0x1AC00] =	vst v63  }
0xab: {  	_ =	swait.ge [sflag:s12], $0x8000  }
0xac: {  	[sflag:s12] =	ssyncset.done $0x0  }
0xad: {  	[sflag:s12] =	ssyncadd.s32 $0xFFFF8000  }
0xae: {  	_ =	swait.ge [sflag:s13], $0x400  }
0xaf: {  	[sflag:s13] =	ssyncset.done $0x0  }
0xb0: {  	s24 =	sadd.s32 $0xFFFFFF80, s17;
	[sflag:s13] =	ssyncadd.s32 $0xFFFFFC00  }
0xb1: {  	[tilespmem:s7], [sflag:$0x3] =	stream.linear.gather [hbm4b:s24+s2], $0x400, $0x38;
	[tilespmem:$0x1AC00] =	vst v63  }
0xb2: {  	s19 =	sadd.s32 $0xA000, s18  }
0xb3: {  	[tilespmem:s9], [sflag:$0x1] =	stream.indirect.gather [hbm4b:s6+s8], $0x20, s19, s8, $0xb8;
	[tilespmem:$0x1AC00] =	vst v63  }
0xb4: {  	_ =	swait.ge [sflag:s14], $0x8000  }
0xb5: {  	[sflag:s14] =	ssyncset.done $0x0  }
0xb6: {  	[sflag:s14] =	ssyncadd.s32 $0xFFFF8000  }
0xb7: {  	_ =	swait.ge [sflag:s15], $0x400  }
0xb8: {  	[sflag:s15] =	ssyncset.done $0x0  }
0xb9: {  	[sflag:s15] =	ssyncadd.s32 $0xFFFFFC00  }
0xba: {  	[tilespmem:s10], [sflag:$0x4] =	stream.linear.gather [hbm4b:s17+s2], $0x400, $0x38;
	[tilespmem:$0x1AC00] =	vst v63  }
0xbb: {  	s20 =	simm.s32 $0x9C00  }
0xbc: {  	[tilespmem:s11], [sflag:$0x2] =	stream.indirect.gather [hbm4b:s6+s8], $0x20, s20, s8, $0xb8;
	[tilespmem:$0x1AC00] =	vst v63  }
0xbd: {  	_ =	swait.ge [sflag:s12], $0x8000  }
0xbe: {  	[sflag:s12] =	ssyncset.done $0x0  }
0xbf: {  	[sflag:s12] =	ssyncadd.s32 $0xFFFF8000  }
0xc0: {  	_ =	swait.ge [sflag:s13], $0x400  }
0xc1: {  	[sflag:s13] =	ssyncset.done $0x0  }
0xc2: {  	[sflag:s13] =	ssyncadd.s32 $0xFFFFFC00  }
0xc3: {  	_ =	swait.ge [sflag:s14], $0x8000  }
0xc4: {  	[sflag:s14] =	ssyncset.done $0x0  }
0xc5: {  	[sflag:s14] =	ssyncadd.s32 $0xFFFF8000  }
0xc6: {  	_ =	swait.ge [sflag:s15], $0x400  }
0xc7: {  	[sflag:s15] =	ssyncset.done $0x0  }
0xc8: {  	s21 =	stileid.u32;
	[sflag:s15] =	ssyncadd.s32 $0xFFFFFC00  }
0xc9: {  	s17 =	sshll.u32 s21, $0x6;
	[bflag:$0x0] =	sbarrier.arrive $0xFFFF  }
0xca: {  	s17 =	sor.u32 $0x1C05, s17;
	s22 =	rddreg [dreg:$0x6]  }
0xcb: {  	[hbm:s22], [sflag:s17] =	dma.local [spmem:s25], $0xA00  }
0xcc: {  	_ =	swait.ge [sflag:s1], $0xA00  }
0xcd: {  	s16 =	sadd.s32 $0x1, s16;
	s24 =	rddreg [dreg:$0x7]  }
0xce: {  	p0 =	sne.s32 s16, s24  }
.Ltmp2:
0xcf: {  	_ = 	snop;
	(pc) =	sbr.rel @p0 .LBB2_1-.Ltmp2, $3  }
0xd0: {  	_ =	sdelay $0x1  }
0xd1: {  	[sflag:s1] =	ssyncset.done $0x0  }
0xd2: {  	[sflag:s1] =	ssyncadd.s32 $0xFFFFF600  }
0xd3: {  	_ =	sfence.sel $0x180000  }
0xd4: {  	[bflag:$0x0] =	sbarrier.arrive $0xFFFF  }
0xd5: {  	_ =	strace $0x90000050  }
0xd6: {  	s0 =	stileid.u32;
	[bflag:$0x2] =	sbarrier.arrive $0xFFFF  }
0xd7: {  	p0 =	sne.s32 s0, $0x0;
	s0 =	rddreg [dreg:$0x2]  }
0xd8: {  	s0 =	sadd.s32 @!p0 $0x100000, s0  }
0xd9: {  	[sflag:s0] =	ssyncadd.tile.s32 @!p0 $0x1;
	_ =	shalt  }
.Lfunc_end2:
_tile_overlayer_lowered:
.L_overlay_start_2:
0xda: {  	(tag) =	ssettag $0x2  }
0xdb: {  	s0 =	rddreg [dreg:$0x0];
	s2 =	stileid.u32  }
0xdc: {  	s1 =	rddreg [dreg:$0x1];
	p0 =	sne.s32 s2, $0x0  }
0xdd: {  	s3 =	rddreg [dreg:$0x2];
	[bflag:$0x3] =	sbarrier.arrive $0xFFFF;
	s2 =	simm.s32 @!p0 $0x1C05  }
0xde: {  	[timem:s3], [sflag:s2] =	dma.local @!p0 [hbm:s0], s1  }
0xdf: {  	s0 =	simm.s32 @!p0 $0x5  }
0xe0: {  	_ =	swait.ge @!p0 [sflag:s0], s1  }
0xe1: {  	s1 =	ssub.s32 @!p0 $0x0, s1;
	[sflag:s0] =	ssyncset.done @!p0 $0x0  }
0xe2: {  	[sflag:s0] =	ssyncadd.s32 @!p0 s1  }
0xe3: {  	[bflag:$0x3] =	sbarrier.arrive $0xFFFF  }
0xe4: {  	_ =	shalt  }

</sc_bundles>
